<compile_context>
chip_gen: v7x
topology: tpu7x:2x2x1
jax: 0.10.2.dev20260603
libtpu: 0.0.44.dev20260713+nightly
codegen_flags: <defaults>
</compile_context>

<pallas_src>
import functools

import jax
import jax.numpy as jnp
from jax import lax
from jax.experimental import pallas as pl
from jax.experimental.pallas import tpu as pltpu
from jax.experimental.pallas import tpu_sc as plsc

NUM_EMB = 100000
NUM_NEW = 128
FEAT = 64
NC, NS, LANES = 2, 16, 16
NW = NC * NS
XROWS, XCOLS = 16384, 50
PADF = 128
HPAD = 56
ROWS_PER_CHUNK = 16
CHUNK = ROWS_PER_CHUNK * XCOLS
GROUPS = CHUNK // LANES
ROWS_PER_W = XROWS // NW
N_CHUNKS = ROWS_PER_W // ROWS_PER_CHUNK
NBUF = 2


def _emb_body(emb, new, idx, out, new_v, idx2d_v, rg_v, cg_v, idxo_v, idxc_v,
              rows_v, gsems, ssems, isems):
    wid = lax.axis_index("s") * NC + lax.axis_index("c")
    row0 = wid * ROWS_PER_W
    pltpu.sync_copy(new, new_v)

    def mk_tables(j, c):
        p = j * LANES + lax.iota(jnp.int32, LANES)
        rg_v[pl.ds(j * LANES, LANES)] = p // XCOLS
        cg_v[pl.ds(j * LANES, LANES)] = p % XCOLS
        return c

    lax.fori_loop(0, GROUPS, mk_tables, 0)
    for b0 in range(NBUF):
        pltpu.async_copy(idx.at[pl.ds(row0 + b0 * ROWS_PER_CHUNK,
                                      ROWS_PER_CHUNK)], idx2d_v[b0], isems[b0])

    def store_chunk(g, b, sem):
        r0 = row0 + g * ROWS_PER_CHUNK
        for k in range(ROWS_PER_CHUNK):
            pltpu.async_copy(
                rows_v[b].at[pl.ds(k * XCOLS, XCOLS), :],
                out.at[pl.ds((r0 + k) * HPAD, XCOLS), pl.ds(0, FEAT)], sem)

    def drain_chunk(b, sem):
        for k in range(ROWS_PER_CHUNK):
            pltpu.make_async_copy(
                rows_v[b].at[pl.ds(k * XCOLS, XCOLS), :],
                out.at[pl.ds(row0 * HPAD, XCOLS), pl.ds(0, FEAT)], sem).wait()

    def idx_slice(g):
        return idx.at[pl.ds(row0 + g * ROWS_PER_CHUNK, ROWS_PER_CHUNK)]

    def prep(g, b):
        pltpu.make_async_copy(idx_slice(g), idx2d_v[b], isems[b]).wait()

        def flatten(j, c):
            s = pl.ds(j * LANES, LANES)
            iv = plsc.load_gather(idx2d_v[b], [rg_v[s], cg_v[s]])
            idxo_v[b][s] = iv
            idxc_v[b][s] = jnp.minimum(iv, NUM_EMB - 1)
            return c

        lax.fori_loop(0, GROUPS, flatten, 0)

        @pl.when(g + NBUF < N_CHUNKS)
        def _():
            pltpu.async_copy(idx_slice(g + NBUF), idx2d_v[b], isems[b])

        @pl.when(g >= NBUF)
        def _():
            drain_chunk(b, ssems[b])

        pltpu.async_copy(emb.at[idxc_v[b]], rows_v[b], gsems[b])

    def fixup(b):
        def fix_group(j, c):
            iv = idxo_v[b][pl.ds(j * LANES, LANES)]
            m = iv >= NUM_EMB
            gmax = jnp.max(iv)

            @pl.when(gmax >= NUM_EMB)
            def _():
                rn = jnp.clip(iv - NUM_EMB, 0, NUM_NEW - 1)
                rowpos = j * LANES + lax.iota(jnp.int32, LANES)

                def fix_col(col, cc):
                    csplat = jnp.full((LANES,), col, jnp.int32)
                    vals = plsc.load_gather(new_v, [rn, csplat])
                    plsc.store_scatter(rows_v[b], [rowpos, csplat], vals,
                                       mask=m)
                    return cc

                lax.fori_loop(0, FEAT, fix_col, 0)

            return c

        lax.fori_loop(0, GROUPS, fix_group, 0)

    def finish(g, b):
        pltpu.make_async_copy(emb.at[idxc_v[b]], rows_v[b], gsems[b]).wait()
        fixup(b)
        store_chunk(g, b, ssems[b])

    def pair(t, carry):
        for b in range(NBUF):
            g = NBUF * t + b

            prep(g, b)

            @pl.when(g >= 1)
            def _():
                finish(g - 1, (b - 1) % NBUF)

        return carry

    lax.fori_loop(0, N_CHUNKS // NBUF, pair, 0)
    last = N_CHUNKS - 1
    lb = last % NBUF
    pltpu.make_async_copy(emb.at[idxc_v[lb]], rows_v[lb], gsems[lb]).wait()
    fixup(lb)
    store_chunk(last, lb, ssems[lb])
    drain_chunk(1 - lb, ssems[1 - lb])
    drain_chunk(lb, ssems[lb])


_emb_kernel = functools.partial(
    pl.kernel,
    out_type=jax.ShapeDtypeStruct((XROWS * HPAD, PADF), jnp.float32),
    mesh=plsc.VectorSubcoreMesh(
        core_axis_name="c", subcore_axis_name="s",
        num_cores=NC, num_subcores=NS,
    ),
    compiler_params=pltpu.CompilerParams(
        use_tc_tiling_on_sc=False, needs_layout_passes=False),
    scratch_types=[
        pltpu.VMEM((NUM_NEW, FEAT), jnp.float32),
        [pltpu.VMEM((ROWS_PER_CHUNK, XCOLS), jnp.int32)] * NBUF,
        pltpu.VMEM((CHUNK,), jnp.int32),
        pltpu.VMEM((CHUNK,), jnp.int32),
        [pltpu.VMEM((CHUNK,), jnp.int32)] * NBUF,
        [pltpu.VMEM((CHUNK,), jnp.int32)] * NBUF,
        [pltpu.VMEM((CHUNK, FEAT), jnp.float32)] * NBUF,
        [pltpu.SemaphoreType.DMA] * NBUF,
        [pltpu.SemaphoreType.DMA] * NBUF,
        [pltpu.SemaphoreType.DMA] * NBUF,
    ],
)(_emb_body)


def kernel(x, embedding, new_embedding):
    out = _emb_kernel(embedding, new_embedding, x.astype(jnp.int32))
    return out.reshape(XROWS, HPAD, PADF)[:, :XCOLS, :FEAT]

# --- scband reference (transcript-rebuilt; emitter-appended) ---
"""Pipeline reference for scband-molmo2-embedding-10711648436669 (READ-ONLY COPY).

The authoritative reference and input builder live on the scoring server;
editing this copy changes nothing except your own understanding.
"""

import jax, jax.numpy as jnp
import numpy as np

NUM_EMBEDDINGS = 100000
NUM_NEW_EMBEDDINGS = 128
FEATURES = 64
BATCH = 16384
HIST_LEN = 50


def setup_inputs(seed: int = 0) -> dict:
    key = jax.random.key(seed)
    k_idx, k_emb, k_new = jax.random.split(key, 3)
    x = jax.random.randint(k_idx, (BATCH, HIST_LEN), 0, NUM_EMBEDDINGS + NUM_NEW_EMBEDDINGS, dtype=jnp.int64)
    # Original module initializes params to zeros; use random values so the
    # computation is non-degenerate while the math stays identical.
    embedding = jax.random.normal(k_emb, (NUM_EMBEDDINGS, FEATURES), dtype=jnp.float32) * 0.02
    new_embedding = jax.random.normal(k_new, (NUM_NEW_EMBEDDINGS, FEATURES), dtype=jnp.float32) * 0.02
    return {"x": x, "embedding": embedding, "new_embedding": new_embedding}


def reference(x, embedding, new_embedding):
    # Faithful translation of: F.embedding(x, torch.cat([embedding, new_embedding], dim=0))
    table = jnp.concatenate([embedding, new_embedding], axis=0)
    return jnp.take(table, x, axis=0)

if __name__ == "__main__":
    import jax
    _d = setup_inputs()
    print(jax.jit(kernel)(*tuple(_d.values())))

</pallas_src>

<mosaic_0001>
#map = affine_map<(d0, d1) -> (0, 0)>
module attributes {stable_mosaic.version = 14 : i64} {
  func.func @_emb_body(%arg0: i32, %arg1: i32, %arg2: memref<100000x64xf32, #tpu.memory_space<hbm>>, %arg3: memref<128x64xf32, #tpu.memory_space<hbm>>, %arg4: memref<16384x50xi32, #tpu.memory_space<hbm>>, %arg5: memref<917504x128xf32, #tpu.memory_space<hbm>>, %arg6: memref<128x64xf32, #tpu.memory_space<vmem>>, %arg7: memref<16x50xi32, #tpu.memory_space<vmem>>, %arg8: memref<16x50xi32, #tpu.memory_space<vmem>>, %arg9: memref<800xi32, #tpu.memory_space<vmem>>, %arg10: memref<800xi32, #tpu.memory_space<vmem>>, %arg11: memref<800xi32, #tpu.memory_space<vmem>>, %arg12: memref<800xi32, #tpu.memory_space<vmem>>, %arg13: memref<800xi32, #tpu.memory_space<vmem>>, %arg14: memref<800xi32, #tpu.memory_space<vmem>>, %arg15: memref<800x64xf32, #tpu.memory_space<vmem>>, %arg16: memref<800x64xf32, #tpu.memory_space<vmem>>, %arg17: memref<!tpu.dma_semaphore, #tpu.memory_space<semaphore_mem>>, %arg18: memref<!tpu.dma_semaphore, #tpu.memory_space<semaphore_mem>>, %arg19: memref<!tpu.dma_semaphore, #tpu.memory_space<semaphore_mem>>, %arg20: memref<!tpu.dma_semaphore, #tpu.memory_space<semaphore_mem>>, %arg21: memref<!tpu.dma_semaphore, #tpu.memory_space<semaphore_mem>>, %arg22: memref<!tpu.dma_semaphore, #tpu.memory_space<semaphore_mem>>) attributes {dimension_semantics = [#tpu.dimension_semantics<core_parallel>, #tpu.dimension_semantics<subcore_parallel>], iteration_bounds = array<i64: 2, 16>, scalar_prefetch = 0 : i64, scratch_operands = 17 : i64, tpu.core_type = #tpu.core_type<sc_vector_subcore>, window_params = [{transform_indices = #map}, {transform_indices = #map}, {transform_indices = #map}, {transform_indices = #map}]} {
    %mul3A = arith.constant 2 : i32
    %mul3A_0 = arith.muli %arg1, %mul3A : i32
    %add3A = arith.addi %mul3A_0, %arg0 : i32
    %mul3A_1 = arith.constant 512 : i32
    %mul3A_2 = arith.muli %add3A, %mul3A_1 : i32
    "tpu.region"() ({
      %run_scoped3A = tpu.sem_alloc : memref<!tpu.dma_semaphore, #tpu.memory_space<semaphore_mem>>
      tpu.enqueue_dma source(%arg3 : memref<128x64xf32, #tpu.memory_space<hbm>>) target(%arg6 : memref<128x64xf32, #tpu.memory_space<vmem>>) target_semaphore(%run_scoped3A : memref<!tpu.dma_semaphore, #tpu.memory_space<semaphore_mem>>)
      tpu.wait_dma2 semaphore(%run_scoped3A : memref<!tpu.dma_semaphore, #tpu.memory_space<semaphore_mem>>) src(%arg3 : memref<128x64xf32, #tpu.memory_space<hbm>>) dst(%arg6 : memref<128x64xf32, #tpu.memory_space<vmem>>)
      tpu.yield
    }) : () -> ()
    %scan3A = arith.constant 0 : i32
    %scan3A_3 = arith.constant 0 : i32
    %scan3A_4 = arith.constant 50 : i32
    %scan3A_5 = arith.addi %scan3A_3, %scan3A_4 : i32
    %scan3A_6 = arith.constant 1 : i32
    scf.for %scan3A_643 = %scan3A_3 to %scan3A_5 step %scan3A_6  : i32 {
      %mul3A_644 = arith.constant 16 : i32
      %mul3A_645 = arith.muli %scan3A_643, %mul3A_644 : i32
      %iota3A = tpu.iota {dimensions = array<i32: 0>} : vector<16xi32>
      %add3A_646 = vector.broadcast %mul3A_645 : i32 to vector<16xi32>
      %add3A_647 = arith.addi %add3A_646, %iota3A : vector<16xi32>
      %jit3A = arith.constant 50 : i32
      %div3A = vector.broadcast %jit3A : i32 to vector<16xi32>
      %div3A_648 = arith.divsi %add3A_647, %div3A : vector<16xi32>
      %sign3A = arith.constant 0 : i32
      %sign3A_649 = vector.broadcast %sign3A : i32 to vector<16xi32>
      %sign3A_650 = arith.cmpi sgt, %add3A_647, %sign3A_649 : vector<16xi32>
      %sign3A_651 = arith.extui %sign3A_650 : vector<16xi1> to vector<16xi32>
      %sign3A_652 = arith.constant 0 : i32
      %sign3A_653 = vector.broadcast %sign3A_652 : i32 to vector<16xi32>
      %sign3A_654 = arith.cmpi slt, %add3A_647, %sign3A_653 : vector<16xi32>
      %sign3A_655 = arith.extui %sign3A_654 : vector<16xi1> to vector<16xi32>
      %sign3A_656 = arith.subi %sign3A_651, %sign3A_655 : vector<16xi32>
      %sign3A_657 = arith.constant 0 : i32
      %sign3A_658 = arith.cmpi sgt, %jit3A, %sign3A_657 : i32
      %sign3A_659 = arith.extui %sign3A_658 : i1 to i32
      %sign3A_660 = arith.constant 0 : i32
      %sign3A_661 = arith.cmpi slt, %jit3A, %sign3A_660 : i32
      %sign3A_662 = arith.extui %sign3A_661 : i1 to i32
      %sign3A_663 = arith.subi %sign3A_659, %sign3A_662 : i32
      %ne3A = vector.broadcast %sign3A_663 : i32 to vector<16xi32>
      %ne3A_664 = arith.cmpi ne, %sign3A_656, %ne3A : vector<16xi32>
      %rem3A = vector.broadcast %jit3A : i32 to vector<16xi32>
      %rem3A_665 = arith.remsi %add3A_647, %rem3A : vector<16xi32>
      %ne3A_666 = arith.constant 0 : i32
      %ne3A_667 = vector.broadcast %ne3A_666 : i32 to vector<16xi32>
      %ne3A_668 = arith.cmpi ne, %rem3A_665, %ne3A_667 : vector<16xi32>
      %and3A = arith.andi %ne3A_664, %ne3A_668 : vector<16xi1>
      %sub3A = arith.constant 1 : i32
      %sub3A_669 = vector.broadcast %sub3A : i32 to vector<16xi32>
      %sub3A_670 = arith.subi %div3A_648, %sub3A_669 : vector<16xi32>
      %select_n3A = arith.select %and3A, %sub3A_670, %div3A_648 : vector<16xi1>, vector<16xi32>
      %mul3A_671 = arith.constant 16 : i32
      %mul3A_672 = arith.muli %scan3A_643, %mul3A_671 : i32
      %swap3A = arith.index_cast %mul3A_672 : i32 to index
      %swap3A_673 = tpu.vector_load %arg9[%swap3A] {strides = array<i32>} : memref<800xi32, #tpu.memory_space<vmem>>, vector<16xi32>,
      tpu.vector_store %arg9[%swap3A], %select_n3A {strides = array<i32>} : memref<800xi32, #tpu.memory_space<vmem>>, vector<16xi32>,
      %jit3A_674 = arith.constant 50 : i32
      %eq3A = arith.constant 0 : i32
      %eq3A_675 = arith.cmpi eq, %jit3A_674, %eq3A : i32
      %jit3A_676 = arith.constant 1 : i32
      %select_n3A_677 = arith.select %eq3A_675, %jit3A_676, %jit3A_674 : i32
      %rem3A_678 = vector.broadcast %select_n3A_677 : i32 to vector<16xi32>
      %rem3A_679 = arith.remsi %add3A_647, %rem3A_678 : vector<16xi32>
      %ne3A_680 = arith.constant 0 : i32
      %ne3A_681 = vector.broadcast %ne3A_680 : i32 to vector<16xi32>
      %ne3A_682 = arith.cmpi ne, %rem3A_679, %ne3A_681 : vector<16xi32>
      %lt3A = arith.constant 0 : i32
      %lt3A_683 = vector.broadcast %lt3A : i32 to vector<16xi32>
      %lt3A_684 = arith.cmpi slt, %rem3A_679, %lt3A_683 : vector<16xi32>
      %lt3A_685 = arith.constant 0 : i32
      %lt3A_686 = arith.cmpi slt, %select_n3A_677, %lt3A_685 : i32
      %ne3A_687 = vector.broadcast %lt3A_686 : i1 to vector<16xi1>
      %ne3A_688 = vector.broadcast %ne3A_687 : vector<16xi1> to vector<16xi1>
      %ne3A_689 = arith.xori %lt3A_684, %ne3A_688 : vector<16xi1>
      %and3A_690 = arith.andi %ne3A_689, %ne3A_682 : vector<16xi1>
      %add3A_691 = vector.broadcast %select_n3A_677 : i32 to vector<16xi32>
      %add3A_692 = arith.addi %rem3A_679, %add3A_691 : vector<16xi32>
      %select_n3A_693 = arith.select %and3A_690, %add3A_692, %rem3A_679 : vector<16xi1>, vector<16xi32>
      %mul3A_694 = arith.constant 16 : i32
      %mul3A_695 = arith.muli %scan3A_643, %mul3A_694 : i32
      %swap3A_696 = arith.index_cast %mul3A_695 : i32 to index
      %swap3A_697 = tpu.vector_load %arg10[%swap3A_696] {strides = array<i32>} : memref<800xi32, #tpu.memory_space<vmem>>, vector<16xi32>,
      tpu.vector_store %arg10[%swap3A_696], %select_n3A_693 {strides = array<i32>} : memref<800xi32, #tpu.memory_space<vmem>>, vector<16xi32>,
    }
    %scan3A_7 = arith.constant 50 : i32
    %add3A_8 = arith.constant 0 : i32
    %add3A_9 = arith.addi %mul3A_2, %add3A_8 : i32
    %dma_start3A = arith.constant 0 : i32
    %dma_start3A_10 = tpu.memref_slice %arg4[%add3A_9, %dma_start3A] : memref<16384x50xi32, #tpu.memory_space<hbm>> -> memref<16x50xi32, #tpu.memory_space<hbm>>
    %dma_start3A_11 = arith.constant 0 : i32
    %dma_start3A_12 = tpu.memref_slice %arg4[%add3A_9, %dma_start3A_11] : memref<16384x50xi32, #tpu.memory_space<hbm>> -> memref<16x50xi32, #tpu.memory_space<hbm>>
    tpu.enqueue_dma source(%dma_start3A_12 : memref<16x50xi32, #tpu.memory_space<hbm>>) target(%arg7 : memref<16x50xi32, #tpu.memory_space<vmem>>) target_semaphore(%arg21 : memref<!tpu.dma_semaphore, #tpu.memory_space<semaphore_mem>>)
    %add3A_13 = arith.constant 16 : i32
    %add3A_14 = arith.addi %mul3A_2, %add3A_13 : i32
    %dma_start3A_15 = arith.constant 0 : i32
    %dma_start3A_16 = tpu.memref_slice %arg4[%add3A_14, %dma_start3A_15] : memref<16384x50xi32, #tpu.memory_space<hbm>> -> memref<16x50xi32, #tpu.memory_space<hbm>>
    %dma_start3A_17 = arith.constant 0 : i32
    %dma_start3A_18 = tpu.memref_slice %arg4[%add3A_14, %dma_start3A_17] : memref<16384x50xi32, #tpu.memory_space<hbm>> -> memref<16x50xi32, #tpu.memory_space<hbm>>
    tpu.enqueue_dma source(%dma_start3A_18 : memref<16x50xi32, #tpu.memory_space<hbm>>) target(%arg8 : memref<16x50xi32, #tpu.memory_space<vmem>>) target_semaphore(%arg22 : memref<!tpu.dma_semaphore, #tpu.memory_space<semaphore_mem>>)
    %scan3A_19 = arith.constant 0 : i32
    %scan3A_20 = arith.constant 0 : i32
    %scan3A_21 = arith.constant 16 : i32
    %scan3A_22 = arith.addi %scan3A_20, %scan3A_21 : i32
    %scan3A_23 = arith.constant 1 : i32
    scf.for %scan3A_643 = %scan3A_20 to %scan3A_22 step %scan3A_23  : i32 {
      %mul3A_644 = arith.constant 2 : i32
      %mul3A_645 = arith.muli %mul3A_644, %scan3A_643 : i32
      %add3A_646 = arith.constant 0 : i32
      %add3A_647 = arith.addi %mul3A_645, %add3A_646 : i32
      %mul3A_648 = arith.constant 16 : i32
      %mul3A_649 = arith.muli %add3A_647, %mul3A_648 : i32
      %add3A_650 = arith.addi %mul3A_2, %mul3A_649 : i32
      %dma_wait3A_651 = arith.constant 0 : i32
      %dma_wait3A_652 = tpu.memref_slice %arg4[%add3A_650, %dma_wait3A_651] : memref<16384x50xi32, #tpu.memory_space<hbm>> -> memref<16x50xi32, #tpu.memory_space<hbm>>
      %dma_wait3A_653 = arith.constant 0 : i32
      %dma_wait3A_654 = tpu.memref_slice %arg4[%add3A_650, %dma_wait3A_653] : memref<16384x50xi32, #tpu.memory_space<hbm>> -> memref<16x50xi32, #tpu.memory_space<hbm>>
      tpu.wait_dma2 semaphore(%arg21 : memref<!tpu.dma_semaphore, #tpu.memory_space<semaphore_mem>>) src(%dma_wait3A_654 : memref<16x50xi32, #tpu.memory_space<hbm>>) dst(%arg7 : memref<16x50xi32, #tpu.memory_space<vmem>>)
      %scan3A_655 = arith.constant 0 : i32
      %scan3A_656 = arith.constant 0 : i32
      %scan3A_657 = arith.constant 50 : i32
      %scan3A_658 = arith.addi %scan3A_656, %scan3A_657 : i32
      %scan3A_659 = arith.constant 1 : i32
      scf.for %scan3A_714 = %scan3A_656 to %scan3A_658 step %scan3A_659  : i32 {
        %mul3A_715 = arith.constant 16 : i32
        %mul3A_716 = arith.muli %scan3A_714, %mul3A_715 : i32
        %get3A = arith.index_cast %mul3A_716 : i32 to index
        %get3A_717 = tpu.vector_load %arg9[%get3A] {strides = array<i32>} : memref<800xi32, #tpu.memory_space<vmem>>, vector<16xi32>,
        %get3A_718 = arith.index_cast %mul3A_716 : i32 to index
        %get3A_719 = tpu.vector_load %arg10[%get3A_718] {strides = array<i32>} : memref<800xi32, #tpu.memory_space<vmem>>, vector<16xi32>,
        %gather3A = tpu.vector_load_idx %arg7[%get3A_717, %get3A_719] : memref<16x50xi32, #tpu.memory_space<vmem>>[vector<16xi32>, vector<16xi32>], vector<16xi32>,
        %swap3A = arith.index_cast %mul3A_716 : i32 to index
        %swap3A_720 = tpu.vector_load %arg11[%swap3A] {strides = array<i32>} : memref<800xi32, #tpu.memory_space<vmem>>, vector<16xi32>,
        tpu.vector_store %arg11[%swap3A], %gather3A {strides = array<i32>} : memref<800xi32, #tpu.memory_space<vmem>>, vector<16xi32>,
        %min3A = arith.constant 99999 : i32
        %min3A_721 = vector.broadcast %min3A : i32 to vector<16xi32>
        %min3A_722 = arith.minsi %gather3A, %min3A_721 : vector<16xi32>
        %swap3A_723 = arith.index_cast %mul3A_716 : i32 to index
        %swap3A_724 = tpu.vector_load %arg13[%swap3A_723] {strides = array<i32>} : memref<800xi32, #tpu.memory_space<vmem>>, vector<16xi32>,
        tpu.vector_store %arg13[%swap3A_723], %min3A_722 {strides = array<i32>} : memref<800xi32, #tpu.memory_space<vmem>>, vector<16xi32>,
      }
      %scan3A_660 = arith.constant 50 : i32
      %add3A_661 = arith.constant 2 : i32
      %add3A_662 = arith.addi %add3A_647, %add3A_661 : i32
      %lt3A = arith.constant 32 : i32
      %lt3A_663 = arith.cmpi slt, %add3A_662, %lt3A : i32
      %convert_element_type3A = arith.extui %lt3A_663 : i1 to i32
      %cond3A = arith.constant 0 : i32
      %cond3A_664 = arith.cmpi ne, %convert_element_type3A, %cond3A : i32
      scf.if %cond3A_664 {
        %add3A_714 = arith.constant 2 : i32
        %add3A_715 = arith.addi %add3A_647, %add3A_714 : i32
        %mul3A_716 = arith.constant 16 : i32
        %mul3A_717 = arith.muli %add3A_715, %mul3A_716 : i32
        %add3A_718 = arith.addi %mul3A_2, %mul3A_717 : i32
        %dma_start3A_719 = arith.constant 0 : i32
        %dma_start3A_720 = tpu.memref_slice %arg4[%add3A_718, %dma_start3A_719] : memref<16384x50xi32, #tpu.memory_space<hbm>> -> memref<16x50xi32, #tpu.memory_space<hbm>>
        %dma_start3A_721 = arith.constant 0 : i32
        %dma_start3A_722 = tpu.memref_slice %arg4[%add3A_718, %dma_start3A_721] : memref<16384x50xi32, #tpu.memory_space<hbm>> -> memref<16x50xi32, #tpu.memory_space<hbm>>
        tpu.enqueue_dma source(%dma_start3A_722 : memref<16x50xi32, #tpu.memory_space<hbm>>) target(%arg7 : memref<16x50xi32, #tpu.memory_space<vmem>>) target_semaphore(%arg21 : memref<!tpu.dma_semaphore, #tpu.memory_space<semaphore_mem>>)
      } else {
      }
      %ge3A = arith.constant 2 : i32
      %ge3A_665 = arith.cmpi sge, %add3A_647, %ge3A : i32
      %convert_element_type3A_666 = arith.extui %ge3A_665 : i1 to i32
      %cond3A_667 = arith.constant 0 : i32
      %cond3A_668 = arith.cmpi ne, %convert_element_type3A_666, %cond3A_667 : i32
      scf.if %cond3A_668 {
        %mul3A_714 = arith.constant 56 : i32
        %mul3A_715 = arith.muli %mul3A_2, %mul3A_714 : i32
        %dma_wait3A_716 = arith.constant 0 : i32
        %dma_wait3A_717 = arith.constant 0 : i32
        %dma_wait3A_718 = tpu.memref_slice %arg15[%dma_wait3A_716, %dma_wait3A_717] : memref<800x64xf32, #tpu.memory_space<vmem>> -> memref<50x64xf32, #tpu.memory_space<vmem>>
        %dma_wait3A_719 = arith.constant 0 : i32
        %dma_wait3A_720 = tpu.memref_slice %arg5[%mul3A_715, %dma_wait3A_719] : memref<917504x128xf32, #tpu.memory_space<hbm>> -> memref<50x64xf32, #tpu.memory_space<hbm>>
        %dma_wait3A_721 = arith.constant 0 : i32
        %dma_wait3A_722 = tpu.memref_slice %arg5[%mul3A_715, %dma_wait3A_721] : memref<917504x128xf32, #tpu.memory_space<hbm>> -> memref<50x64xf32, #tpu.memory_space<hbm>>
        %dma_wait3A_723 = arith.constant 0 : i32
        %dma_wait3A_724 = arith.constant 0 : i32
        %dma_wait3A_725 = tpu.memref_slice %arg15[%dma_wait3A_723, %dma_wait3A_724] : memref<800x64xf32, #tpu.memory_space<vmem>> -> memref<50x64xf32, #tpu.memory_space<vmem>>
        tpu.wait_dma2 semaphore(%arg19 : memref<!tpu.dma_semaphore, #tpu.memory_space<semaphore_mem>>) src(%dma_wait3A_725 : memref<50x64xf32, #tpu.memory_space<vmem>>) dst(%dma_wait3A_722 : memref<50x64xf32, #tpu.memory_space<hbm>>)
        %mul3A_726 = arith.constant 56 : i32
        %mul3A_727 = arith.muli %mul3A_2, %mul3A_726 : i32
        %dma_wait3A_728 = arith.constant 50 : i32
        %dma_wait3A_729 = arith.constant 0 : i32
        %dma_wait3A_730 = tpu.memref_slice %arg15[%dma_wait3A_728, %dma_wait3A_729] : memref<800x64xf32, #tpu.memory_space<vmem>> -> memref<50x64xf32, #tpu.memory_space<vmem>>
        %dma_wait3A_731 = arith.constant 0 : i32
        %dma_wait3A_732 = tpu.memref_slice %arg5[%mul3A_727, %dma_wait3A_731] : memref<917504x128xf32, #tpu.memory_space<hbm>> -> memref<50x64xf32, #tpu.memory_space<hbm>>
        %dma_wait3A_733 = arith.constant 0 : i32
        %dma_wait3A_734 = tpu.memref_slice %arg5[%mul3A_727, %dma_wait3A_733] : memref<917504x128xf32, #tpu.memory_space<hbm>> -> memref<50x64xf32, #tpu.memory_space<hbm>>
        %dma_wait3A_735 = arith.constant 50 : i32
        %dma_wait3A_736 = arith.constant 0 : i32
        %dma_wait3A_737 = tpu.memref_slice %arg15[%dma_wait3A_735, %dma_wait3A_736] : memref<800x64xf32, #tpu.memory_space<vmem>> -> memref<50x64xf32, #tpu.memory_space<vmem>>
        tpu.wait_dma2 semaphore(%arg19 : memref<!tpu.dma_semaphore, #tpu.memory_space<semaphore_mem>>) src(%dma_wait3A_737 : memref<50x64xf32, #tpu.memory_space<vmem>>) dst(%dma_wait3A_734 : memref<50x64xf32, #tpu.memory_space<hbm>>)
        %mul3A_738 = arith.constant 56 : i32
        %mul3A_739 = arith.muli %mul3A_2, %mul3A_738 : i32
        %dma_wait3A_740 = arith.constant 100 : i32
        %dma_wait3A_741 = arith.constant 0 : i32
        %dma_wait3A_742 = tpu.memref_slice %arg15[%dma_wait3A_740, %dma_wait3A_741] : memref<800x64xf32, #tpu.memory_space<vmem>> -> memref<50x64xf32, #tpu.memory_space<vmem>>
        %dma_wait3A_743 = arith.constant 0 : i32
        %dma_wait3A_744 = tpu.memref_slice %arg5[%mul3A_739, %dma_wait3A_743] : memref<917504x128xf32, #tpu.memory_space<hbm>> -> memref<50x64xf32, #tpu.memory_space<hbm>>
        %dma_wait3A_745 = arith.constant 0 : i32
        %dma_wait3A_746 = tpu.memref_slice %arg5[%mul3A_739, %dma_wait3A_745] : memref<917504x128xf32, #tpu.memory_space<hbm>> -> memref<50x64xf32, #tpu.memory_space<hbm>>
        %dma_wait3A_747 = arith.constant 100 : i32
        %dma_wait3A_748 = arith.constant 0 : i32
        %dma_wait3A_749 = tpu.memref_slice %arg15[%dma_wait3A_747, %dma_wait3A_748] : memref<800x64xf32, #tpu.memory_space<vmem>> -> memref<50x64xf32, #tpu.memory_space<vmem>>
        tpu.wait_dma2 semaphore(%arg19 : memref<!tpu.dma_semaphore, #tpu.memory_space<semaphore_mem>>) src(%dma_wait3A_749 : memref<50x64xf32, #tpu.memory_space<vmem>>) dst(%dma_wait3A_746 : memref<50x64xf32, #tpu.memory_space<hbm>>)
        %mul3A_750 = arith.constant 56 : i32
        %mul3A_751 = arith.muli %mul3A_2, %mul3A_750 : i32
        %dma_wait3A_752 = arith.constant 150 : i32
        %dma_wait3A_753 = arith.constant 0 : i32
        %dma_wait3A_754 = tpu.memref_slice %arg15[%dma_wait3A_752, %dma_wait3A_753] : memref<800x64xf32, #tpu.memory_space<vmem>> -> memref<50x64xf32, #tpu.memory_space<vmem>>
        %dma_wait3A_755 = arith.constant 0 : i32
        %dma_wait3A_756 = tpu.memref_slice %arg5[%mul3A_751, %dma_wait3A_755] : memref<917504x128xf32, #tpu.memory_space<hbm>> -> memref<50x64xf32, #tpu.memory_space<hbm>>
        %dma_wait3A_757 = arith.constant 0 : i32
        %dma_wait3A_758 = tpu.memref_slice %arg5[%mul3A_751, %dma_wait3A_757] : memref<917504x128xf32, #tpu.memory_space<hbm>> -> memref<50x64xf32, #tpu.memory_space<hbm>>
        %dma_wait3A_759 = arith.constant 150 : i32
        %dma_wait3A_760 = arith.constant 0 : i32
        %dma_wait3A_761 = tpu.memref_slice %arg15[%dma_wait3A_759, %dma_wait3A_760] : memref<800x64xf32, #tpu.memory_space<vmem>> -> memref<50x64xf32, #tpu.memory_space<vmem>>
        tpu.wait_dma2 semaphore(%arg19 : memref<!tpu.dma_semaphore, #tpu.memory_space<semaphore_mem>>) src(%dma_wait3A_761 : memref<50x64xf32, #tpu.memory_space<vmem>>) dst(%dma_wait3A_758 : memref<50x64xf32, #tpu.memory_space<hbm>>)
        %mul3A_762 = arith.constant 56 : i32
        %mul3A_763 = arith.muli %mul3A_2, %mul3A_762 : i32
        %dma_wait3A_764 = arith.constant 200 : i32
        %dma_wait3A_765 = arith.constant 0 : i32
        %dma_wait3A_766 = tpu.memref_slice %arg15[%dma_wait3A_764, %dma_wait3A_765] : memref<800x64xf32, #tpu.memory_space<vmem>> -> memref<50x64xf32, #tpu.memory_space<vmem>>
        %dma_wait3A_767 = arith.constant 0 : i32
        %dma_wait3A_768 = tpu.memref_slice %arg5[%mul3A_763, %dma_wait3A_767] : memref<917504x128xf32, #tpu.memory_space<hbm>> -> memref<50x64xf32, #tpu.memory_space<hbm>>
        %dma_wait3A_769 = arith.constant 0 : i32
        %dma_wait3A_770 = tpu.memref_slice %arg5[%mul3A_763, %dma_wait3A_769] : memref<917504x128xf32, #tpu.memory_space<hbm>> -> memref<50x64xf32, #tpu.memory_space<hbm>>
        %dma_wait3A_771 = arith.constant 200 : i32
        %dma_wait3A_772 = arith.constant 0 : i32
        %dma_wait3A_773 = tpu.memref_slice %arg15[%dma_wait3A_771, %dma_wait3A_772] : memref<800x64xf32, #tpu.memory_space<vmem>> -> memref<50x64xf32, #tpu.memory_space<vmem>>
        tpu.wait_dma2 semaphore(%arg19 : memref<!tpu.dma_semaphore, #tpu.memory_space<semaphore_mem>>) src(%dma_wait3A_773 : memref<50x64xf32, #tpu.memory_space<vmem>>) dst(%dma_wait3A_770 : memref<50x64xf32, #tpu.memory_space<hbm>>)
        %mul3A_774 = arith.constant 56 : i32
        %mul3A_775 = arith.muli %mul3A_2, %mul3A_774 : i32
        %dma_wait3A_776 = arith.constant 250 : i32
        %dma_wait3A_777 = arith.constant 0 : i32
        %dma_wait3A_778 = tpu.memref_slice %arg15[%dma_wait3A_776, %dma_wait3A_777] : memref<800x64xf32, #tpu.memory_space<vmem>> -> memref<50x64xf32, #tpu.memory_space<vmem>>
        %dma_wait3A_779 = arith.constant 0 : i32
        %dma_wait3A_780 = tpu.memref_slice %arg5[%mul3A_775, %dma_wait3A_779] : memref<917504x128xf32, #tpu.memory_space<hbm>> -> memref<50x64xf32, #tpu.memory_space<hbm>>
        %dma_wait3A_781 = arith.constant 0 : i32
        %dma_wait3A_782 = tpu.memref_slice %arg5[%mul3A_775, %dma_wait3A_781] : memref<917504x128xf32, #tpu.memory_space<hbm>> -> memref<50x64xf32, #tpu.memory_space<hbm>>
        %dma_wait3A_783 = arith.constant 250 : i32
        %dma_wait3A_784 = arith.constant 0 : i32
        %dma_wait3A_785 = tpu.memref_slice %arg15[%dma_wait3A_783, %dma_wait3A_784] : memref<800x64xf32, #tpu.memory_space<vmem>> -> memref<50x64xf32, #tpu.memory_space<vmem>>
        tpu.wait_dma2 semaphore(%arg19 : memref<!tpu.dma_semaphore, #tpu.memory_space<semaphore_mem>>) src(%dma_wait3A_785 : memref<50x64xf32, #tpu.memory_space<vmem>>) dst(%dma_wait3A_782 : memref<50x64xf32, #tpu.memory_space<hbm>>)
        %mul3A_786 = arith.constant 56 : i32
        %mul3A_787 = arith.muli %mul3A_2, %mul3A_786 : i32
        %dma_wait3A_788 = arith.constant 300 : i32
        %dma_wait3A_789 = arith.constant 0 : i32
        %dma_wait3A_790 = tpu.memref_slice %arg15[%dma_wait3A_788, %dma_wait3A_789] : memref<800x64xf32, #tpu.memory_space<vmem>> -> memref<50x64xf32, #tpu.memory_space<vmem>>
        %dma_wait3A_791 = arith.constant 0 : i32
        %dma_wait3A_792 = tpu.memref_slice %arg5[%mul3A_787, %dma_wait3A_791] : memref<917504x128xf32, #tpu.memory_space<hbm>> -> memref<50x64xf32, #tpu.memory_space<hbm>>
        %dma_wait3A_793 = arith.constant 0 : i32
        %dma_wait3A_794 = tpu.memref_slice %arg5[%mul3A_787, %dma_wait3A_793] : memref<917504x128xf32, #tpu.memory_space<hbm>> -> memref<50x64xf32, #tpu.memory_space<hbm>>
        %dma_wait3A_795 = arith.constant 300 : i32
        %dma_wait3A_796 = arith.constant 0 : i32
        %dma_wait3A_797 = tpu.memref_slice %arg15[%dma_wait3A_795, %dma_wait3A_796] : memref<800x64xf32, #tpu.memory_space<vmem>> -> memref<50x64xf32, #tpu.memory_space<vmem>>
        tpu.wait_dma2 semaphore(%arg19 : memref<!tpu.dma_semaphore, #tpu.memory_space<semaphore_mem>>) src(%dma_wait3A_797 : memref<50x64xf32, #tpu.memory_space<vmem>>) dst(%dma_wait3A_794 : memref<50x64xf32, #tpu.memory_space<hbm>>)
        %mul3A_798 = arith.constant 56 : i32
        %mul3A_799 = arith.muli %mul3A_2, %mul3A_798 : i32
        %dma_wait3A_800 = arith.constant 350 : i32
        %dma_wait3A_801 = arith.constant 0 : i32
        %dma_wait3A_802 = tpu.memref_slice %arg15[%dma_wait3A_800, %dma_wait3A_801] : memref<800x64xf32, #tpu.memory_space<vmem>> -> memref<50x64xf32, #tpu.memory_space<vmem>>
        %dma_wait3A_803 = arith.constant 0 : i32
        %dma_wait3A_804 = tpu.memref_slice %arg5[%mul3A_799, %dma_wait3A_803] : memref<917504x128xf32, #tpu.memory_space<hbm>> -> memref<50x64xf32, #tpu.memory_space<hbm>>
        %dma_wait3A_805 = arith.constant 0 : i32
        %dma_wait3A_806 = tpu.memref_slice %arg5[%mul3A_799, %dma_wait3A_805] : memref<917504x128xf32, #tpu.memory_space<hbm>> -> memref<50x64xf32, #tpu.memory_space<hbm>>
        %dma_wait3A_807 = arith.constant 350 : i32
        %dma_wait3A_808 = arith.constant 0 : i32
        %dma_wait3A_809 = tpu.memref_slice %arg15[%dma_wait3A_807, %dma_wait3A_808] : memref<800x64xf32, #tpu.memory_space<vmem>> -> memref<50x64xf32, #tpu.memory_space<vmem>>
        tpu.wait_dma2 semaphore(%arg19 : memref<!tpu.dma_semaphore, #tpu.memory_space<semaphore_mem>>) src(%dma_wait3A_809 : memref<50x64xf32, #tpu.memory_space<vmem>>) dst(%dma_wait3A_806 : memref<50x64xf32, #tpu.memory_space<hbm>>)
        %mul3A_810 = arith.constant 56 : i32
        %mul3A_811 = arith.muli %mul3A_2, %mul3A_810 : i32
        %dma_wait3A_812 = arith.constant 400 : i32
        %dma_wait3A_813 = arith.constant 0 : i32
        %dma_wait3A_814 = tpu.memref_slice %arg15[%dma_wait3A_812, %dma_wait3A_813] : memref<800x64xf32, #tpu.memory_space<vmem>> -> memref<50x64xf32, #tpu.memory_space<vmem>>
        %dma_wait3A_815 = arith.constant 0 : i32
        %dma_wait3A_816 = tpu.memref_slice %arg5[%mul3A_811, %dma_wait3A_815] : memref<917504x128xf32, #tpu.memory_space<hbm>> -> memref<50x64xf32, #tpu.memory_space<hbm>>
        %dma_wait3A_817 = arith.constant 0 : i32
        %dma_wait3A_818 = tpu.memref_slice %arg5[%mul3A_811, %dma_wait3A_817] : memref<917504x128xf32, #tpu.memory_space<hbm>> -> memref<50x64xf32, #tpu.memory_space<hbm>>
        %dma_wait3A_819 = arith.constant 400 : i32
        %dma_wait3A_820 = arith.constant 0 : i32
        %dma_wait3A_821 = tpu.memref_slice %arg15[%dma_wait3A_819, %dma_wait3A_820] : memref<800x64xf32, #tpu.memory_space<vmem>> -> memref<50x64xf32, #tpu.memory_space<vmem>>
        tpu.wait_dma2 semaphore(%arg19 : memref<!tpu.dma_semaphore, #tpu.memory_space<semaphore_mem>>) src(%dma_wait3A_821 : memref<50x64xf32, #tpu.memory_space<vmem>>) dst(%dma_wait3A_818 : memref<50x64xf32, #tpu.memory_space<hbm>>)
        %mul3A_822 = arith.constant 56 : i32
        %mul3A_823 = arith.muli %mul3A_2, %mul3A_822 : i32
        %dma_wait3A_824 = arith.constant 450 : i32
        %dma_wait3A_825 = arith.constant 0 : i32
        %dma_wait3A_826 = tpu.memref_slice %arg15[%dma_wait3A_824, %dma_wait3A_825] : memref<800x64xf32, #tpu.memory_space<vmem>> -> memref<50x64xf32, #tpu.memory_space<vmem>>
        %dma_wait3A_827 = arith.constant 0 : i32
        %dma_wait3A_828 = tpu.memref_slice %arg5[%mul3A_823, %dma_wait3A_827] : memref<917504x128xf32, #tpu.memory_space<hbm>> -> memref<50x64xf32, #tpu.memory_space<hbm>>
        %dma_wait3A_829 = arith.constant 0 : i32
        %dma_wait3A_830 = tpu.memref_slice %arg5[%mul3A_823, %dma_wait3A_829] : memref<917504x128xf32, #tpu.memory_space<hbm>> -> memref<50x64xf32, #tpu.memory_space<hbm>>
        %dma_wait3A_831 = arith.constant 450 : i32
        %dma_wait3A_832 = arith.constant 0 : i32
        %dma_wait3A_833 = tpu.memref_slice %arg15[%dma_wait3A_831, %dma_wait3A_832] : memref<800x64xf32, #tpu.memory_space<vmem>> -> memref<50x64xf32, #tpu.memory_space<vmem>>
        tpu.wait_dma2 semaphore(%arg19 : memref<!tpu.dma_semaphore, #tpu.memory_space<semaphore_mem>>) src(%dma_wait3A_833 : memref<50x64xf32, #tpu.memory_space<vmem>>) dst(%dma_wait3A_830 : memref<50x64xf32, #tpu.memory_space<hbm>>)
        %mul3A_834 = arith.constant 56 : i32
        %mul3A_835 = arith.muli %mul3A_2, %mul3A_834 : i32
        %dma_wait3A_836 = arith.constant 500 : i32
        %dma_wait3A_837 = arith.constant 0 : i32
        %dma_wait3A_838 = tpu.memref_slice %arg15[%dma_wait3A_836, %dma_wait3A_837] : memref<800x64xf32, #tpu.memory_space<vmem>> -> memref<50x64xf32, #tpu.memory_space<vmem>>
        %dma_wait3A_839 = arith.constant 0 : i32
        %dma_wait3A_840 = tpu.memref_slice %arg5[%mul3A_835, %dma_wait3A_839] : memref<917504x128xf32, #tpu.memory_space<hbm>> -> memref<50x64xf32, #tpu.memory_space<hbm>>
        %dma_wait3A_841 = arith.constant 0 : i32
        %dma_wait3A_842 = tpu.memref_slice %arg5[%mul3A_835, %dma_wait3A_841] : memref<917504x128xf32, #tpu.memory_space<hbm>> -> memref<50x64xf32, #tpu.memory_space<hbm>>
        %dma_wait3A_843 = arith.constant 500 : i32
        %dma_wait3A_844 = arith.constant 0 : i32
        %dma_wait3A_845 = tpu.memref_slice %arg15[%dma_wait3A_843, %dma_wait3A_844] : memref<800x64xf32, #tpu.memory_space<vmem>> -> memref<50x64xf32, #tpu.memory_space<vmem>>
        tpu.wait_dma2 semaphore(%arg19 : memref<!tpu.dma_semaphore, #tpu.memory_space<semaphore_mem>>) src(%dma_wait3A_845 : memref<50x64xf32, #tpu.memory_space<vmem>>) dst(%dma_wait3A_842 : memref<50x64xf32, #tpu.memory_space<hbm>>)
        %mul3A_846 = arith.constant 56 : i32
        %mul3A_847 = arith.muli %mul3A_2, %mul3A_846 : i32
        %dma_wait3A_848 = arith.constant 550 : i32
        %dma_wait3A_849 = arith.constant 0 : i32
        %dma_wait3A_850 = tpu.memref_slice %arg15[%dma_wait3A_848, %dma_wait3A_849] : memref<800x64xf32, #tpu.memory_space<vmem>> -> memref<50x64xf32, #tpu.memory_space<vmem>>
        %dma_wait3A_851 = arith.constant 0 : i32
        %dma_wait3A_852 = tpu.memref_slice %arg5[%mul3A_847, %dma_wait3A_851] : memref<917504x128xf32, #tpu.memory_space<hbm>> -> memref<50x64xf32, #tpu.memory_space<hbm>>
        %dma_wait3A_853 = arith.constant 0 : i32
        %dma_wait3A_854 = tpu.memref_slice %arg5[%mul3A_847, %dma_wait3A_853] : memref<917504x128xf32, #tpu.memory_space<hbm>> -> memref<50x64xf32, #tpu.memory_space<hbm>>
        %dma_wait3A_855 = arith.constant 550 : i32
        %dma_wait3A_856 = arith.constant 0 : i32
        %dma_wait3A_857 = tpu.memref_slice %arg15[%dma_wait3A_855, %dma_wait3A_856] : memref<800x64xf32, #tpu.memory_space<vmem>> -> memref<50x64xf32, #tpu.memory_space<vmem>>
        tpu.wait_dma2 semaphore(%arg19 : memref<!tpu.dma_semaphore, #tpu.memory_space<semaphore_mem>>) src(%dma_wait3A_857 : memref<50x64xf32, #tpu.memory_space<vmem>>) dst(%dma_wait3A_854 : memref<50x64xf32, #tpu.memory_space<hbm>>)
        %mul3A_858 = arith.constant 56 : i32
        %mul3A_859 = arith.muli %mul3A_2, %mul3A_858 : i32
        %dma_wait3A_860 = arith.constant 600 : i32
        %dma_wait3A_861 = arith.constant 0 : i32
        %dma_wait3A_862 = tpu.memref_slice %arg15[%dma_wait3A_860, %dma_wait3A_861] : memref<800x64xf32, #tpu.memory_space<vmem>> -> memref<50x64xf32, #tpu.memory_space<vmem>>
        %dma_wait3A_863 = arith.constant 0 : i32
        %dma_wait3A_864 = tpu.memref_slice %arg5[%mul3A_859, %dma_wait3A_863] : memref<917504x128xf32, #tpu.memory_space<hbm>> -> memref<50x64xf32, #tpu.memory_space<hbm>>
        %dma_wait3A_865 = arith.constant 0 : i32
        %dma_wait3A_866 = tpu.memref_slice %arg5[%mul3A_859, %dma_wait3A_865] : memref<917504x128xf32, #tpu.memory_space<hbm>> -> memref<50x64xf32, #tpu.memory_space<hbm>>
        %dma_wait3A_867 = arith.constant 600 : i32
        %dma_wait3A_868 = arith.constant 0 : i32
        %dma_wait3A_869 = tpu.memref_slice %arg15[%dma_wait3A_867, %dma_wait3A_868] : memref<800x64xf32, #tpu.memory_space<vmem>> -> memref<50x64xf32, #tpu.memory_space<vmem>>
        tpu.wait_dma2 semaphore(%arg19 : memref<!tpu.dma_semaphore, #tpu.memory_space<semaphore_mem>>) src(%dma_wait3A_869 : memref<50x64xf32, #tpu.memory_space<vmem>>) dst(%dma_wait3A_866 : memref<50x64xf32, #tpu.memory_space<hbm>>)
        %mul3A_870 = arith.constant 56 : i32
        %mul3A_871 = arith.muli %mul3A_2, %mul3A_870 : i32
        %dma_wait3A_872 = arith.constant 650 : i32
        %dma_wait3A_873 = arith.constant 0 : i32
        %dma_wait3A_874 = tpu.memref_slice %arg15[%dma_wait3A_872, %dma_wait3A_873] : memref<800x64xf32, #tpu.memory_space<vmem>> -> memref<50x64xf32, #tpu.memory_space<vmem>>
        %dma_wait3A_875 = arith.constant 0 : i32
        %dma_wait3A_876 = tpu.memref_slice %arg5[%mul3A_871, %dma_wait3A_875] : memref<917504x128xf32, #tpu.memory_space<hbm>> -> memref<50x64xf32, #tpu.memory_space<hbm>>
        %dma_wait3A_877 = arith.constant 0 : i32
        %dma_wait3A_878 = tpu.memref_slice %arg5[%mul3A_871, %dma_wait3A_877] : memref<917504x128xf32, #tpu.memory_space<hbm>> -> memref<50x64xf32, #tpu.memory_space<hbm>>
        %dma_wait3A_879 = arith.constant 650 : i32
        %dma_wait3A_880 = arith.constant 0 : i32
        %dma_wait3A_881 = tpu.memref_slice %arg15[%dma_wait3A_879, %dma_wait3A_880] : memref<800x64xf32, #tpu.memory_space<vmem>> -> memref<50x64xf32, #tpu.memory_space<vmem>>
        tpu.wait_dma2 semaphore(%arg19 : memref<!tpu.dma_semaphore, #tpu.memory_space<semaphore_mem>>) src(%dma_wait3A_881 : memref<50x64xf32, #tpu.memory_space<vmem>>) dst(%dma_wait3A_878 : memref<50x64xf32, #tpu.memory_space<hbm>>)
        %mul3A_882 = arith.constant 56 : i32
        %mul3A_883 = arith.muli %mul3A_2, %mul3A_882 : i32
        %dma_wait3A_884 = arith.constant 700 : i32
        %dma_wait3A_885 = arith.constant 0 : i32
        %dma_wait3A_886 = tpu.memref_slice %arg15[%dma_wait3A_884, %dma_wait3A_885] : memref<800x64xf32, #tpu.memory_space<vmem>> -> memref<50x64xf32, #tpu.memory_space<vmem>>
        %dma_wait3A_887 = arith.constant 0 : i32
        %dma_wait3A_888 = tpu.memref_slice %arg5[%mul3A_883, %dma_wait3A_887] : memref<917504x128xf32, #tpu.memory_space<hbm>> -> memref<50x64xf32, #tpu.memory_space<hbm>>
        %dma_wait3A_889 = arith.constant 0 : i32
        %dma_wait3A_890 = tpu.memref_slice %arg5[%mul3A_883, %dma_wait3A_889] : memref<917504x128xf32, #tpu.memory_space<hbm>> -> memref<50x64xf32, #tpu.memory_space<hbm>>
        %dma_wait3A_891 = arith.constant 700 : i32
        %dma_wait3A_892 = arith.constant 0 : i32
        %dma_wait3A_893 = tpu.memref_slice %arg15[%dma_wait3A_891, %dma_wait3A_892] : memref<800x64xf32, #tpu.memory_space<vmem>> -> memref<50x64xf32, #tpu.memory_space<vmem>>
        tpu.wait_dma2 semaphore(%arg19 : memref<!tpu.dma_semaphore, #tpu.memory_space<semaphore_mem>>) src(%dma_wait3A_893 : memref<50x64xf32, #tpu.memory_space<vmem>>) dst(%dma_wait3A_890 : memref<50x64xf32, #tpu.memory_space<hbm>>)
        %mul3A_894 = arith.constant 56 : i32
        %mul3A_895 = arith.muli %mul3A_2, %mul3A_894 : i32
        %dma_wait3A_896 = arith.constant 750 : i32
        %dma_wait3A_897 = arith.constant 0 : i32
        %dma_wait3A_898 = tpu.memref_slice %arg15[%dma_wait3A_896, %dma_wait3A_897] : memref<800x64xf32, #tpu.memory_space<vmem>> -> memref<50x64xf32, #tpu.memory_space<vmem>>
        %dma_wait3A_899 = arith.constant 0 : i32
        %dma_wait3A_900 = tpu.memref_slice %arg5[%mul3A_895, %dma_wait3A_899] : memref<917504x128xf32, #tpu.memory_space<hbm>> -> memref<50x64xf32, #tpu.memory_space<hbm>>
        %dma_wait3A_901 = arith.constant 0 : i32
        %dma_wait3A_902 = tpu.memref_slice %arg5[%mul3A_895, %dma_wait3A_901] : memref<917504x128xf32, #tpu.memory_space<hbm>> -> memref<50x64xf32, #tpu.memory_space<hbm>>
        %dma_wait3A_903 = arith.constant 750 : i32
        %dma_wait3A_904 = arith.constant 0 : i32
        %dma_wait3A_905 = tpu.memref_slice %arg15[%dma_wait3A_903, %dma_wait3A_904] : memref<800x64xf32, #tpu.memory_space<vmem>> -> memref<50x64xf32, #tpu.memory_space<vmem>>
        tpu.wait_dma2 semaphore(%arg19 : memref<!tpu.dma_semaphore, #tpu.memory_space<semaphore_mem>>) src(%dma_wait3A_905 : memref<50x64xf32, #tpu.memory_space<vmem>>) dst(%dma_wait3A_902 : memref<50x64xf32, #tpu.memory_space<hbm>>)
      } else {
      }
      %dma_start3A_669 = arith.constant 0 : i32
      %dma_start3A_670 = arith.constant 0 : i32
      %dma_start3A_671 = tpu.memref_slice %arg2[%dma_start3A_669, %dma_start3A_670] : memref<100000x64xf32, #tpu.memory_space<hbm>> -> memref<100000x64xf32, #tpu.memory_space<hbm>>
      tpu.enqueue_indirect_dma source(%dma_start3A_671 : memref<100000x64xf32, #tpu.memory_space<hbm>>) target(%arg15 : memref<800x64xf32, #tpu.memory_space<vmem>>) offsets(%arg13 : memref<800xi32, #tpu.memory_space<vmem>>) semaphore(%arg17 : memref<!tpu.dma_semaphore, #tpu.memory_space<semaphore_mem>>)
      %ge3A_672 = arith.constant 1 : i32
      %ge3A_673 = arith.cmpi sge, %add3A_647, %ge3A_672 : i32
      %convert_element_type3A_674 = arith.extui %ge3A_673 : i1 to i32
      %cond3A_675 = arith.constant 0 : i32
      %cond3A_676 = arith.cmpi ne, %convert_element_type3A_674, %cond3A_675 : i32
      scf.if %cond3A_676 {
        %sub3A = arith.constant 1 : i32
        %sub3A_714 = arith.subi %add3A_647, %sub3A : i32
        %dma_wait3A_715 = arith.constant 0 : i32
        %dma_wait3A_716 = arith.constant 0 : i32
        %dma_wait3A_717 = tpu.memref_slice %arg2[%dma_wait3A_715, %dma_wait3A_716] : memref<100000x64xf32, #tpu.memory_space<hbm>> -> memref<100000x64xf32, #tpu.memory_space<hbm>>
        tpu.wait_indirect_dma semaphore(%arg18 : memref<!tpu.dma_semaphore, #tpu.memory_space<semaphore_mem>>) src(%dma_wait3A_717 : memref<100000x64xf32, #tpu.memory_space<hbm>>) dst(%arg16 : memref<800x64xf32, #tpu.memory_space<vmem>>)
        %scan3A_718 = arith.constant 0 : i32
        %scan3A_719 = arith.constant 0 : i32
        %scan3A_720 = arith.constant 50 : i32
        %scan3A_721 = arith.addi %scan3A_719, %scan3A_720 : i32
        %scan3A_722 = arith.constant 1 : i32
        scf.for %scan3A_951 = %scan3A_719 to %scan3A_721 step %scan3A_722  : i32 {
          %mul3A_952 = arith.constant 16 : i32
          %mul3A_953 = arith.muli %scan3A_951, %mul3A_952 : i32
          %get3A = arith.index_cast %mul3A_953 : i32 to index
          %get3A_954 = tpu.vector_load %arg12[%get3A] {strides = array<i32>} : memref<800xi32, #tpu.memory_space<vmem>>, vector<16xi32>,
          %ge3A_955 = arith.constant 100000 : i32
          %ge3A_956 = vector.broadcast %ge3A_955 : i32 to vector<16xi32>
          %ge3A_957 = arith.cmpi sge, %get3A_954, %ge3A_956 : vector<16xi32>
          %reduce_max3A = arith.constant true
          %reduce_max3A_958 = vector.broadcast %reduce_max3A : i1 to vector<16xi1>
          %reduce_max3A_959 = arith.constant -2147483648 : i32
          %reduce_max3A_960 = vector.broadcast %reduce_max3A_959 : i32 to vector<16xi32>
          %reduce_max3A_961 = arith.xori %get3A_954, %reduce_max3A_960 : vector<16xi32>
          %reduce_max3A_962 = tpu.scan <max>, %reduce_max3A_961 masked %reduce_max3A_958 : vector<16xi32>, vector<16xi1> -> vector<16xi32>
          %reduce_max3A_963 = arith.xori %reduce_max3A_962, %reduce_max3A_960 : vector<16xi32>
          %reduce_max3A_964 = vector.extract %reduce_max3A_963[15] : i32 from vector<16xi32>
          %ge3A_965 = arith.constant 100000 : i32
          %ge3A_966 = arith.cmpi sge, %reduce_max3A_964, %ge3A_965 : i32
          %convert_element_type3A_967 = arith.extui %ge3A_966 : i1 to i32
          %cond3A_968 = arith.constant 0 : i32
          %cond3A_969 = arith.cmpi ne, %convert_element_type3A_967, %cond3A_968 : i32
          scf.if %cond3A_969 {
            %sub3A_970 = arith.constant 100000 : i32
            %sub3A_971 = vector.broadcast %sub3A_970 : i32 to vector<16xi32>
            %sub3A_972 = arith.subi %get3A_954, %sub3A_971 : vector<16xi32>
            %jit3A = arith.constant 0 : i32
            %jit3A_973 = arith.constant 127 : i32
            %max3A = vector.broadcast %jit3A : i32 to vector<16xi32>
            %max3A_974 = arith.maxsi %max3A, %sub3A_972 : vector<16xi32>
            %min3A = vector.broadcast %jit3A_973 : i32 to vector<16xi32>
            %min3A_975 = arith.minsi %min3A, %max3A_974 : vector<16xi32>
            %mul3A_976 = arith.constant 16 : i32
            %mul3A_977 = arith.muli %scan3A_951, %mul3A_976 : i32
            %iota3A = tpu.iota {dimensions = array<i32: 0>} : vector<16xi32>
            %add3A_978 = vector.broadcast %mul3A_977 : i32 to vector<16xi32>
            %add3A_979 = arith.addi %add3A_978, %iota3A : vector<16xi32>
            %scan3A_980 = arith.constant 0 : i32
            %scan3A_981 = arith.constant 0 : i32
            %scan3A_982 = arith.constant 64 : i32
            %scan3A_983 = arith.addi %scan3A_981, %scan3A_982 : i32
            %scan3A_984 = arith.constant 1 : i32
            scf.for %scan3A_986 = %scan3A_981 to %scan3A_983 step %scan3A_984  : i32 {
              %broadcast_in_dim3A = vector.broadcast %scan3A_986 : i32 to vector<16xi32>
              %gather3A = tpu.vector_load_idx %arg6[%min3A_975, %broadcast_in_dim3A] : memref<128x64xf32, #tpu.memory_space<vmem>>[vector<16xi32>, vector<16xi32>], vector<16xf32>,
              tpu.vector_store_idx %arg16[%add3A_979, %broadcast_in_dim3A], %gather3A masked %ge3A_957 : memref<800x64xf32, #tpu.memory_space<vmem>>[vector<16xi32>, vector<16xi32>], vector<16xf32>, vector<16xi1>
            }
            %scan3A_985 = arith.constant 64 : i32
          } else {
          }
        }
        %scan3A_723 = arith.constant 50 : i32
        %mul3A_724 = arith.constant 16 : i32
        %mul3A_725 = arith.muli %sub3A_714, %mul3A_724 : i32
        %add3A_726 = arith.addi %mul3A_2, %mul3A_725 : i32
        %add3A_727 = arith.constant 0 : i32
        %add3A_728 = arith.addi %add3A_726, %add3A_727 : i32
        %mul3A_729 = arith.constant 56 : i32
        %mul3A_730 = arith.muli %add3A_728, %mul3A_729 : i32
        %dma_start3A_731 = arith.constant 0 : i32
        %dma_start3A_732 = arith.constant 0 : i32
        %dma_start3A_733 = tpu.memref_slice %arg16[%dma_start3A_731, %dma_start3A_732] : memref<800x64xf32, #tpu.memory_space<vmem>> -> memref<50x64xf32, #tpu.memory_space<vmem>>
        %dma_start3A_734 = arith.constant 0 : i32
        %dma_start3A_735 = tpu.memref_slice %arg5[%mul3A_730, %dma_start3A_734] : memref<917504x128xf32, #tpu.memory_space<hbm>> -> memref<50x64xf32, #tpu.memory_space<hbm>>
        %dma_start3A_736 = arith.constant 0 : i32
        %dma_start3A_737 = tpu.memref_slice %arg5[%mul3A_730, %dma_start3A_736] : memref<917504x128xf32, #tpu.memory_space<hbm>> -> memref<50x64xf32, #tpu.memory_space<hbm>>
        %dma_start3A_738 = arith.constant 0 : i32
        %dma_start3A_739 = arith.constant 0 : i32
        %dma_start3A_740 = tpu.memref_slice %arg16[%dma_start3A_738, %dma_start3A_739] : memref<800x64xf32, #tpu.memory_space<vmem>> -> memref<50x64xf32, #tpu.memory_space<vmem>>
        tpu.enqueue_dma source(%dma_start3A_740 : memref<50x64xf32, #tpu.memory_space<vmem>>) target(%dma_start3A_737 : memref<50x64xf32, #tpu.memory_space<hbm>>) target_semaphore(%arg20 : memref<!tpu.dma_semaphore, #tpu.memory_space<semaphore_mem>>)
        %add3A_741 = arith.constant 1 : i32
        %add3A_742 = arith.addi %add3A_726, %add3A_741 : i32
        %mul3A_743 = arith.constant 56 : i32
        %mul3A_744 = arith.muli %add3A_742, %mul3A_743 : i32
        %dma_start3A_745 = arith.constant 50 : i32
        %dma_start3A_746 = arith.constant 0 : i32
        %dma_start3A_747 = tpu.memref_slice %arg16[%dma_start3A_745, %dma_start3A_746] : memref<800x64xf32, #tpu.memory_space<vmem>> -> memref<50x64xf32, #tpu.memory_space<vmem>>
        %dma_start3A_748 = arith.constant 0 : i32
        %dma_start3A_749 = tpu.memref_slice %arg5[%mul3A_744, %dma_start3A_748] : memref<917504x128xf32, #tpu.memory_space<hbm>> -> memref<50x64xf32, #tpu.memory_space<hbm>>
        %dma_start3A_750 = arith.constant 0 : i32
        %dma_start3A_751 = tpu.memref_slice %arg5[%mul3A_744, %dma_start3A_750] : memref<917504x128xf32, #tpu.memory_space<hbm>> -> memref<50x64xf32, #tpu.memory_space<hbm>>
        %dma_start3A_752 = arith.constant 50 : i32
        %dma_start3A_753 = arith.constant 0 : i32
        %dma_start3A_754 = tpu.memref_slice %arg16[%dma_start3A_752, %dma_start3A_753] : memref<800x64xf32, #tpu.memory_space<vmem>> -> memref<50x64xf32, #tpu.memory_space<vmem>>
        tpu.enqueue_dma source(%dma_start3A_754 : memref<50x64xf32, #tpu.memory_space<vmem>>) target(%dma_start3A_751 : memref<50x64xf32, #tpu.memory_space<hbm>>) target_semaphore(%arg20 : memref<!tpu.dma_semaphore, #tpu.memory_space<semaphore_mem>>)
        %add3A_755 = arith.constant 2 : i32
        %add3A_756 = arith.addi %add3A_726, %add3A_755 : i32
        %mul3A_757 = arith.constant 56 : i32
        %mul3A_758 = arith.muli %add3A_756, %mul3A_757 : i32
        %dma_start3A_759 = arith.constant 100 : i32
        %dma_start3A_760 = arith.constant 0 : i32
        %dma_start3A_761 = tpu.memref_slice %arg16[%dma_start3A_759, %dma_start3A_760] : memref<800x64xf32, #tpu.memory_space<vmem>> -> memref<50x64xf32, #tpu.memory_space<vmem>>
        %dma_start3A_762 = arith.constant 0 : i32
        %dma_start3A_763 = tpu.memref_slice %arg5[%mul3A_758, %dma_start3A_762] : memref<917504x128xf32, #tpu.memory_space<hbm>> -> memref<50x64xf32, #tpu.memory_space<hbm>>
        %dma_start3A_764 = arith.constant 0 : i32
        %dma_start3A_765 = tpu.memref_slice %arg5[%mul3A_758, %dma_start3A_764] : memref<917504x128xf32, #tpu.memory_space<hbm>> -> memref<50x64xf32, #tpu.memory_space<hbm>>
        %dma_start3A_766 = arith.constant 100 : i32
        %dma_start3A_767 = arith.constant 0 : i32
        %dma_start3A_768 = tpu.memref_slice %arg16[%dma_start3A_766, %dma_start3A_767] : memref<800x64xf32, #tpu.memory_space<vmem>> -> memref<50x64xf32, #tpu.memory_space<vmem>>
        tpu.enqueue_dma source(%dma_start3A_768 : memref<50x64xf32, #tpu.memory_space<vmem>>) target(%dma_start3A_765 : memref<50x64xf32, #tpu.memory_space<hbm>>) target_semaphore(%arg20 : memref<!tpu.dma_semaphore, #tpu.memory_space<semaphore_mem>>)
        %add3A_769 = arith.constant 3 : i32
        %add3A_770 = arith.addi %add3A_726, %add3A_769 : i32
        %mul3A_771 = arith.constant 56 : i32
        %mul3A_772 = arith.muli %add3A_770, %mul3A_771 : i32
        %dma_start3A_773 = arith.constant 150 : i32
        %dma_start3A_774 = arith.constant 0 : i32
        %dma_start3A_775 = tpu.memref_slice %arg16[%dma_start3A_773, %dma_start3A_774] : memref<800x64xf32, #tpu.memory_space<vmem>> -> memref<50x64xf32, #tpu.memory_space<vmem>>
        %dma_start3A_776 = arith.constant 0 : i32
        %dma_start3A_777 = tpu.memref_slice %arg5[%mul3A_772, %dma_start3A_776] : memref<917504x128xf32, #tpu.memory_space<hbm>> -> memref<50x64xf32, #tpu.memory_space<hbm>>
        %dma_start3A_778 = arith.constant 0 : i32
        %dma_start3A_779 = tpu.memref_slice %arg5[%mul3A_772, %dma_start3A_778] : memref<917504x128xf32, #tpu.memory_space<hbm>> -> memref<50x64xf32, #tpu.memory_space<hbm>>
        %dma_start3A_780 = arith.constant 150 : i32
        %dma_start3A_781 = arith.constant 0 : i32
        %dma_start3A_782 = tpu.memref_slice %arg16[%dma_start3A_780, %dma_start3A_781] : memref<800x64xf32, #tpu.memory_space<vmem>> -> memref<50x64xf32, #tpu.memory_space<vmem>>
        tpu.enqueue_dma source(%dma_start3A_782 : memref<50x64xf32, #tpu.memory_space<vmem>>) target(%dma_start3A_779 : memref<50x64xf32, #tpu.memory_space<hbm>>) target_semaphore(%arg20 : memref<!tpu.dma_semaphore, #tpu.memory_space<semaphore_mem>>)
        %add3A_783 = arith.constant 4 : i32
        %add3A_784 = arith.addi %add3A_726, %add3A_783 : i32
        %mul3A_785 = arith.constant 56 : i32
        %mul3A_786 = arith.muli %add3A_784, %mul3A_785 : i32
        %dma_start3A_787 = arith.constant 200 : i32
        %dma_start3A_788 = arith.constant 0 : i32
        %dma_start3A_789 = tpu.memref_slice %arg16[%dma_start3A_787, %dma_start3A_788] : memref<800x64xf32, #tpu.memory_space<vmem>> -> memref<50x64xf32, #tpu.memory_space<vmem>>
        %dma_start3A_790 = arith.constant 0 : i32
        %dma_start3A_791 = tpu.memref_slice %arg5[%mul3A_786, %dma_start3A_790] : memref<917504x128xf32, #tpu.memory_space<hbm>> -> memref<50x64xf32, #tpu.memory_space<hbm>>
        %dma_start3A_792 = arith.constant 0 : i32
        %dma_start3A_793 = tpu.memref_slice %arg5[%mul3A_786, %dma_start3A_792] : memref<917504x128xf32, #tpu.memory_space<hbm>> -> memref<50x64xf32, #tpu.memory_space<hbm>>
        %dma_start3A_794 = arith.constant 200 : i32
        %dma_start3A_795 = arith.constant 0 : i32
        %dma_start3A_796 = tpu.memref_slice %arg16[%dma_start3A_794, %dma_start3A_795] : memref<800x64xf32, #tpu.memory_space<vmem>> -> memref<50x64xf32, #tpu.memory_space<vmem>>
        tpu.enqueue_dma source(%dma_start3A_796 : memref<50x64xf32, #tpu.memory_space<vmem>>) target(%dma_start3A_793 : memref<50x64xf32, #tpu.memory_space<hbm>>) target_semaphore(%arg20 : memref<!tpu.dma_semaphore, #tpu.memory_space<semaphore_mem>>)
        %add3A_797 = arith.constant 5 : i32
        %add3A_798 = arith.addi %add3A_726, %add3A_797 : i32
        %mul3A_799 = arith.constant 56 : i32
        %mul3A_800 = arith.muli %add3A_798, %mul3A_799 : i32
        %dma_start3A_801 = arith.constant 250 : i32
        %dma_start3A_802 = arith.constant 0 : i32
        %dma_start3A_803 = tpu.memref_slice %arg16[%dma_start3A_801, %dma_start3A_802] : memref<800x64xf32, #tpu.memory_space<vmem>> -> memref<50x64xf32, #tpu.memory_space<vmem>>
        %dma_start3A_804 = arith.constant 0 : i32
        %dma_start3A_805 = tpu.memref_slice %arg5[%mul3A_800, %dma_start3A_804] : memref<917504x128xf32, #tpu.memory_space<hbm>> -> memref<50x64xf32, #tpu.memory_space<hbm>>
        %dma_start3A_806 = arith.constant 0 : i32
        %dma_start3A_807 = tpu.memref_slice %arg5[%mul3A_800, %dma_start3A_806] : memref<917504x128xf32, #tpu.memory_space<hbm>> -> memref<50x64xf32, #tpu.memory_space<hbm>>
        %dma_start3A_808 = arith.constant 250 : i32
        %dma_start3A_809 = arith.constant 0 : i32
        %dma_start3A_810 = tpu.memref_slice %arg16[%dma_start3A_808, %dma_start3A_809] : memref<800x64xf32, #tpu.memory_space<vmem>> -> memref<50x64xf32, #tpu.memory_space<vmem>>
        tpu.enqueue_dma source(%dma_start3A_810 : memref<50x64xf32, #tpu.memory_space<vmem>>) target(%dma_start3A_807 : memref<50x64xf32, #tpu.memory_space<hbm>>) target_semaphore(%arg20 : memref<!tpu.dma_semaphore, #tpu.memory_space<semaphore_mem>>)
        %add3A_811 = arith.constant 6 : i32
        %add3A_812 = arith.addi %add3A_726, %add3A_811 : i32
        %mul3A_813 = arith.constant 56 : i32
        %mul3A_814 = arith.muli %add3A_812, %mul3A_813 : i32
        %dma_start3A_815 = arith.constant 300 : i32
        %dma_start3A_816 = arith.constant 0 : i32
        %dma_start3A_817 = tpu.memref_slice %arg16[%dma_start3A_815, %dma_start3A_816] : memref<800x64xf32, #tpu.memory_space<vmem>> -> memref<50x64xf32, #tpu.memory_space<vmem>>
        %dma_start3A_818 = arith.constant 0 : i32
        %dma_start3A_819 = tpu.memref_slice %arg5[%mul3A_814, %dma_start3A_818] : memref<917504x128xf32, #tpu.memory_space<hbm>> -> memref<50x64xf32, #tpu.memory_space<hbm>>
        %dma_start3A_820 = arith.constant 0 : i32
        %dma_start3A_821 = tpu.memref_slice %arg5[%mul3A_814, %dma_start3A_820] : memref<917504x128xf32, #tpu.memory_space<hbm>> -> memref<50x64xf32, #tpu.memory_space<hbm>>
        %dma_start3A_822 = arith.constant 300 : i32
        %dma_start3A_823 = arith.constant 0 : i32
        %dma_start3A_824 = tpu.memref_slice %arg16[%dma_start3A_822, %dma_start3A_823] : memref<800x64xf32, #tpu.memory_space<vmem>> -> memref<50x64xf32, #tpu.memory_space<vmem>>
        tpu.enqueue_dma source(%dma_start3A_824 : memref<50x64xf32, #tpu.memory_space<vmem>>) target(%dma_start3A_821 : memref<50x64xf32, #tpu.memory_space<hbm>>) target_semaphore(%arg20 : memref<!tpu.dma_semaphore, #tpu.memory_space<semaphore_mem>>)
        %add3A_825 = arith.constant 7 : i32
        %add3A_826 = arith.addi %add3A_726, %add3A_825 : i32
        %mul3A_827 = arith.constant 56 : i32
        %mul3A_828 = arith.muli %add3A_826, %mul3A_827 : i32
        %dma_start3A_829 = arith.constant 350 : i32
        %dma_start3A_830 = arith.constant 0 : i32
        %dma_start3A_831 = tpu.memref_slice %arg16[%dma_start3A_829, %dma_start3A_830] : memref<800x64xf32, #tpu.memory_space<vmem>> -> memref<50x64xf32, #tpu.memory_space<vmem>>
        %dma_start3A_832 = arith.constant 0 : i32
        %dma_start3A_833 = tpu.memref_slice %arg5[%mul3A_828, %dma_start3A_832] : memref<917504x128xf32, #tpu.memory_space<hbm>> -> memref<50x64xf32, #tpu.memory_space<hbm>>
        %dma_start3A_834 = arith.constant 0 : i32
        %dma_start3A_835 = tpu.memref_slice %arg5[%mul3A_828, %dma_start3A_834] : memref<917504x128xf32, #tpu.memory_space<hbm>> -> memref<50x64xf32, #tpu.memory_space<hbm>>
        %dma_start3A_836 = arith.constant 350 : i32
        %dma_start3A_837 = arith.constant 0 : i32
        %dma_start3A_838 = tpu.memref_slice %arg16[%dma_start3A_836, %dma_start3A_837] : memref<800x64xf32, #tpu.memory_space<vmem>> -> memref<50x64xf32, #tpu.memory_space<vmem>>
        tpu.enqueue_dma source(%dma_start3A_838 : memref<50x64xf32, #tpu.memory_space<vmem>>) target(%dma_start3A_835 : memref<50x64xf32, #tpu.memory_space<hbm>>) target_semaphore(%arg20 : memref<!tpu.dma_semaphore, #tpu.memory_space<semaphore_mem>>)
        %add3A_839 = arith.constant 8 : i32
        %add3A_840 = arith.addi %add3A_726, %add3A_839 : i32
        %mul3A_841 = arith.constant 56 : i32
        %mul3A_842 = arith.muli %add3A_840, %mul3A_841 : i32
        %dma_start3A_843 = arith.constant 400 : i32
        %dma_start3A_844 = arith.constant 0 : i32
        %dma_start3A_845 = tpu.memref_slice %arg16[%dma_start3A_843, %dma_start3A_844] : memref<800x64xf32, #tpu.memory_space<vmem>> -> memref<50x64xf32, #tpu.memory_space<vmem>>
        %dma_start3A_846 = arith.constant 0 : i32
        %dma_start3A_847 = tpu.memref_slice %arg5[%mul3A_842, %dma_start3A_846] : memref<917504x128xf32, #tpu.memory_space<hbm>> -> memref<50x64xf32, #tpu.memory_space<hbm>>
        %dma_start3A_848 = arith.constant 0 : i32
        %dma_start3A_849 = tpu.memref_slice %arg5[%mul3A_842, %dma_start3A_848] : memref<917504x128xf32, #tpu.memory_space<hbm>> -> memref<50x64xf32, #tpu.memory_space<hbm>>
        %dma_start3A_850 = arith.constant 400 : i32
        %dma_start3A_851 = arith.constant 0 : i32
        %dma_start3A_852 = tpu.memref_slice %arg16[%dma_start3A_850, %dma_start3A_851] : memref<800x64xf32, #tpu.memory_space<vmem>> -> memref<50x64xf32, #tpu.memory_space<vmem>>
        tpu.enqueue_dma source(%dma_start3A_852 : memref<50x64xf32, #tpu.memory_space<vmem>>) target(%dma_start3A_849 : memref<50x64xf32, #tpu.memory_space<hbm>>) target_semaphore(%arg20 : memref<!tpu.dma_semaphore, #tpu.memory_space<semaphore_mem>>)
        %add3A_853 = arith.constant 9 : i32
        %add3A_854 = arith.addi %add3A_726, %add3A_853 : i32
        %mul3A_855 = arith.constant 56 : i32
        %mul3A_856 = arith.muli %add3A_854, %mul3A_855 : i32
        %dma_start3A_857 = arith.constant 450 : i32
        %dma_start3A_858 = arith.constant 0 : i32
        %dma_start3A_859 = tpu.memref_slice %arg16[%dma_start3A_857, %dma_start3A_858] : memref<800x64xf32, #tpu.memory_space<vmem>> -> memref<50x64xf32, #tpu.memory_space<vmem>>
        %dma_start3A_860 = arith.constant 0 : i32
        %dma_start3A_861 = tpu.memref_slice %arg5[%mul3A_856, %dma_start3A_860] : memref<917504x128xf32, #tpu.memory_space<hbm>> -> memref<50x64xf32, #tpu.memory_space<hbm>>
        %dma_start3A_862 = arith.constant 0 : i32
        %dma_start3A_863 = tpu.memref_slice %arg5[%mul3A_856, %dma_start3A_862] : memref<917504x128xf32, #tpu.memory_space<hbm>> -> memref<50x64xf32, #tpu.memory_space<hbm>>
        %dma_start3A_864 = arith.constant 450 : i32
        %dma_start3A_865 = arith.constant 0 : i32
        %dma_start3A_866 = tpu.memref_slice %arg16[%dma_start3A_864, %dma_start3A_865] : memref<800x64xf32, #tpu.memory_space<vmem>> -> memref<50x64xf32, #tpu.memory_space<vmem>>
        tpu.enqueue_dma source(%dma_start3A_866 : memref<50x64xf32, #tpu.memory_space<vmem>>) target(%dma_start3A_863 : memref<50x64xf32, #tpu.memory_space<hbm>>) target_semaphore(%arg20 : memref<!tpu.dma_semaphore, #tpu.memory_space<semaphore_mem>>)
        %add3A_867 = arith.constant 10 : i32
        %add3A_868 = arith.addi %add3A_726, %add3A_867 : i32
        %mul3A_869 = arith.constant 56 : i32
        %mul3A_870 = arith.muli %add3A_868, %mul3A_869 : i32
        %dma_start3A_871 = arith.constant 500 : i32
        %dma_start3A_872 = arith.constant 0 : i32
        %dma_start3A_873 = tpu.memref_slice %arg16[%dma_start3A_871, %dma_start3A_872] : memref<800x64xf32, #tpu.memory_space<vmem>> -> memref<50x64xf32, #tpu.memory_space<vmem>>
        %dma_start3A_874 = arith.constant 0 : i32
        %dma_start3A_875 = tpu.memref_slice %arg5[%mul3A_870, %dma_start3A_874] : memref<917504x128xf32, #tpu.memory_space<hbm>> -> memref<50x64xf32, #tpu.memory_space<hbm>>
        %dma_start3A_876 = arith.constant 0 : i32
        %dma_start3A_877 = tpu.memref_slice %arg5[%mul3A_870, %dma_start3A_876] : memref<917504x128xf32, #tpu.memory_space<hbm>> -> memref<50x64xf32, #tpu.memory_space<hbm>>
        %dma_start3A_878 = arith.constant 500 : i32
        %dma_start3A_879 = arith.constant 0 : i32
        %dma_start3A_880 = tpu.memref_slice %arg16[%dma_start3A_878, %dma_start3A_879] : memref<800x64xf32, #tpu.memory_space<vmem>> -> memref<50x64xf32, #tpu.memory_space<vmem>>
        tpu.enqueue_dma source(%dma_start3A_880 : memref<50x64xf32, #tpu.memory_space<vmem>>) target(%dma_start3A_877 : memref<50x64xf32, #tpu.memory_space<hbm>>) target_semaphore(%arg20 : memref<!tpu.dma_semaphore, #tpu.memory_space<semaphore_mem>>)
        %add3A_881 = arith.constant 11 : i32
        %add3A_882 = arith.addi %add3A_726, %add3A_881 : i32
        %mul3A_883 = arith.constant 56 : i32
        %mul3A_884 = arith.muli %add3A_882, %mul3A_883 : i32
        %dma_start3A_885 = arith.constant 550 : i32
        %dma_start3A_886 = arith.constant 0 : i32
        %dma_start3A_887 = tpu.memref_slice %arg16[%dma_start3A_885, %dma_start3A_886] : memref<800x64xf32, #tpu.memory_space<vmem>> -> memref<50x64xf32, #tpu.memory_space<vmem>>
        %dma_start3A_888 = arith.constant 0 : i32
        %dma_start3A_889 = tpu.memref_slice %arg5[%mul3A_884, %dma_start3A_888] : memref<917504x128xf32, #tpu.memory_space<hbm>> -> memref<50x64xf32, #tpu.memory_space<hbm>>
        %dma_start3A_890 = arith.constant 0 : i32
        %dma_start3A_891 = tpu.memref_slice %arg5[%mul3A_884, %dma_start3A_890] : memref<917504x128xf32, #tpu.memory_space<hbm>> -> memref<50x64xf32, #tpu.memory_space<hbm>>
        %dma_start3A_892 = arith.constant 550 : i32
        %dma_start3A_893 = arith.constant 0 : i32
        %dma_start3A_894 = tpu.memref_slice %arg16[%dma_start3A_892, %dma_start3A_893] : memref<800x64xf32, #tpu.memory_space<vmem>> -> memref<50x64xf32, #tpu.memory_space<vmem>>
        tpu.enqueue_dma source(%dma_start3A_894 : memref<50x64xf32, #tpu.memory_space<vmem>>) target(%dma_start3A_891 : memref<50x64xf32, #tpu.memory_space<hbm>>) target_semaphore(%arg20 : memref<!tpu.dma_semaphore, #tpu.memory_space<semaphore_mem>>)
        %add3A_895 = arith.constant 12 : i32
        %add3A_896 = arith.addi %add3A_726, %add3A_895 : i32
        %mul3A_897 = arith.constant 56 : i32
        %mul3A_898 = arith.muli %add3A_896, %mul3A_897 : i32
        %dma_start3A_899 = arith.constant 600 : i32
        %dma_start3A_900 = arith.constant 0 : i32
        %dma_start3A_901 = tpu.memref_slice %arg16[%dma_start3A_899, %dma_start3A_900] : memref<800x64xf32, #tpu.memory_space<vmem>> -> memref<50x64xf32, #tpu.memory_space<vmem>>
        %dma_start3A_902 = arith.constant 0 : i32
        %dma_start3A_903 = tpu.memref_slice %arg5[%mul3A_898, %dma_start3A_902] : memref<917504x128xf32, #tpu.memory_space<hbm>> -> memref<50x64xf32, #tpu.memory_space<hbm>>
        %dma_start3A_904 = arith.constant 0 : i32
        %dma_start3A_905 = tpu.memref_slice %arg5[%mul3A_898, %dma_start3A_904] : memref<917504x128xf32, #tpu.memory_space<hbm>> -> memref<50x64xf32, #tpu.memory_space<hbm>>
        %dma_start3A_906 = arith.constant 600 : i32
        %dma_start3A_907 = arith.constant 0 : i32
        %dma_start3A_908 = tpu.memref_slice %arg16[%dma_start3A_906, %dma_start3A_907] : memref<800x64xf32, #tpu.memory_space<vmem>> -> memref<50x64xf32, #tpu.memory_space<vmem>>
        tpu.enqueue_dma source(%dma_start3A_908 : memref<50x64xf32, #tpu.memory_space<vmem>>) target(%dma_start3A_905 : memref<50x64xf32, #tpu.memory_space<hbm>>) target_semaphore(%arg20 : memref<!tpu.dma_semaphore, #tpu.memory_space<semaphore_mem>>)
        %add3A_909 = arith.constant 13 : i32
        %add3A_910 = arith.addi %add3A_726, %add3A_909 : i32
        %mul3A_911 = arith.constant 56 : i32
        %mul3A_912 = arith.muli %add3A_910, %mul3A_911 : i32
        %dma_start3A_913 = arith.constant 650 : i32
        %dma_start3A_914 = arith.constant 0 : i32
        %dma_start3A_915 = tpu.memref_slice %arg16[%dma_start3A_913, %dma_start3A_914] : memref<800x64xf32, #tpu.memory_space<vmem>> -> memref<50x64xf32, #tpu.memory_space<vmem>>
        %dma_start3A_916 = arith.constant 0 : i32
        %dma_start3A_917 = tpu.memref_slice %arg5[%mul3A_912, %dma_start3A_916] : memref<917504x128xf32, #tpu.memory_space<hbm>> -> memref<50x64xf32, #tpu.memory_space<hbm>>
        %dma_start3A_918 = arith.constant 0 : i32
        %dma_start3A_919 = tpu.memref_slice %arg5[%mul3A_912, %dma_start3A_918] : memref<917504x128xf32, #tpu.memory_space<hbm>> -> memref<50x64xf32, #tpu.memory_space<hbm>>
        %dma_start3A_920 = arith.constant 650 : i32
        %dma_start3A_921 = arith.constant 0 : i32
        %dma_start3A_922 = tpu.memref_slice %arg16[%dma_start3A_920, %dma_start3A_921] : memref<800x64xf32, #tpu.memory_space<vmem>> -> memref<50x64xf32, #tpu.memory_space<vmem>>
        tpu.enqueue_dma source(%dma_start3A_922 : memref<50x64xf32, #tpu.memory_space<vmem>>) target(%dma_start3A_919 : memref<50x64xf32, #tpu.memory_space<hbm>>) target_semaphore(%arg20 : memref<!tpu.dma_semaphore, #tpu.memory_space<semaphore_mem>>)
        %add3A_923 = arith.constant 14 : i32
        %add3A_924 = arith.addi %add3A_726, %add3A_923 : i32
        %mul3A_925 = arith.constant 56 : i32
        %mul3A_926 = arith.muli %add3A_924, %mul3A_925 : i32
        %dma_start3A_927 = arith.constant 700 : i32
        %dma_start3A_928 = arith.constant 0 : i32
        %dma_start3A_929 = tpu.memref_slice %arg16[%dma_start3A_927, %dma_start3A_928] : memref<800x64xf32, #tpu.memory_space<vmem>> -> memref<50x64xf32, #tpu.memory_space<vmem>>
        %dma_start3A_930 = arith.constant 0 : i32
        %dma_start3A_931 = tpu.memref_slice %arg5[%mul3A_926, %dma_start3A_930] : memref<917504x128xf32, #tpu.memory_space<hbm>> -> memref<50x64xf32, #tpu.memory_space<hbm>>
        %dma_start3A_932 = arith.constant 0 : i32
        %dma_start3A_933 = tpu.memref_slice %arg5[%mul3A_926, %dma_start3A_932] : memref<917504x128xf32, #tpu.memory_space<hbm>> -> memref<50x64xf32, #tpu.memory_space<hbm>>
        %dma_start3A_934 = arith.constant 700 : i32
        %dma_start3A_935 = arith.constant 0 : i32
        %dma_start3A_936 = tpu.memref_slice %arg16[%dma_start3A_934, %dma_start3A_935] : memref<800x64xf32, #tpu.memory_space<vmem>> -> memref<50x64xf32, #tpu.memory_space<vmem>>
        tpu.enqueue_dma source(%dma_start3A_936 : memref<50x64xf32, #tpu.memory_space<vmem>>) target(%dma_start3A_933 : memref<50x64xf32, #tpu.memory_space<hbm>>) target_semaphore(%arg20 : memref<!tpu.dma_semaphore, #tpu.memory_space<semaphore_mem>>)
        %add3A_937 = arith.constant 15 : i32
        %add3A_938 = arith.addi %add3A_726, %add3A_937 : i32
        %mul3A_939 = arith.constant 56 : i32
        %mul3A_940 = arith.muli %add3A_938, %mul3A_939 : i32
        %dma_start3A_941 = arith.constant 750 : i32
        %dma_start3A_942 = arith.constant 0 : i32
        %dma_start3A_943 = tpu.memref_slice %arg16[%dma_start3A_941, %dma_start3A_942] : memref<800x64xf32, #tpu.memory_space<vmem>> -> memref<50x64xf32, #tpu.memory_space<vmem>>
        %dma_start3A_944 = arith.constant 0 : i32
        %dma_start3A_945 = tpu.memref_slice %arg5[%mul3A_940, %dma_start3A_944] : memref<917504x128xf32, #tpu.memory_space<hbm>> -> memref<50x64xf32, #tpu.memory_space<hbm>>
        %dma_start3A_946 = arith.constant 0 : i32
        %dma_start3A_947 = tpu.memref_slice %arg5[%mul3A_940, %dma_start3A_946] : memref<917504x128xf32, #tpu.memory_space<hbm>> -> memref<50x64xf32, #tpu.memory_space<hbm>>
        %dma_start3A_948 = arith.constant 750 : i32
        %dma_start3A_949 = arith.constant 0 : i32
        %dma_start3A_950 = tpu.memref_slice %arg16[%dma_start3A_948, %dma_start3A_949] : memref<800x64xf32, #tpu.memory_space<vmem>> -> memref<50x64xf32, #tpu.memory_space<vmem>>
        tpu.enqueue_dma source(%dma_start3A_950 : memref<50x64xf32, #tpu.memory_space<vmem>>) target(%dma_start3A_947 : memref<50x64xf32, #tpu.memory_space<hbm>>) target_semaphore(%arg20 : memref<!tpu.dma_semaphore, #tpu.memory_space<semaphore_mem>>)
      } else {
      }
      %mul3A_677 = arith.constant 2 : i32
      %mul3A_678 = arith.muli %mul3A_677, %scan3A_643 : i32
      %add3A_679 = arith.constant 1 : i32
      %add3A_680 = arith.addi %mul3A_678, %add3A_679 : i32
      %mul3A_681 = arith.constant 16 : i32
      %mul3A_682 = arith.muli %add3A_680, %mul3A_681 : i32
      %add3A_683 = arith.addi %mul3A_2, %mul3A_682 : i32
      %dma_wait3A_684 = arith.constant 0 : i32
      %dma_wait3A_685 = tpu.memref_slice %arg4[%add3A_683, %dma_wait3A_684] : memref<16384x50xi32, #tpu.memory_space<hbm>> -> memref<16x50xi32, #tpu.memory_space<hbm>>
      %dma_wait3A_686 = arith.constant 0 : i32
      %dma_wait3A_687 = tpu.memref_slice %arg4[%add3A_683, %dma_wait3A_686] : memref<16384x50xi32, #tpu.memory_space<hbm>> -> memref<16x50xi32, #tpu.memory_space<hbm>>
      tpu.wait_dma2 semaphore(%arg22 : memref<!tpu.dma_semaphore, #tpu.memory_space<semaphore_mem>>) src(%dma_wait3A_687 : memref<16x50xi32, #tpu.memory_space<hbm>>) dst(%arg8 : memref<16x50xi32, #tpu.memory_space<vmem>>)
      %scan3A_688 = arith.constant 0 : i32
      %scan3A_689 = arith.constant 0 : i32
      %scan3A_690 = arith.constant 50 : i32
      %scan3A_691 = arith.addi %scan3A_689, %scan3A_690 : i32
      %scan3A_692 = arith.constant 1 : i32
      scf.for %scan3A_714 = %scan3A_689 to %scan3A_691 step %scan3A_692  : i32 {
        %mul3A_715 = arith.constant 16 : i32
        %mul3A_716 = arith.muli %scan3A_714, %mul3A_715 : i32
        %get3A = arith.index_cast %mul3A_716 : i32 to index
        %get3A_717 = tpu.vector_load %arg9[%get3A] {strides = array<i32>} : memref<800xi32, #tpu.memory_space<vmem>>, vector<16xi32>,
        %get3A_718 = arith.index_cast %mul3A_716 : i32 to index
        %get3A_719 = tpu.vector_load %arg10[%get3A_718] {strides = array<i32>} : memref<800xi32, #tpu.memory_space<vmem>>, vector<16xi32>,
        %gather3A = tpu.vector_load_idx %arg8[%get3A_717, %get3A_719] : memref<16x50xi32, #tpu.memory_space<vmem>>[vector<16xi32>, vector<16xi32>], vector<16xi32>,
        %swap3A = arith.index_cast %mul3A_716 : i32 to index
        %swap3A_720 = tpu.vector_load %arg12[%swap3A] {strides = array<i32>} : memref<800xi32, #tpu.memory_space<vmem>>, vector<16xi32>,
        tpu.vector_store %arg12[%swap3A], %gather3A {strides = array<i32>} : memref<800xi32, #tpu.memory_space<vmem>>, vector<16xi32>,
        %min3A = arith.constant 99999 : i32
        %min3A_721 = vector.broadcast %min3A : i32 to vector<16xi32>
        %min3A_722 = arith.minsi %gather3A, %min3A_721 : vector<16xi32>
        %swap3A_723 = arith.index_cast %mul3A_716 : i32 to index
        %swap3A_724 = tpu.vector_load %arg14[%swap3A_723] {strides = array<i32>} : memref<800xi32, #tpu.memory_space<vmem>>, vector<16xi32>,
        tpu.vector_store %arg14[%swap3A_723], %min3A_722 {strides = array<i32>} : memref<800xi32, #tpu.memory_space<vmem>>, vector<16xi32>,
      }
      %scan3A_693 = arith.constant 50 : i32
      %add3A_694 = arith.constant 2 : i32
      %add3A_695 = arith.addi %add3A_680, %add3A_694 : i32
      %lt3A_696 = arith.constant 32 : i32
      %lt3A_697 = arith.cmpi slt, %add3A_695, %lt3A_696 : i32
      %convert_element_type3A_698 = arith.extui %lt3A_697 : i1 to i32
      %cond3A_699 = arith.constant 0 : i32
      %cond3A_700 = arith.cmpi ne, %convert_element_type3A_698, %cond3A_699 : i32
      scf.if %cond3A_700 {
        %add3A_714 = arith.constant 2 : i32
        %add3A_715 = arith.addi %add3A_680, %add3A_714 : i32
        %mul3A_716 = arith.constant 16 : i32
        %mul3A_717 = arith.muli %add3A_715, %mul3A_716 : i32
        %add3A_718 = arith.addi %mul3A_2, %mul3A_717 : i32
        %dma_start3A_719 = arith.constant 0 : i32
        %dma_start3A_720 = tpu.memref_slice %arg4[%add3A_718, %dma_start3A_719] : memref<16384x50xi32, #tpu.memory_space<hbm>> -> memref<16x50xi32, #tpu.memory_space<hbm>>
        %dma_start3A_721 = arith.constant 0 : i32
        %dma_start3A_722 = tpu.memref_slice %arg4[%add3A_718, %dma_start3A_721] : memref<16384x50xi32, #tpu.memory_space<hbm>> -> memref<16x50xi32, #tpu.memory_space<hbm>>
        tpu.enqueue_dma source(%dma_start3A_722 : memref<16x50xi32, #tpu.memory_space<hbm>>) target(%arg8 : memref<16x50xi32, #tpu.memory_space<vmem>>) target_semaphore(%arg22 : memref<!tpu.dma_semaphore, #tpu.memory_space<semaphore_mem>>)
      } else {
      }
      %ge3A_701 = arith.constant 2 : i32
      %ge3A_702 = arith.cmpi sge, %add3A_680, %ge3A_701 : i32
      %convert_element_type3A_703 = arith.extui %ge3A_702 : i1 to i32
      %cond3A_704 = arith.constant 0 : i32
      %cond3A_705 = arith.cmpi ne, %convert_element_type3A_703, %cond3A_704 : i32
      scf.if %cond3A_705 {
        %mul3A_714 = arith.constant 56 : i32
        %mul3A_715 = arith.muli %mul3A_2, %mul3A_714 : i32
        %dma_wait3A_716 = arith.constant 0 : i32
        %dma_wait3A_717 = arith.constant 0 : i32
        %dma_wait3A_718 = tpu.memref_slice %arg16[%dma_wait3A_716, %dma_wait3A_717] : memref<800x64xf32, #tpu.memory_space<vmem>> -> memref<50x64xf32, #tpu.memory_space<vmem>>
        %dma_wait3A_719 = arith.constant 0 : i32
        %dma_wait3A_720 = tpu.memref_slice %arg5[%mul3A_715, %dma_wait3A_719] : memref<917504x128xf32, #tpu.memory_space<hbm>> -> memref<50x64xf32, #tpu.memory_space<hbm>>
        %dma_wait3A_721 = arith.constant 0 : i32
        %dma_wait3A_722 = tpu.memref_slice %arg5[%mul3A_715, %dma_wait3A_721] : memref<917504x128xf32, #tpu.memory_space<hbm>> -> memref<50x64xf32, #tpu.memory_space<hbm>>
        %dma_wait3A_723 = arith.constant 0 : i32
        %dma_wait3A_724 = arith.constant 0 : i32
        %dma_wait3A_725 = tpu.memref_slice %arg16[%dma_wait3A_723, %dma_wait3A_724] : memref<800x64xf32, #tpu.memory_space<vmem>> -> memref<50x64xf32, #tpu.memory_space<vmem>>
        tpu.wait_dma2 semaphore(%arg20 : memref<!tpu.dma_semaphore, #tpu.memory_space<semaphore_mem>>) src(%dma_wait3A_725 : memref<50x64xf32, #tpu.memory_space<vmem>>) dst(%dma_wait3A_722 : memref<50x64xf32, #tpu.memory_space<hbm>>)
        %mul3A_726 = arith.constant 56 : i32
        %mul3A_727 = arith.muli %mul3A_2, %mul3A_726 : i32
        %dma_wait3A_728 = arith.constant 50 : i32
        %dma_wait3A_729 = arith.constant 0 : i32
        %dma_wait3A_730 = tpu.memref_slice %arg16[%dma_wait3A_728, %dma_wait3A_729] : memref<800x64xf32, #tpu.memory_space<vmem>> -> memref<50x64xf32, #tpu.memory_space<vmem>>
        %dma_wait3A_731 = arith.constant 0 : i32
        %dma_wait3A_732 = tpu.memref_slice %arg5[%mul3A_727, %dma_wait3A_731] : memref<917504x128xf32, #tpu.memory_space<hbm>> -> memref<50x64xf32, #tpu.memory_space<hbm>>
        %dma_wait3A_733 = arith.constant 0 : i32
        %dma_wait3A_734 = tpu.memref_slice %arg5[%mul3A_727, %dma_wait3A_733] : memref<917504x128xf32, #tpu.memory_space<hbm>> -> memref<50x64xf32, #tpu.memory_space<hbm>>
        %dma_wait3A_735 = arith.constant 50 : i32
        %dma_wait3A_736 = arith.constant 0 : i32
        %dma_wait3A_737 = tpu.memref_slice %arg16[%dma_wait3A_735, %dma_wait3A_736] : memref<800x64xf32, #tpu.memory_space<vmem>> -> memref<50x64xf32, #tpu.memory_space<vmem>>
        tpu.wait_dma2 semaphore(%arg20 : memref<!tpu.dma_semaphore, #tpu.memory_space<semaphore_mem>>) src(%dma_wait3A_737 : memref<50x64xf32, #tpu.memory_space<vmem>>) dst(%dma_wait3A_734 : memref<50x64xf32, #tpu.memory_space<hbm>>)
        %mul3A_738 = arith.constant 56 : i32
        %mul3A_739 = arith.muli %mul3A_2, %mul3A_738 : i32
        %dma_wait3A_740 = arith.constant 100 : i32
        %dma_wait3A_741 = arith.constant 0 : i32
        %dma_wait3A_742 = tpu.memref_slice %arg16[%dma_wait3A_740, %dma_wait3A_741] : memref<800x64xf32, #tpu.memory_space<vmem>> -> memref<50x64xf32, #tpu.memory_space<vmem>>
        %dma_wait3A_743 = arith.constant 0 : i32
        %dma_wait3A_744 = tpu.memref_slice %arg5[%mul3A_739, %dma_wait3A_743] : memref<917504x128xf32, #tpu.memory_space<hbm>> -> memref<50x64xf32, #tpu.memory_space<hbm>>
        %dma_wait3A_745 = arith.constant 0 : i32
        %dma_wait3A_746 = tpu.memref_slice %arg5[%mul3A_739, %dma_wait3A_745] : memref<917504x128xf32, #tpu.memory_space<hbm>> -> memref<50x64xf32, #tpu.memory_space<hbm>>
        %dma_wait3A_747 = arith.constant 100 : i32
        %dma_wait3A_748 = arith.constant 0 : i32
        %dma_wait3A_749 = tpu.memref_slice %arg16[%dma_wait3A_747, %dma_wait3A_748] : memref<800x64xf32, #tpu.memory_space<vmem>> -> memref<50x64xf32, #tpu.memory_space<vmem>>
        tpu.wait_dma2 semaphore(%arg20 : memref<!tpu.dma_semaphore, #tpu.memory_space<semaphore_mem>>) src(%dma_wait3A_749 : memref<50x64xf32, #tpu.memory_space<vmem>>) dst(%dma_wait3A_746 : memref<50x64xf32, #tpu.memory_space<hbm>>)
        %mul3A_750 = arith.constant 56 : i32
        %mul3A_751 = arith.muli %mul3A_2, %mul3A_750 : i32
        %dma_wait3A_752 = arith.constant 150 : i32
        %dma_wait3A_753 = arith.constant 0 : i32
        %dma_wait3A_754 = tpu.memref_slice %arg16[%dma_wait3A_752, %dma_wait3A_753] : memref<800x64xf32, #tpu.memory_space<vmem>> -> memref<50x64xf32, #tpu.memory_space<vmem>>
        %dma_wait3A_755 = arith.constant 0 : i32
        %dma_wait3A_756 = tpu.memref_slice %arg5[%mul3A_751, %dma_wait3A_755] : memref<917504x128xf32, #tpu.memory_space<hbm>> -> memref<50x64xf32, #tpu.memory_space<hbm>>
        %dma_wait3A_757 = arith.constant 0 : i32
        %dma_wait3A_758 = tpu.memref_slice %arg5[%mul3A_751, %dma_wait3A_757] : memref<917504x128xf32, #tpu.memory_space<hbm>> -> memref<50x64xf32, #tpu.memory_space<hbm>>
        %dma_wait3A_759 = arith.constant 150 : i32
        %dma_wait3A_760 = arith.constant 0 : i32
        %dma_wait3A_761 = tpu.memref_slice %arg16[%dma_wait3A_759, %dma_wait3A_760] : memref<800x64xf32, #tpu.memory_space<vmem>> -> memref<50x64xf32, #tpu.memory_space<vmem>>
        tpu.wait_dma2 semaphore(%arg20 : memref<!tpu.dma_semaphore, #tpu.memory_space<semaphore_mem>>) src(%dma_wait3A_761 : memref<50x64xf32, #tpu.memory_space<vmem>>) dst(%dma_wait3A_758 : memref<50x64xf32, #tpu.memory_space<hbm>>)
        %mul3A_762 = arith.constant 56 : i32
        %mul3A_763 = arith.muli %mul3A_2, %mul3A_762 : i32
        %dma_wait3A_764 = arith.constant 200 : i32
        %dma_wait3A_765 = arith.constant 0 : i32
        %dma_wait3A_766 = tpu.memref_slice %arg16[%dma_wait3A_764, %dma_wait3A_765] : memref<800x64xf32, #tpu.memory_space<vmem>> -> memref<50x64xf32, #tpu.memory_space<vmem>>
        %dma_wait3A_767 = arith.constant 0 : i32
        %dma_wait3A_768 = tpu.memref_slice %arg5[%mul3A_763, %dma_wait3A_767] : memref<917504x128xf32, #tpu.memory_space<hbm>> -> memref<50x64xf32, #tpu.memory_space<hbm>>
        %dma_wait3A_769 = arith.constant 0 : i32
        %dma_wait3A_770 = tpu.memref_slice %arg5[%mul3A_763, %dma_wait3A_769] : memref<917504x128xf32, #tpu.memory_space<hbm>> -> memref<50x64xf32, #tpu.memory_space<hbm>>
        %dma_wait3A_771 = arith.constant 200 : i32
        %dma_wait3A_772 = arith.constant 0 : i32
        %dma_wait3A_773 = tpu.memref_slice %arg16[%dma_wait3A_771, %dma_wait3A_772] : memref<800x64xf32, #tpu.memory_space<vmem>> -> memref<50x64xf32, #tpu.memory_space<vmem>>
        tpu.wait_dma2 semaphore(%arg20 : memref<!tpu.dma_semaphore, #tpu.memory_space<semaphore_mem>>) src(%dma_wait3A_773 : memref<50x64xf32, #tpu.memory_space<vmem>>) dst(%dma_wait3A_770 : memref<50x64xf32, #tpu.memory_space<hbm>>)
        %mul3A_774 = arith.constant 56 : i32
        %mul3A_775 = arith.muli %mul3A_2, %mul3A_774 : i32
        %dma_wait3A_776 = arith.constant 250 : i32
        %dma_wait3A_777 = arith.constant 0 : i32
        %dma_wait3A_778 = tpu.memref_slice %arg16[%dma_wait3A_776, %dma_wait3A_777] : memref<800x64xf32, #tpu.memory_space<vmem>> -> memref<50x64xf32, #tpu.memory_space<vmem>>
        %dma_wait3A_779 = arith.constant 0 : i32
        %dma_wait3A_780 = tpu.memref_slice %arg5[%mul3A_775, %dma_wait3A_779] : memref<917504x128xf32, #tpu.memory_space<hbm>> -> memref<50x64xf32, #tpu.memory_space<hbm>>
        %dma_wait3A_781 = arith.constant 0 : i32
        %dma_wait3A_782 = tpu.memref_slice %arg5[%mul3A_775, %dma_wait3A_781] : memref<917504x128xf32, #tpu.memory_space<hbm>> -> memref<50x64xf32, #tpu.memory_space<hbm>>
        %dma_wait3A_783 = arith.constant 250 : i32
        %dma_wait3A_784 = arith.constant 0 : i32
        %dma_wait3A_785 = tpu.memref_slice %arg16[%dma_wait3A_783, %dma_wait3A_784] : memref<800x64xf32, #tpu.memory_space<vmem>> -> memref<50x64xf32, #tpu.memory_space<vmem>>
        tpu.wait_dma2 semaphore(%arg20 : memref<!tpu.dma_semaphore, #tpu.memory_space<semaphore_mem>>) src(%dma_wait3A_785 : memref<50x64xf32, #tpu.memory_space<vmem>>) dst(%dma_wait3A_782 : memref<50x64xf32, #tpu.memory_space<hbm>>)
        %mul3A_786 = arith.constant 56 : i32
        %mul3A_787 = arith.muli %mul3A_2, %mul3A_786 : i32
        %dma_wait3A_788 = arith.constant 300 : i32
        %dma_wait3A_789 = arith.constant 0 : i32
        %dma_wait3A_790 = tpu.memref_slice %arg16[%dma_wait3A_788, %dma_wait3A_789] : memref<800x64xf32, #tpu.memory_space<vmem>> -> memref<50x64xf32, #tpu.memory_space<vmem>>
        %dma_wait3A_791 = arith.constant 0 : i32
        %dma_wait3A_792 = tpu.memref_slice %arg5[%mul3A_787, %dma_wait3A_791] : memref<917504x128xf32, #tpu.memory_space<hbm>> -> memref<50x64xf32, #tpu.memory_space<hbm>>
        %dma_wait3A_793 = arith.constant 0 : i32
        %dma_wait3A_794 = tpu.memref_slice %arg5[%mul3A_787, %dma_wait3A_793] : memref<917504x128xf32, #tpu.memory_space<hbm>> -> memref<50x64xf32, #tpu.memory_space<hbm>>
        %dma_wait3A_795 = arith.constant 300 : i32
        %dma_wait3A_796 = arith.constant 0 : i32
        %dma_wait3A_797 = tpu.memref_slice %arg16[%dma_wait3A_795, %dma_wait3A_796] : memref<800x64xf32, #tpu.memory_space<vmem>> -> memref<50x64xf32, #tpu.memory_space<vmem>>
        tpu.wait_dma2 semaphore(%arg20 : memref<!tpu.dma_semaphore, #tpu.memory_space<semaphore_mem>>) src(%dma_wait3A_797 : memref<50x64xf32, #tpu.memory_space<vmem>>) dst(%dma_wait3A_794 : memref<50x64xf32, #tpu.memory_space<hbm>>)
        %mul3A_798 = arith.constant 56 : i32
        %mul3A_799 = arith.muli %mul3A_2, %mul3A_798 : i32
        %dma_wait3A_800 = arith.constant 350 : i32
        %dma_wait3A_801 = arith.constant 0 : i32
        %dma_wait3A_802 = tpu.memref_slice %arg16[%dma_wait3A_800, %dma_wait3A_801] : memref<800x64xf32, #tpu.memory_space<vmem>> -> memref<50x64xf32, #tpu.memory_space<vmem>>
        %dma_wait3A_803 = arith.constant 0 : i32
        %dma_wait3A_804 = tpu.memref_slice %arg5[%mul3A_799, %dma_wait3A_803] : memref<917504x128xf32, #tpu.memory_space<hbm>> -> memref<50x64xf32, #tpu.memory_space<hbm>>
        %dma_wait3A_805 = arith.constant 0 : i32
        %dma_wait3A_806 = tpu.memref_slice %arg5[%mul3A_799, %dma_wait3A_805] : memref<917504x128xf32, #tpu.memory_space<hbm>> -> memref<50x64xf32, #tpu.memory_space<hbm>>
        %dma_wait3A_807 = arith.constant 350 : i32
        %dma_wait3A_808 = arith.constant 0 : i32
        %dma_wait3A_809 = tpu.memref_slice %arg16[%dma_wait3A_807, %dma_wait3A_808] : memref<800x64xf32, #tpu.memory_space<vmem>> -> memref<50x64xf32, #tpu.memory_space<vmem>>
        tpu.wait_dma2 semaphore(%arg20 : memref<!tpu.dma_semaphore, #tpu.memory_space<semaphore_mem>>) src(%dma_wait3A_809 : memref<50x64xf32, #tpu.memory_space<vmem>>) dst(%dma_wait3A_806 : memref<50x64xf32, #tpu.memory_space<hbm>>)
        %mul3A_810 = arith.constant 56 : i32
        %mul3A_811 = arith.muli %mul3A_2, %mul3A_810 : i32
        %dma_wait3A_812 = arith.constant 400 : i32
        %dma_wait3A_813 = arith.constant 0 : i32
        %dma_wait3A_814 = tpu.memref_slice %arg16[%dma_wait3A_812, %dma_wait3A_813] : memref<800x64xf32, #tpu.memory_space<vmem>> -> memref<50x64xf32, #tpu.memory_space<vmem>>
        %dma_wait3A_815 = arith.constant 0 : i32
        %dma_wait3A_816 = tpu.memref_slice %arg5[%mul3A_811, %dma_wait3A_815] : memref<917504x128xf32, #tpu.memory_space<hbm>> -> memref<50x64xf32, #tpu.memory_space<hbm>>
        %dma_wait3A_817 = arith.constant 0 : i32
        %dma_wait3A_818 = tpu.memref_slice %arg5[%mul3A_811, %dma_wait3A_817] : memref<917504x128xf32, #tpu.memory_space<hbm>> -> memref<50x64xf32, #tpu.memory_space<hbm>>
        %dma_wait3A_819 = arith.constant 400 : i32
        %dma_wait3A_820 = arith.constant 0 : i32
        %dma_wait3A_821 = tpu.memref_slice %arg16[%dma_wait3A_819, %dma_wait3A_820] : memref<800x64xf32, #tpu.memory_space<vmem>> -> memref<50x64xf32, #tpu.memory_space<vmem>>
        tpu.wait_dma2 semaphore(%arg20 : memref<!tpu.dma_semaphore, #tpu.memory_space<semaphore_mem>>) src(%dma_wait3A_821 : memref<50x64xf32, #tpu.memory_space<vmem>>) dst(%dma_wait3A_818 : memref<50x64xf32, #tpu.memory_space<hbm>>)
        %mul3A_822 = arith.constant 56 : i32
        %mul3A_823 = arith.muli %mul3A_2, %mul3A_822 : i32
        %dma_wait3A_824 = arith.constant 450 : i32
        %dma_wait3A_825 = arith.constant 0 : i32
        %dma_wait3A_826 = tpu.memref_slice %arg16[%dma_wait3A_824, %dma_wait3A_825] : memref<800x64xf32, #tpu.memory_space<vmem>> -> memref<50x64xf32, #tpu.memory_space<vmem>>
        %dma_wait3A_827 = arith.constant 0 : i32
        %dma_wait3A_828 = tpu.memref_slice %arg5[%mul3A_823, %dma_wait3A_827] : memref<917504x128xf32, #tpu.memory_space<hbm>> -> memref<50x64xf32, #tpu.memory_space<hbm>>
        %dma_wait3A_829 = arith.constant 0 : i32
        %dma_wait3A_830 = tpu.memref_slice %arg5[%mul3A_823, %dma_wait3A_829] : memref<917504x128xf32, #tpu.memory_space<hbm>> -> memref<50x64xf32, #tpu.memory_space<hbm>>
        %dma_wait3A_831 = arith.constant 450 : i32
        %dma_wait3A_832 = arith.constant 0 : i32
        %dma_wait3A_833 = tpu.memref_slice %arg16[%dma_wait3A_831, %dma_wait3A_832] : memref<800x64xf32, #tpu.memory_space<vmem>> -> memref<50x64xf32, #tpu.memory_space<vmem>>
        tpu.wait_dma2 semaphore(%arg20 : memref<!tpu.dma_semaphore, #tpu.memory_space<semaphore_mem>>) src(%dma_wait3A_833 : memref<50x64xf32, #tpu.memory_space<vmem>>) dst(%dma_wait3A_830 : memref<50x64xf32, #tpu.memory_space<hbm>>)
        %mul3A_834 = arith.constant 56 : i32
        %mul3A_835 = arith.muli %mul3A_2, %mul3A_834 : i32
        %dma_wait3A_836 = arith.constant 500 : i32
        %dma_wait3A_837 = arith.constant 0 : i32
        %dma_wait3A_838 = tpu.memref_slice %arg16[%dma_wait3A_836, %dma_wait3A_837] : memref<800x64xf32, #tpu.memory_space<vmem>> -> memref<50x64xf32, #tpu.memory_space<vmem>>
        %dma_wait3A_839 = arith.constant 0 : i32
        %dma_wait3A_840 = tpu.memref_slice %arg5[%mul3A_835, %dma_wait3A_839] : memref<917504x128xf32, #tpu.memory_space<hbm>> -> memref<50x64xf32, #tpu.memory_space<hbm>>
        %dma_wait3A_841 = arith.constant 0 : i32
        %dma_wait3A_842 = tpu.memref_slice %arg5[%mul3A_835, %dma_wait3A_841] : memref<917504x128xf32, #tpu.memory_space<hbm>> -> memref<50x64xf32, #tpu.memory_space<hbm>>
        %dma_wait3A_843 = arith.constant 500 : i32
        %dma_wait3A_844 = arith.constant 0 : i32
        %dma_wait3A_845 = tpu.memref_slice %arg16[%dma_wait3A_843, %dma_wait3A_844] : memref<800x64xf32, #tpu.memory_space<vmem>> -> memref<50x64xf32, #tpu.memory_space<vmem>>
        tpu.wait_dma2 semaphore(%arg20 : memref<!tpu.dma_semaphore, #tpu.memory_space<semaphore_mem>>) src(%dma_wait3A_845 : memref<50x64xf32, #tpu.memory_space<vmem>>) dst(%dma_wait3A_842 : memref<50x64xf32, #tpu.memory_space<hbm>>)
        %mul3A_846 = arith.constant 56 : i32
        %mul3A_847 = arith.muli %mul3A_2, %mul3A_846 : i32
        %dma_wait3A_848 = arith.constant 550 : i32
        %dma_wait3A_849 = arith.constant 0 : i32
        %dma_wait3A_850 = tpu.memref_slice %arg16[%dma_wait3A_848, %dma_wait3A_849] : memref<800x64xf32, #tpu.memory_space<vmem>> -> memref<50x64xf32, #tpu.memory_space<vmem>>
        %dma_wait3A_851 = arith.constant 0 : i32
        %dma_wait3A_852 = tpu.memref_slice %arg5[%mul3A_847, %dma_wait3A_851] : memref<917504x128xf32, #tpu.memory_space<hbm>> -> memref<50x64xf32, #tpu.memory_space<hbm>>
        %dma_wait3A_853 = arith.constant 0 : i32
        %dma_wait3A_854 = tpu.memref_slice %arg5[%mul3A_847, %dma_wait3A_853] : memref<917504x128xf32, #tpu.memory_space<hbm>> -> memref<50x64xf32, #tpu.memory_space<hbm>>
        %dma_wait3A_855 = arith.constant 550 : i32
        %dma_wait3A_856 = arith.constant 0 : i32
        %dma_wait3A_857 = tpu.memref_slice %arg16[%dma_wait3A_855, %dma_wait3A_856] : memref<800x64xf32, #tpu.memory_space<vmem>> -> memref<50x64xf32, #tpu.memory_space<vmem>>
        tpu.wait_dma2 semaphore(%arg20 : memref<!tpu.dma_semaphore, #tpu.memory_space<semaphore_mem>>) src(%dma_wait3A_857 : memref<50x64xf32, #tpu.memory_space<vmem>>) dst(%dma_wait3A_854 : memref<50x64xf32, #tpu.memory_space<hbm>>)
        %mul3A_858 = arith.constant 56 : i32
        %mul3A_859 = arith.muli %mul3A_2, %mul3A_858 : i32
        %dma_wait3A_860 = arith.constant 600 : i32
        %dma_wait3A_861 = arith.constant 0 : i32
        %dma_wait3A_862 = tpu.memref_slice %arg16[%dma_wait3A_860, %dma_wait3A_861] : memref<800x64xf32, #tpu.memory_space<vmem>> -> memref<50x64xf32, #tpu.memory_space<vmem>>
        %dma_wait3A_863 = arith.constant 0 : i32
        %dma_wait3A_864 = tpu.memref_slice %arg5[%mul3A_859, %dma_wait3A_863] : memref<917504x128xf32, #tpu.memory_space<hbm>> -> memref<50x64xf32, #tpu.memory_space<hbm>>
        %dma_wait3A_865 = arith.constant 0 : i32
        %dma_wait3A_866 = tpu.memref_slice %arg5[%mul3A_859, %dma_wait3A_865] : memref<917504x128xf32, #tpu.memory_space<hbm>> -> memref<50x64xf32, #tpu.memory_space<hbm>>
        %dma_wait3A_867 = arith.constant 600 : i32
        %dma_wait3A_868 = arith.constant 0 : i32
        %dma_wait3A_869 = tpu.memref_slice %arg16[%dma_wait3A_867, %dma_wait3A_868] : memref<800x64xf32, #tpu.memory_space<vmem>> -> memref<50x64xf32, #tpu.memory_space<vmem>>
        tpu.wait_dma2 semaphore(%arg20 : memref<!tpu.dma_semaphore, #tpu.memory_space<semaphore_mem>>) src(%dma_wait3A_869 : memref<50x64xf32, #tpu.memory_space<vmem>>) dst(%dma_wait3A_866 : memref<50x64xf32, #tpu.memory_space<hbm>>)
        %mul3A_870 = arith.constant 56 : i32
        %mul3A_871 = arith.muli %mul3A_2, %mul3A_870 : i32
        %dma_wait3A_872 = arith.constant 650 : i32
        %dma_wait3A_873 = arith.constant 0 : i32
        %dma_wait3A_874 = tpu.memref_slice %arg16[%dma_wait3A_872, %dma_wait3A_873] : memref<800x64xf32, #tpu.memory_space<vmem>> -> memref<50x64xf32, #tpu.memory_space<vmem>>
        %dma_wait3A_875 = arith.constant 0 : i32
        %dma_wait3A_876 = tpu.memref_slice %arg5[%mul3A_871, %dma_wait3A_875] : memref<917504x128xf32, #tpu.memory_space<hbm>> -> memref<50x64xf32, #tpu.memory_space<hbm>>
        %dma_wait3A_877 = arith.constant 0 : i32
        %dma_wait3A_878 = tpu.memref_slice %arg5[%mul3A_871, %dma_wait3A_877] : memref<917504x128xf32, #tpu.memory_space<hbm>> -> memref<50x64xf32, #tpu.memory_space<hbm>>
        %dma_wait3A_879 = arith.constant 650 : i32
        %dma_wait3A_880 = arith.constant 0 : i32
        %dma_wait3A_881 = tpu.memref_slice %arg16[%dma_wait3A_879, %dma_wait3A_880] : memref<800x64xf32, #tpu.memory_space<vmem>> -> memref<50x64xf32, #tpu.memory_space<vmem>>
        tpu.wait_dma2 semaphore(%arg20 : memref<!tpu.dma_semaphore, #tpu.memory_space<semaphore_mem>>) src(%dma_wait3A_881 : memref<50x64xf32, #tpu.memory_space<vmem>>) dst(%dma_wait3A_878 : memref<50x64xf32, #tpu.memory_space<hbm>>)
        %mul3A_882 = arith.constant 56 : i32
        %mul3A_883 = arith.muli %mul3A_2, %mul3A_882 : i32
        %dma_wait3A_884 = arith.constant 700 : i32
        %dma_wait3A_885 = arith.constant 0 : i32
        %dma_wait3A_886 = tpu.memref_slice %arg16[%dma_wait3A_884, %dma_wait3A_885] : memref<800x64xf32, #tpu.memory_space<vmem>> -> memref<50x64xf32, #tpu.memory_space<vmem>>
        %dma_wait3A_887 = arith.constant 0 : i32
        %dma_wait3A_888 = tpu.memref_slice %arg5[%mul3A_883, %dma_wait3A_887] : memref<917504x128xf32, #tpu.memory_space<hbm>> -> memref<50x64xf32, #tpu.memory_space<hbm>>
        %dma_wait3A_889 = arith.constant 0 : i32
        %dma_wait3A_890 = tpu.memref_slice %arg5[%mul3A_883, %dma_wait3A_889] : memref<917504x128xf32, #tpu.memory_space<hbm>> -> memref<50x64xf32, #tpu.memory_space<hbm>>
        %dma_wait3A_891 = arith.constant 700 : i32
        %dma_wait3A_892 = arith.constant 0 : i32
        %dma_wait3A_893 = tpu.memref_slice %arg16[%dma_wait3A_891, %dma_wait3A_892] : memref<800x64xf32, #tpu.memory_space<vmem>> -> memref<50x64xf32, #tpu.memory_space<vmem>>
        tpu.wait_dma2 semaphore(%arg20 : memref<!tpu.dma_semaphore, #tpu.memory_space<semaphore_mem>>) src(%dma_wait3A_893 : memref<50x64xf32, #tpu.memory_space<vmem>>) dst(%dma_wait3A_890 : memref<50x64xf32, #tpu.memory_space<hbm>>)
        %mul3A_894 = arith.constant 56 : i32
        %mul3A_895 = arith.muli %mul3A_2, %mul3A_894 : i32
        %dma_wait3A_896 = arith.constant 750 : i32
        %dma_wait3A_897 = arith.constant 0 : i32
        %dma_wait3A_898 = tpu.memref_slice %arg16[%dma_wait3A_896, %dma_wait3A_897] : memref<800x64xf32, #tpu.memory_space<vmem>> -> memref<50x64xf32, #tpu.memory_space<vmem>>
        %dma_wait3A_899 = arith.constant 0 : i32
        %dma_wait3A_900 = tpu.memref_slice %arg5[%mul3A_895, %dma_wait3A_899] : memref<917504x128xf32, #tpu.memory_space<hbm>> -> memref<50x64xf32, #tpu.memory_space<hbm>>
        %dma_wait3A_901 = arith.constant 0 : i32
        %dma_wait3A_902 = tpu.memref_slice %arg5[%mul3A_895, %dma_wait3A_901] : memref<917504x128xf32, #tpu.memory_space<hbm>> -> memref<50x64xf32, #tpu.memory_space<hbm>>
        %dma_wait3A_903 = arith.constant 750 : i32
        %dma_wait3A_904 = arith.constant 0 : i32
        %dma_wait3A_905 = tpu.memref_slice %arg16[%dma_wait3A_903, %dma_wait3A_904] : memref<800x64xf32, #tpu.memory_space<vmem>> -> memref<50x64xf32, #tpu.memory_space<vmem>>
        tpu.wait_dma2 semaphore(%arg20 : memref<!tpu.dma_semaphore, #tpu.memory_space<semaphore_mem>>) src(%dma_wait3A_905 : memref<50x64xf32, #tpu.memory_space<vmem>>) dst(%dma_wait3A_902 : memref<50x64xf32, #tpu.memory_space<hbm>>)
      } else {
      }
      %dma_start3A_706 = arith.constant 0 : i32
      %dma_start3A_707 = arith.constant 0 : i32
      %dma_start3A_708 = tpu.memref_slice %arg2[%dma_start3A_706, %dma_start3A_707] : memref<100000x64xf32, #tpu.memory_space<hbm>> -> memref<100000x64xf32, #tpu.memory_space<hbm>>
      tpu.enqueue_indirect_dma source(%dma_start3A_708 : memref<100000x64xf32, #tpu.memory_space<hbm>>) target(%arg16 : memref<800x64xf32, #tpu.memory_space<vmem>>) offsets(%arg14 : memref<800xi32, #tpu.memory_space<vmem>>) semaphore(%arg18 : memref<!tpu.dma_semaphore, #tpu.memory_space<semaphore_mem>>)
      %ge3A_709 = arith.constant 1 : i32
      %ge3A_710 = arith.cmpi sge, %add3A_680, %ge3A_709 : i32
      %convert_element_type3A_711 = arith.extui %ge3A_710 : i1 to i32
      %cond3A_712 = arith.constant 0 : i32
      %cond3A_713 = arith.cmpi ne, %convert_element_type3A_711, %cond3A_712 : i32
      scf.if %cond3A_713 {
        %sub3A = arith.constant 1 : i32
        %sub3A_714 = arith.subi %add3A_680, %sub3A : i32
        %dma_wait3A_715 = arith.constant 0 : i32
        %dma_wait3A_716 = arith.constant 0 : i32
        %dma_wait3A_717 = tpu.memref_slice %arg2[%dma_wait3A_715, %dma_wait3A_716] : memref<100000x64xf32, #tpu.memory_space<hbm>> -> memref<100000x64xf32, #tpu.memory_space<hbm>>
        tpu.wait_indirect_dma semaphore(%arg17 : memref<!tpu.dma_semaphore, #tpu.memory_space<semaphore_mem>>) src(%dma_wait3A_717 : memref<100000x64xf32, #tpu.memory_space<hbm>>) dst(%arg15 : memref<800x64xf32, #tpu.memory_space<vmem>>)
        %scan3A_718 = arith.constant 0 : i32
        %scan3A_719 = arith.constant 0 : i32
        %scan3A_720 = arith.constant 50 : i32
        %scan3A_721 = arith.addi %scan3A_719, %scan3A_720 : i32
        %scan3A_722 = arith.constant 1 : i32
        scf.for %scan3A_951 = %scan3A_719 to %scan3A_721 step %scan3A_722  : i32 {
          %mul3A_952 = arith.constant 16 : i32
          %mul3A_953 = arith.muli %scan3A_951, %mul3A_952 : i32
          %get3A = arith.index_cast %mul3A_953 : i32 to index
          %get3A_954 = tpu.vector_load %arg11[%get3A] {strides = array<i32>} : memref<800xi32, #tpu.memory_space<vmem>>, vector<16xi32>,
          %ge3A_955 = arith.constant 100000 : i32
          %ge3A_956 = vector.broadcast %ge3A_955 : i32 to vector<16xi32>
          %ge3A_957 = arith.cmpi sge, %get3A_954, %ge3A_956 : vector<16xi32>
          %reduce_max3A = arith.constant true
          %reduce_max3A_958 = vector.broadcast %reduce_max3A : i1 to vector<16xi1>
          %reduce_max3A_959 = arith.constant -2147483648 : i32
          %reduce_max3A_960 = vector.broadcast %reduce_max3A_959 : i32 to vector<16xi32>
          %reduce_max3A_961 = arith.xori %get3A_954, %reduce_max3A_960 : vector<16xi32>
          %reduce_max3A_962 = tpu.scan <max>, %reduce_max3A_961 masked %reduce_max3A_958 : vector<16xi32>, vector<16xi1> -> vector<16xi32>
          %reduce_max3A_963 = arith.xori %reduce_max3A_962, %reduce_max3A_960 : vector<16xi32>
          %reduce_max3A_964 = vector.extract %reduce_max3A_963[15] : i32 from vector<16xi32>
          %ge3A_965 = arith.constant 100000 : i32
          %ge3A_966 = arith.cmpi sge, %reduce_max3A_964, %ge3A_965 : i32
          %convert_element_type3A_967 = arith.extui %ge3A_966 : i1 to i32
          %cond3A_968 = arith.constant 0 : i32
          %cond3A_969 = arith.cmpi ne, %convert_element_type3A_967, %cond3A_968 : i32
          scf.if %cond3A_969 {
            %sub3A_970 = arith.constant 100000 : i32
            %sub3A_971 = vector.broadcast %sub3A_970 : i32 to vector<16xi32>
            %sub3A_972 = arith.subi %get3A_954, %sub3A_971 : vector<16xi32>
            %jit3A = arith.constant 0 : i32
            %jit3A_973 = arith.constant 127 : i32
            %max3A = vector.broadcast %jit3A : i32 to vector<16xi32>
            %max3A_974 = arith.maxsi %max3A, %sub3A_972 : vector<16xi32>
            %min3A = vector.broadcast %jit3A_973 : i32 to vector<16xi32>
            %min3A_975 = arith.minsi %min3A, %max3A_974 : vector<16xi32>
            %mul3A_976 = arith.constant 16 : i32
            %mul3A_977 = arith.muli %scan3A_951, %mul3A_976 : i32
            %iota3A = tpu.iota {dimensions = array<i32: 0>} : vector<16xi32>
            %add3A_978 = vector.broadcast %mul3A_977 : i32 to vector<16xi32>
            %add3A_979 = arith.addi %add3A_978, %iota3A : vector<16xi32>
            %scan3A_980 = arith.constant 0 : i32
            %scan3A_981 = arith.constant 0 : i32
            %scan3A_982 = arith.constant 64 : i32
            %scan3A_983 = arith.addi %scan3A_981, %scan3A_982 : i32
            %scan3A_984 = arith.constant 1 : i32
            scf.for %scan3A_986 = %scan3A_981 to %scan3A_983 step %scan3A_984  : i32 {
              %broadcast_in_dim3A = vector.broadcast %scan3A_986 : i32 to vector<16xi32>
              %gather3A = tpu.vector_load_idx %arg6[%min3A_975, %broadcast_in_dim3A] : memref<128x64xf32, #tpu.memory_space<vmem>>[vector<16xi32>, vector<16xi32>], vector<16xf32>,
              tpu.vector_store_idx %arg15[%add3A_979, %broadcast_in_dim3A], %gather3A masked %ge3A_957 : memref<800x64xf32, #tpu.memory_space<vmem>>[vector<16xi32>, vector<16xi32>], vector<16xf32>, vector<16xi1>
            }
            %scan3A_985 = arith.constant 64 : i32
          } else {
          }
        }
        %scan3A_723 = arith.constant 50 : i32
        %mul3A_724 = arith.constant 16 : i32
        %mul3A_725 = arith.muli %sub3A_714, %mul3A_724 : i32
        %add3A_726 = arith.addi %mul3A_2, %mul3A_725 : i32
        %add3A_727 = arith.constant 0 : i32
        %add3A_728 = arith.addi %add3A_726, %add3A_727 : i32
        %mul3A_729 = arith.constant 56 : i32
        %mul3A_730 = arith.muli %add3A_728, %mul3A_729 : i32
        %dma_start3A_731 = arith.constant 0 : i32
        %dma_start3A_732 = arith.constant 0 : i32
        %dma_start3A_733 = tpu.memref_slice %arg15[%dma_start3A_731, %dma_start3A_732] : memref<800x64xf32, #tpu.memory_space<vmem>> -> memref<50x64xf32, #tpu.memory_space<vmem>>
        %dma_start3A_734 = arith.constant 0 : i32
        %dma_start3A_735 = tpu.memref_slice %arg5[%mul3A_730, %dma_start3A_734] : memref<917504x128xf32, #tpu.memory_space<hbm>> -> memref<50x64xf32, #tpu.memory_space<hbm>>
        %dma_start3A_736 = arith.constant 0 : i32
        %dma_start3A_737 = tpu.memref_slice %arg5[%mul3A_730, %dma_start3A_736] : memref<917504x128xf32, #tpu.memory_space<hbm>> -> memref<50x64xf32, #tpu.memory_space<hbm>>
        %dma_start3A_738 = arith.constant 0 : i32
        %dma_start3A_739 = arith.constant 0 : i32
        %dma_start3A_740 = tpu.memref_slice %arg15[%dma_start3A_738, %dma_start3A_739] : memref<800x64xf32, #tpu.memory_space<vmem>> -> memref<50x64xf32, #tpu.memory_space<vmem>>
        tpu.enqueue_dma source(%dma_start3A_740 : memref<50x64xf32, #tpu.memory_space<vmem>>) target(%dma_start3A_737 : memref<50x64xf32, #tpu.memory_space<hbm>>) target_semaphore(%arg19 : memref<!tpu.dma_semaphore, #tpu.memory_space<semaphore_mem>>)
        %add3A_741 = arith.constant 1 : i32
        %add3A_742 = arith.addi %add3A_726, %add3A_741 : i32
        %mul3A_743 = arith.constant 56 : i32
        %mul3A_744 = arith.muli %add3A_742, %mul3A_743 : i32
        %dma_start3A_745 = arith.constant 50 : i32
        %dma_start3A_746 = arith.constant 0 : i32
        %dma_start3A_747 = tpu.memref_slice %arg15[%dma_start3A_745, %dma_start3A_746] : memref<800x64xf32, #tpu.memory_space<vmem>> -> memref<50x64xf32, #tpu.memory_space<vmem>>
        %dma_start3A_748 = arith.constant 0 : i32
        %dma_start3A_749 = tpu.memref_slice %arg5[%mul3A_744, %dma_start3A_748] : memref<917504x128xf32, #tpu.memory_space<hbm>> -> memref<50x64xf32, #tpu.memory_space<hbm>>
        %dma_start3A_750 = arith.constant 0 : i32
        %dma_start3A_751 = tpu.memref_slice %arg5[%mul3A_744, %dma_start3A_750] : memref<917504x128xf32, #tpu.memory_space<hbm>> -> memref<50x64xf32, #tpu.memory_space<hbm>>
        %dma_start3A_752 = arith.constant 50 : i32
        %dma_start3A_753 = arith.constant 0 : i32
        %dma_start3A_754 = tpu.memref_slice %arg15[%dma_start3A_752, %dma_start3A_753] : memref<800x64xf32, #tpu.memory_space<vmem>> -> memref<50x64xf32, #tpu.memory_space<vmem>>
        tpu.enqueue_dma source(%dma_start3A_754 : memref<50x64xf32, #tpu.memory_space<vmem>>) target(%dma_start3A_751 : memref<50x64xf32, #tpu.memory_space<hbm>>) target_semaphore(%arg19 : memref<!tpu.dma_semaphore, #tpu.memory_space<semaphore_mem>>)
        %add3A_755 = arith.constant 2 : i32
        %add3A_756 = arith.addi %add3A_726, %add3A_755 : i32
        %mul3A_757 = arith.constant 56 : i32
        %mul3A_758 = arith.muli %add3A_756, %mul3A_757 : i32
        %dma_start3A_759 = arith.constant 100 : i32
        %dma_start3A_760 = arith.constant 0 : i32
        %dma_start3A_761 = tpu.memref_slice %arg15[%dma_start3A_759, %dma_start3A_760] : memref<800x64xf32, #tpu.memory_space<vmem>> -> memref<50x64xf32, #tpu.memory_space<vmem>>
        %dma_start3A_762 = arith.constant 0 : i32
        %dma_start3A_763 = tpu.memref_slice %arg5[%mul3A_758, %dma_start3A_762] : memref<917504x128xf32, #tpu.memory_space<hbm>> -> memref<50x64xf32, #tpu.memory_space<hbm>>
        %dma_start3A_764 = arith.constant 0 : i32
        %dma_start3A_765 = tpu.memref_slice %arg5[%mul3A_758, %dma_start3A_764] : memref<917504x128xf32, #tpu.memory_space<hbm>> -> memref<50x64xf32, #tpu.memory_space<hbm>>
        %dma_start3A_766 = arith.constant 100 : i32
        %dma_start3A_767 = arith.constant 0 : i32
        %dma_start3A_768 = tpu.memref_slice %arg15[%dma_start3A_766, %dma_start3A_767] : memref<800x64xf32, #tpu.memory_space<vmem>> -> memref<50x64xf32, #tpu.memory_space<vmem>>
        tpu.enqueue_dma source(%dma_start3A_768 : memref<50x64xf32, #tpu.memory_space<vmem>>) target(%dma_start3A_765 : memref<50x64xf32, #tpu.memory_space<hbm>>) target_semaphore(%arg19 : memref<!tpu.dma_semaphore, #tpu.memory_space<semaphore_mem>>)
        %add3A_769 = arith.constant 3 : i32
        %add3A_770 = arith.addi %add3A_726, %add3A_769 : i32
        %mul3A_771 = arith.constant 56 : i32
        %mul3A_772 = arith.muli %add3A_770, %mul3A_771 : i32
        %dma_start3A_773 = arith.constant 150 : i32
        %dma_start3A_774 = arith.constant 0 : i32
        %dma_start3A_775 = tpu.memref_slice %arg15[%dma_start3A_773, %dma_start3A_774] : memref<800x64xf32, #tpu.memory_space<vmem>> -> memref<50x64xf32, #tpu.memory_space<vmem>>
        %dma_start3A_776 = arith.constant 0 : i32
        %dma_start3A_777 = tpu.memref_slice %arg5[%mul3A_772, %dma_start3A_776] : memref<917504x128xf32, #tpu.memory_space<hbm>> -> memref<50x64xf32, #tpu.memory_space<hbm>>
        %dma_start3A_778 = arith.constant 0 : i32
        %dma_start3A_779 = tpu.memref_slice %arg5[%mul3A_772, %dma_start3A_778] : memref<917504x128xf32, #tpu.memory_space<hbm>> -> memref<50x64xf32, #tpu.memory_space<hbm>>
        %dma_start3A_780 = arith.constant 150 : i32
        %dma_start3A_781 = arith.constant 0 : i32
        %dma_start3A_782 = tpu.memref_slice %arg15[%dma_start3A_780, %dma_start3A_781] : memref<800x64xf32, #tpu.memory_space<vmem>> -> memref<50x64xf32, #tpu.memory_space<vmem>>
        tpu.enqueue_dma source(%dma_start3A_782 : memref<50x64xf32, #tpu.memory_space<vmem>>) target(%dma_start3A_779 : memref<50x64xf32, #tpu.memory_space<hbm>>) target_semaphore(%arg19 : memref<!tpu.dma_semaphore, #tpu.memory_space<semaphore_mem>>)
        %add3A_783 = arith.constant 4 : i32
        %add3A_784 = arith.addi %add3A_726, %add3A_783 : i32
        %mul3A_785 = arith.constant 56 : i32
        %mul3A_786 = arith.muli %add3A_784, %mul3A_785 : i32
        %dma_start3A_787 = arith.constant 200 : i32
        %dma_start3A_788 = arith.constant 0 : i32
        %dma_start3A_789 = tpu.memref_slice %arg15[%dma_start3A_787, %dma_start3A_788] : memref<800x64xf32, #tpu.memory_space<vmem>> -> memref<50x64xf32, #tpu.memory_space<vmem>>
        %dma_start3A_790 = arith.constant 0 : i32
        %dma_start3A_791 = tpu.memref_slice %arg5[%mul3A_786, %dma_start3A_790] : memref<917504x128xf32, #tpu.memory_space<hbm>> -> memref<50x64xf32, #tpu.memory_space<hbm>>
        %dma_start3A_792 = arith.constant 0 : i32
        %dma_start3A_793 = tpu.memref_slice %arg5[%mul3A_786, %dma_start3A_792] : memref<917504x128xf32, #tpu.memory_space<hbm>> -> memref<50x64xf32, #tpu.memory_space<hbm>>
        %dma_start3A_794 = arith.constant 200 : i32
        %dma_start3A_795 = arith.constant 0 : i32
        %dma_start3A_796 = tpu.memref_slice %arg15[%dma_start3A_794, %dma_start3A_795] : memref<800x64xf32, #tpu.memory_space<vmem>> -> memref<50x64xf32, #tpu.memory_space<vmem>>
        tpu.enqueue_dma source(%dma_start3A_796 : memref<50x64xf32, #tpu.memory_space<vmem>>) target(%dma_start3A_793 : memref<50x64xf32, #tpu.memory_space<hbm>>) target_semaphore(%arg19 : memref<!tpu.dma_semaphore, #tpu.memory_space<semaphore_mem>>)
        %add3A_797 = arith.constant 5 : i32
        %add3A_798 = arith.addi %add3A_726, %add3A_797 : i32
        %mul3A_799 = arith.constant 56 : i32
        %mul3A_800 = arith.muli %add3A_798, %mul3A_799 : i32
        %dma_start3A_801 = arith.constant 250 : i32
        %dma_start3A_802 = arith.constant 0 : i32
        %dma_start3A_803 = tpu.memref_slice %arg15[%dma_start3A_801, %dma_start3A_802] : memref<800x64xf32, #tpu.memory_space<vmem>> -> memref<50x64xf32, #tpu.memory_space<vmem>>
        %dma_start3A_804 = arith.constant 0 : i32
        %dma_start3A_805 = tpu.memref_slice %arg5[%mul3A_800, %dma_start3A_804] : memref<917504x128xf32, #tpu.memory_space<hbm>> -> memref<50x64xf32, #tpu.memory_space<hbm>>
        %dma_start3A_806 = arith.constant 0 : i32
        %dma_start3A_807 = tpu.memref_slice %arg5[%mul3A_800, %dma_start3A_806] : memref<917504x128xf32, #tpu.memory_space<hbm>> -> memref<50x64xf32, #tpu.memory_space<hbm>>
        %dma_start3A_808 = arith.constant 250 : i32
        %dma_start3A_809 = arith.constant 0 : i32
        %dma_start3A_810 = tpu.memref_slice %arg15[%dma_start3A_808, %dma_start3A_809] : memref<800x64xf32, #tpu.memory_space<vmem>> -> memref<50x64xf32, #tpu.memory_space<vmem>>
        tpu.enqueue_dma source(%dma_start3A_810 : memref<50x64xf32, #tpu.memory_space<vmem>>) target(%dma_start3A_807 : memref<50x64xf32, #tpu.memory_space<hbm>>) target_semaphore(%arg19 : memref<!tpu.dma_semaphore, #tpu.memory_space<semaphore_mem>>)
        %add3A_811 = arith.constant 6 : i32
        %add3A_812 = arith.addi %add3A_726, %add3A_811 : i32
        %mul3A_813 = arith.constant 56 : i32
        %mul3A_814 = arith.muli %add3A_812, %mul3A_813 : i32
        %dma_start3A_815 = arith.constant 300 : i32
        %dma_start3A_816 = arith.constant 0 : i32
        %dma_start3A_817 = tpu.memref_slice %arg15[%dma_start3A_815, %dma_start3A_816] : memref<800x64xf32, #tpu.memory_space<vmem>> -> memref<50x64xf32, #tpu.memory_space<vmem>>
        %dma_start3A_818 = arith.constant 0 : i32
        %dma_start3A_819 = tpu.memref_slice %arg5[%mul3A_814, %dma_start3A_818] : memref<917504x128xf32, #tpu.memory_space<hbm>> -> memref<50x64xf32, #tpu.memory_space<hbm>>
        %dma_start3A_820 = arith.constant 0 : i32
        %dma_start3A_821 = tpu.memref_slice %arg5[%mul3A_814, %dma_start3A_820] : memref<917504x128xf32, #tpu.memory_space<hbm>> -> memref<50x64xf32, #tpu.memory_space<hbm>>
        %dma_start3A_822 = arith.constant 300 : i32
        %dma_start3A_823 = arith.constant 0 : i32
        %dma_start3A_824 = tpu.memref_slice %arg15[%dma_start3A_822, %dma_start3A_823] : memref<800x64xf32, #tpu.memory_space<vmem>> -> memref<50x64xf32, #tpu.memory_space<vmem>>
        tpu.enqueue_dma source(%dma_start3A_824 : memref<50x64xf32, #tpu.memory_space<vmem>>) target(%dma_start3A_821 : memref<50x64xf32, #tpu.memory_space<hbm>>) target_semaphore(%arg19 : memref<!tpu.dma_semaphore, #tpu.memory_space<semaphore_mem>>)
        %add3A_825 = arith.constant 7 : i32
        %add3A_826 = arith.addi %add3A_726, %add3A_825 : i32
        %mul3A_827 = arith.constant 56 : i32
        %mul3A_828 = arith.muli %add3A_826, %mul3A_827 : i32
        %dma_start3A_829 = arith.constant 350 : i32
        %dma_start3A_830 = arith.constant 0 : i32
        %dma_start3A_831 = tpu.memref_slice %arg15[%dma_start3A_829, %dma_start3A_830] : memref<800x64xf32, #tpu.memory_space<vmem>> -> memref<50x64xf32, #tpu.memory_space<vmem>>
        %dma_start3A_832 = arith.constant 0 : i32
        %dma_start3A_833 = tpu.memref_slice %arg5[%mul3A_828, %dma_start3A_832] : memref<917504x128xf32, #tpu.memory_space<hbm>> -> memref<50x64xf32, #tpu.memory_space<hbm>>
        %dma_start3A_834 = arith.constant 0 : i32
        %dma_start3A_835 = tpu.memref_slice %arg5[%mul3A_828, %dma_start3A_834] : memref<917504x128xf32, #tpu.memory_space<hbm>> -> memref<50x64xf32, #tpu.memory_space<hbm>>
        %dma_start3A_836 = arith.constant 350 : i32
        %dma_start3A_837 = arith.constant 0 : i32
        %dma_start3A_838 = tpu.memref_slice %arg15[%dma_start3A_836, %dma_start3A_837] : memref<800x64xf32, #tpu.memory_space<vmem>> -> memref<50x64xf32, #tpu.memory_space<vmem>>
        tpu.enqueue_dma source(%dma_start3A_838 : memref<50x64xf32, #tpu.memory_space<vmem>>) target(%dma_start3A_835 : memref<50x64xf32, #tpu.memory_space<hbm>>) target_semaphore(%arg19 : memref<!tpu.dma_semaphore, #tpu.memory_space<semaphore_mem>>)
        %add3A_839 = arith.constant 8 : i32
        %add3A_840 = arith.addi %add3A_726, %add3A_839 : i32
        %mul3A_841 = arith.constant 56 : i32
        %mul3A_842 = arith.muli %add3A_840, %mul3A_841 : i32
        %dma_start3A_843 = arith.constant 400 : i32
        %dma_start3A_844 = arith.constant 0 : i32
        %dma_start3A_845 = tpu.memref_slice %arg15[%dma_start3A_843, %dma_start3A_844] : memref<800x64xf32, #tpu.memory_space<vmem>> -> memref<50x64xf32, #tpu.memory_space<vmem>>
        %dma_start3A_846 = arith.constant 0 : i32
        %dma_start3A_847 = tpu.memref_slice %arg5[%mul3A_842, %dma_start3A_846] : memref<917504x128xf32, #tpu.memory_space<hbm>> -> memref<50x64xf32, #tpu.memory_space<hbm>>
        %dma_start3A_848 = arith.constant 0 : i32
        %dma_start3A_849 = tpu.memref_slice %arg5[%mul3A_842, %dma_start3A_848] : memref<917504x128xf32, #tpu.memory_space<hbm>> -> memref<50x64xf32, #tpu.memory_space<hbm>>
        %dma_start3A_850 = arith.constant 400 : i32
        %dma_start3A_851 = arith.constant 0 : i32
        %dma_start3A_852 = tpu.memref_slice %arg15[%dma_start3A_850, %dma_start3A_851] : memref<800x64xf32, #tpu.memory_space<vmem>> -> memref<50x64xf32, #tpu.memory_space<vmem>>
        tpu.enqueue_dma source(%dma_start3A_852 : memref<50x64xf32, #tpu.memory_space<vmem>>) target(%dma_start3A_849 : memref<50x64xf32, #tpu.memory_space<hbm>>) target_semaphore(%arg19 : memref<!tpu.dma_semaphore, #tpu.memory_space<semaphore_mem>>)
        %add3A_853 = arith.constant 9 : i32
        %add3A_854 = arith.addi %add3A_726, %add3A_853 : i32
        %mul3A_855 = arith.constant 56 : i32
        %mul3A_856 = arith.muli %add3A_854, %mul3A_855 : i32
        %dma_start3A_857 = arith.constant 450 : i32
        %dma_start3A_858 = arith.constant 0 : i32
        %dma_start3A_859 = tpu.memref_slice %arg15[%dma_start3A_857, %dma_start3A_858] : memref<800x64xf32, #tpu.memory_space<vmem>> -> memref<50x64xf32, #tpu.memory_space<vmem>>
        %dma_start3A_860 = arith.constant 0 : i32
        %dma_start3A_861 = tpu.memref_slice %arg5[%mul3A_856, %dma_start3A_860] : memref<917504x128xf32, #tpu.memory_space<hbm>> -> memref<50x64xf32, #tpu.memory_space<hbm>>
        %dma_start3A_862 = arith.constant 0 : i32
        %dma_start3A_863 = tpu.memref_slice %arg5[%mul3A_856, %dma_start3A_862] : memref<917504x128xf32, #tpu.memory_space<hbm>> -> memref<50x64xf32, #tpu.memory_space<hbm>>
        %dma_start3A_864 = arith.constant 450 : i32
        %dma_start3A_865 = arith.constant 0 : i32
        %dma_start3A_866 = tpu.memref_slice %arg15[%dma_start3A_864, %dma_start3A_865] : memref<800x64xf32, #tpu.memory_space<vmem>> -> memref<50x64xf32, #tpu.memory_space<vmem>>
        tpu.enqueue_dma source(%dma_start3A_866 : memref<50x64xf32, #tpu.memory_space<vmem>>) target(%dma_start3A_863 : memref<50x64xf32, #tpu.memory_space<hbm>>) target_semaphore(%arg19 : memref<!tpu.dma_semaphore, #tpu.memory_space<semaphore_mem>>)
        %add3A_867 = arith.constant 10 : i32
        %add3A_868 = arith.addi %add3A_726, %add3A_867 : i32
        %mul3A_869 = arith.constant 56 : i32
        %mul3A_870 = arith.muli %add3A_868, %mul3A_869 : i32
        %dma_start3A_871 = arith.constant 500 : i32
        %dma_start3A_872 = arith.constant 0 : i32
        %dma_start3A_873 = tpu.memref_slice %arg15[%dma_start3A_871, %dma_start3A_872] : memref<800x64xf32, #tpu.memory_space<vmem>> -> memref<50x64xf32, #tpu.memory_space<vmem>>
        %dma_start3A_874 = arith.constant 0 : i32
        %dma_start3A_875 = tpu.memref_slice %arg5[%mul3A_870, %dma_start3A_874] : memref<917504x128xf32, #tpu.memory_space<hbm>> -> memref<50x64xf32, #tpu.memory_space<hbm>>
        %dma_start3A_876 = arith.constant 0 : i32
        %dma_start3A_877 = tpu.memref_slice %arg5[%mul3A_870, %dma_start3A_876] : memref<917504x128xf32, #tpu.memory_space<hbm>> -> memref<50x64xf32, #tpu.memory_space<hbm>>
        %dma_start3A_878 = arith.constant 500 : i32
        %dma_start3A_879 = arith.constant 0 : i32
        %dma_start3A_880 = tpu.memref_slice %arg15[%dma_start3A_878, %dma_start3A_879] : memref<800x64xf32, #tpu.memory_space<vmem>> -> memref<50x64xf32, #tpu.memory_space<vmem>>
        tpu.enqueue_dma source(%dma_start3A_880 : memref<50x64xf32, #tpu.memory_space<vmem>>) target(%dma_start3A_877 : memref<50x64xf32, #tpu.memory_space<hbm>>) target_semaphore(%arg19 : memref<!tpu.dma_semaphore, #tpu.memory_space<semaphore_mem>>)
        %add3A_881 = arith.constant 11 : i32
        %add3A_882 = arith.addi %add3A_726, %add3A_881 : i32
        %mul3A_883 = arith.constant 56 : i32
        %mul3A_884 = arith.muli %add3A_882, %mul3A_883 : i32
        %dma_start3A_885 = arith.constant 550 : i32
        %dma_start3A_886 = arith.constant 0 : i32
        %dma_start3A_887 = tpu.memref_slice %arg15[%dma_start3A_885, %dma_start3A_886] : memref<800x64xf32, #tpu.memory_space<vmem>> -> memref<50x64xf32, #tpu.memory_space<vmem>>
        %dma_start3A_888 = arith.constant 0 : i32
        %dma_start3A_889 = tpu.memref_slice %arg5[%mul3A_884, %dma_start3A_888] : memref<917504x128xf32, #tpu.memory_space<hbm>> -> memref<50x64xf32, #tpu.memory_space<hbm>>
        %dma_start3A_890 = arith.constant 0 : i32
        %dma_start3A_891 = tpu.memref_slice %arg5[%mul3A_884, %dma_start3A_890] : memref<917504x128xf32, #tpu.memory_space<hbm>> -> memref<50x64xf32, #tpu.memory_space<hbm>>
        %dma_start3A_892 = arith.constant 550 : i32
        %dma_start3A_893 = arith.constant 0 : i32
        %dma_start3A_894 = tpu.memref_slice %arg15[%dma_start3A_892, %dma_start3A_893] : memref<800x64xf32, #tpu.memory_space<vmem>> -> memref<50x64xf32, #tpu.memory_space<vmem>>
        tpu.enqueue_dma source(%dma_start3A_894 : memref<50x64xf32, #tpu.memory_space<vmem>>) target(%dma_start3A_891 : memref<50x64xf32, #tpu.memory_space<hbm>>) target_semaphore(%arg19 : memref<!tpu.dma_semaphore, #tpu.memory_space<semaphore_mem>>)
        %add3A_895 = arith.constant 12 : i32
        %add3A_896 = arith.addi %add3A_726, %add3A_895 : i32
        %mul3A_897 = arith.constant 56 : i32
        %mul3A_898 = arith.muli %add3A_896, %mul3A_897 : i32
        %dma_start3A_899 = arith.constant 600 : i32
        %dma_start3A_900 = arith.constant 0 : i32
        %dma_start3A_901 = tpu.memref_slice %arg15[%dma_start3A_899, %dma_start3A_900] : memref<800x64xf32, #tpu.memory_space<vmem>> -> memref<50x64xf32, #tpu.memory_space<vmem>>
        %dma_start3A_902 = arith.constant 0 : i32
        %dma_start3A_903 = tpu.memref_slice %arg5[%mul3A_898, %dma_start3A_902] : memref<917504x128xf32, #tpu.memory_space<hbm>> -> memref<50x64xf32, #tpu.memory_space<hbm>>
        %dma_start3A_904 = arith.constant 0 : i32
        %dma_start3A_905 = tpu.memref_slice %arg5[%mul3A_898, %dma_start3A_904] : memref<917504x128xf32, #tpu.memory_space<hbm>> -> memref<50x64xf32, #tpu.memory_space<hbm>>
        %dma_start3A_906 = arith.constant 600 : i32
        %dma_start3A_907 = arith.constant 0 : i32
        %dma_start3A_908 = tpu.memref_slice %arg15[%dma_start3A_906, %dma_start3A_907] : memref<800x64xf32, #tpu.memory_space<vmem>> -> memref<50x64xf32, #tpu.memory_space<vmem>>
        tpu.enqueue_dma source(%dma_start3A_908 : memref<50x64xf32, #tpu.memory_space<vmem>>) target(%dma_start3A_905 : memref<50x64xf32, #tpu.memory_space<hbm>>) target_semaphore(%arg19 : memref<!tpu.dma_semaphore, #tpu.memory_space<semaphore_mem>>)
        %add3A_909 = arith.constant 13 : i32
        %add3A_910 = arith.addi %add3A_726, %add3A_909 : i32
        %mul3A_911 = arith.constant 56 : i32
        %mul3A_912 = arith.muli %add3A_910, %mul3A_911 : i32
        %dma_start3A_913 = arith.constant 650 : i32
        %dma_start3A_914 = arith.constant 0 : i32
        %dma_start3A_915 = tpu.memref_slice %arg15[%dma_start3A_913, %dma_start3A_914] : memref<800x64xf32, #tpu.memory_space<vmem>> -> memref<50x64xf32, #tpu.memory_space<vmem>>
        %dma_start3A_916 = arith.constant 0 : i32
        %dma_start3A_917 = tpu.memref_slice %arg5[%mul3A_912, %dma_start3A_916] : memref<917504x128xf32, #tpu.memory_space<hbm>> -> memref<50x64xf32, #tpu.memory_space<hbm>>
        %dma_start3A_918 = arith.constant 0 : i32
        %dma_start3A_919 = tpu.memref_slice %arg5[%mul3A_912, %dma_start3A_918] : memref<917504x128xf32, #tpu.memory_space<hbm>> -> memref<50x64xf32, #tpu.memory_space<hbm>>
        %dma_start3A_920 = arith.constant 650 : i32
        %dma_start3A_921 = arith.constant 0 : i32
        %dma_start3A_922 = tpu.memref_slice %arg15[%dma_start3A_920, %dma_start3A_921] : memref<800x64xf32, #tpu.memory_space<vmem>> -> memref<50x64xf32, #tpu.memory_space<vmem>>
        tpu.enqueue_dma source(%dma_start3A_922 : memref<50x64xf32, #tpu.memory_space<vmem>>) target(%dma_start3A_919 : memref<50x64xf32, #tpu.memory_space<hbm>>) target_semaphore(%arg19 : memref<!tpu.dma_semaphore, #tpu.memory_space<semaphore_mem>>)
        %add3A_923 = arith.constant 14 : i32
        %add3A_924 = arith.addi %add3A_726, %add3A_923 : i32
        %mul3A_925 = arith.constant 56 : i32
        %mul3A_926 = arith.muli %add3A_924, %mul3A_925 : i32
        %dma_start3A_927 = arith.constant 700 : i32
        %dma_start3A_928 = arith.constant 0 : i32
        %dma_start3A_929 = tpu.memref_slice %arg15[%dma_start3A_927, %dma_start3A_928] : memref<800x64xf32, #tpu.memory_space<vmem>> -> memref<50x64xf32, #tpu.memory_space<vmem>>
        %dma_start3A_930 = arith.constant 0 : i32
        %dma_start3A_931 = tpu.memref_slice %arg5[%mul3A_926, %dma_start3A_930] : memref<917504x128xf32, #tpu.memory_space<hbm>> -> memref<50x64xf32, #tpu.memory_space<hbm>>
        %dma_start3A_932 = arith.constant 0 : i32
        %dma_start3A_933 = tpu.memref_slice %arg5[%mul3A_926, %dma_start3A_932] : memref<917504x128xf32, #tpu.memory_space<hbm>> -> memref<50x64xf32, #tpu.memory_space<hbm>>
        %dma_start3A_934 = arith.constant 700 : i32
        %dma_start3A_935 = arith.constant 0 : i32
        %dma_start3A_936 = tpu.memref_slice %arg15[%dma_start3A_934, %dma_start3A_935] : memref<800x64xf32, #tpu.memory_space<vmem>> -> memref<50x64xf32, #tpu.memory_space<vmem>>
        tpu.enqueue_dma source(%dma_start3A_936 : memref<50x64xf32, #tpu.memory_space<vmem>>) target(%dma_start3A_933 : memref<50x64xf32, #tpu.memory_space<hbm>>) target_semaphore(%arg19 : memref<!tpu.dma_semaphore, #tpu.memory_space<semaphore_mem>>)
        %add3A_937 = arith.constant 15 : i32
        %add3A_938 = arith.addi %add3A_726, %add3A_937 : i32
        %mul3A_939 = arith.constant 56 : i32
        %mul3A_940 = arith.muli %add3A_938, %mul3A_939 : i32
        %dma_start3A_941 = arith.constant 750 : i32
        %dma_start3A_942 = arith.constant 0 : i32
        %dma_start3A_943 = tpu.memref_slice %arg15[%dma_start3A_941, %dma_start3A_942] : memref<800x64xf32, #tpu.memory_space<vmem>> -> memref<50x64xf32, #tpu.memory_space<vmem>>
        %dma_start3A_944 = arith.constant 0 : i32
        %dma_start3A_945 = tpu.memref_slice %arg5[%mul3A_940, %dma_start3A_944] : memref<917504x128xf32, #tpu.memory_space<hbm>> -> memref<50x64xf32, #tpu.memory_space<hbm>>
        %dma_start3A_946 = arith.constant 0 : i32
        %dma_start3A_947 = tpu.memref_slice %arg5[%mul3A_940, %dma_start3A_946] : memref<917504x128xf32, #tpu.memory_space<hbm>> -> memref<50x64xf32, #tpu.memory_space<hbm>>
        %dma_start3A_948 = arith.constant 750 : i32
        %dma_start3A_949 = arith.constant 0 : i32
        %dma_start3A_950 = tpu.memref_slice %arg15[%dma_start3A_948, %dma_start3A_949] : memref<800x64xf32, #tpu.memory_space<vmem>> -> memref<50x64xf32, #tpu.memory_space<vmem>>
        tpu.enqueue_dma source(%dma_start3A_950 : memref<50x64xf32, #tpu.memory_space<vmem>>) target(%dma_start3A_947 : memref<50x64xf32, #tpu.memory_space<hbm>>) target_semaphore(%arg19 : memref<!tpu.dma_semaphore, #tpu.memory_space<semaphore_mem>>)
      } else {
      }
    }
    %scan3A_24 = arith.constant 16 : i32
    %dma_wait3A = arith.constant 0 : i32
    %dma_wait3A_25 = arith.constant 0 : i32
    %dma_wait3A_26 = tpu.memref_slice %arg2[%dma_wait3A, %dma_wait3A_25] : memref<100000x64xf32, #tpu.memory_space<hbm>> -> memref<100000x64xf32, #tpu.memory_space<hbm>>
    tpu.wait_indirect_dma semaphore(%arg18 : memref<!tpu.dma_semaphore, #tpu.memory_space<semaphore_mem>>) src(%dma_wait3A_26 : memref<100000x64xf32, #tpu.memory_space<hbm>>) dst(%arg16 : memref<800x64xf32, #tpu.memory_space<vmem>>)
    %scan3A_27 = arith.constant 0 : i32
    %scan3A_28 = arith.constant 0 : i32
    %scan3A_29 = arith.constant 50 : i32
    %scan3A_30 = arith.addi %scan3A_28, %scan3A_29 : i32
    %scan3A_31 = arith.constant 1 : i32
    scf.for %scan3A_643 = %scan3A_28 to %scan3A_30 step %scan3A_31  : i32 {
      %mul3A_644 = arith.constant 16 : i32
      %mul3A_645 = arith.muli %scan3A_643, %mul3A_644 : i32
      %get3A = arith.index_cast %mul3A_645 : i32 to index
      %get3A_646 = tpu.vector_load %arg12[%get3A] {strides = array<i32>} : memref<800xi32, #tpu.memory_space<vmem>>, vector<16xi32>,
      %ge3A = arith.constant 100000 : i32
      %ge3A_647 = vector.broadcast %ge3A : i32 to vector<16xi32>
      %ge3A_648 = arith.cmpi sge, %get3A_646, %ge3A_647 : vector<16xi32>
      %reduce_max3A = arith.constant true
      %reduce_max3A_649 = vector.broadcast %reduce_max3A : i1 to vector<16xi1>
      %reduce_max3A_650 = arith.constant -2147483648 : i32
      %reduce_max3A_651 = vector.broadcast %reduce_max3A_650 : i32 to vector<16xi32>
      %reduce_max3A_652 = arith.xori %get3A_646, %reduce_max3A_651 : vector<16xi32>
      %reduce_max3A_653 = tpu.scan <max>, %reduce_max3A_652 masked %reduce_max3A_649 : vector<16xi32>, vector<16xi1> -> vector<16xi32>
      %reduce_max3A_654 = arith.xori %reduce_max3A_653, %reduce_max3A_651 : vector<16xi32>
      %reduce_max3A_655 = vector.extract %reduce_max3A_654[15] : i32 from vector<16xi32>
      %ge3A_656 = arith.constant 100000 : i32
      %ge3A_657 = arith.cmpi sge, %reduce_max3A_655, %ge3A_656 : i32
      %convert_element_type3A = arith.extui %ge3A_657 : i1 to i32
      %cond3A = arith.constant 0 : i32
      %cond3A_658 = arith.cmpi ne, %convert_element_type3A, %cond3A : i32
      scf.if %cond3A_658 {
        %sub3A = arith.constant 100000 : i32
        %sub3A_659 = vector.broadcast %sub3A : i32 to vector<16xi32>
        %sub3A_660 = arith.subi %get3A_646, %sub3A_659 : vector<16xi32>
        %jit3A = arith.constant 0 : i32
        %jit3A_661 = arith.constant 127 : i32
        %max3A = vector.broadcast %jit3A : i32 to vector<16xi32>
        %max3A_662 = arith.maxsi %max3A, %sub3A_660 : vector<16xi32>
        %min3A = vector.broadcast %jit3A_661 : i32 to vector<16xi32>
        %min3A_663 = arith.minsi %min3A, %max3A_662 : vector<16xi32>
        %mul3A_664 = arith.constant 16 : i32
        %mul3A_665 = arith.muli %scan3A_643, %mul3A_664 : i32
        %iota3A = tpu.iota {dimensions = array<i32: 0>} : vector<16xi32>
        %add3A_666 = vector.broadcast %mul3A_665 : i32 to vector<16xi32>
        %add3A_667 = arith.addi %add3A_666, %iota3A : vector<16xi32>
        %scan3A_668 = arith.constant 0 : i32
        %scan3A_669 = arith.constant 0 : i32
        %scan3A_670 = arith.constant 64 : i32
        %scan3A_671 = arith.addi %scan3A_669, %scan3A_670 : i32
        %scan3A_672 = arith.constant 1 : i32
        scf.for %scan3A_674 = %scan3A_669 to %scan3A_671 step %scan3A_672  : i32 {
          %broadcast_in_dim3A = vector.broadcast %scan3A_674 : i32 to vector<16xi32>
          %gather3A = tpu.vector_load_idx %arg6[%min3A_663, %broadcast_in_dim3A] : memref<128x64xf32, #tpu.memory_space<vmem>>[vector<16xi32>, vector<16xi32>], vector<16xf32>,
          tpu.vector_store_idx %arg16[%add3A_667, %broadcast_in_dim3A], %gather3A masked %ge3A_648 : memref<800x64xf32, #tpu.memory_space<vmem>>[vector<16xi32>, vector<16xi32>], vector<16xf32>, vector<16xi1>
        }
        %scan3A_673 = arith.constant 64 : i32
      } else {
      }
    }
    %scan3A_32 = arith.constant 50 : i32
    %add3A_33 = arith.constant 496 : i32
    %add3A_34 = arith.addi %mul3A_2, %add3A_33 : i32
    %add3A_35 = arith.constant 0 : i32
    %add3A_36 = arith.addi %add3A_34, %add3A_35 : i32
    %mul3A_37 = arith.constant 56 : i32
    %mul3A_38 = arith.muli %add3A_36, %mul3A_37 : i32
    %dma_start3A_39 = arith.constant 0 : i32
    %dma_start3A_40 = arith.constant 0 : i32
    %dma_start3A_41 = tpu.memref_slice %arg16[%dma_start3A_39, %dma_start3A_40] : memref<800x64xf32, #tpu.memory_space<vmem>> -> memref<50x64xf32, #tpu.memory_space<vmem>>
    %dma_start3A_42 = arith.constant 0 : i32
    %dma_start3A_43 = tpu.memref_slice %arg5[%mul3A_38, %dma_start3A_42] : memref<917504x128xf32, #tpu.memory_space<hbm>> -> memref<50x64xf32, #tpu.memory_space<hbm>>
    %dma_start3A_44 = arith.constant 0 : i32
    %dma_start3A_45 = tpu.memref_slice %arg5[%mul3A_38, %dma_start3A_44] : memref<917504x128xf32, #tpu.memory_space<hbm>> -> memref<50x64xf32, #tpu.memory_space<hbm>>
    %dma_start3A_46 = arith.constant 0 : i32
    %dma_start3A_47 = arith.constant 0 : i32
    %dma_start3A_48 = tpu.memref_slice %arg16[%dma_start3A_46, %dma_start3A_47] : memref<800x64xf32, #tpu.memory_space<vmem>> -> memref<50x64xf32, #tpu.memory_space<vmem>>
    tpu.enqueue_dma source(%dma_start3A_48 : memref<50x64xf32, #tpu.memory_space<vmem>>) target(%dma_start3A_45 : memref<50x64xf32, #tpu.memory_space<hbm>>) target_semaphore(%arg20 : memref<!tpu.dma_semaphore, #tpu.memory_space<semaphore_mem>>)
    %add3A_49 = arith.constant 1 : i32
    %add3A_50 = arith.addi %add3A_34, %add3A_49 : i32
    %mul3A_51 = arith.constant 56 : i32
    %mul3A_52 = arith.muli %add3A_50, %mul3A_51 : i32
    %dma_start3A_53 = arith.constant 50 : i32
    %dma_start3A_54 = arith.constant 0 : i32
    %dma_start3A_55 = tpu.memref_slice %arg16[%dma_start3A_53, %dma_start3A_54] : memref<800x64xf32, #tpu.memory_space<vmem>> -> memref<50x64xf32, #tpu.memory_space<vmem>>
    %dma_start3A_56 = arith.constant 0 : i32
    %dma_start3A_57 = tpu.memref_slice %arg5[%mul3A_52, %dma_start3A_56] : memref<917504x128xf32, #tpu.memory_space<hbm>> -> memref<50x64xf32, #tpu.memory_space<hbm>>
    %dma_start3A_58 = arith.constant 0 : i32
    %dma_start3A_59 = tpu.memref_slice %arg5[%mul3A_52, %dma_start3A_58] : memref<917504x128xf32, #tpu.memory_space<hbm>> -> memref<50x64xf32, #tpu.memory_space<hbm>>
    %dma_start3A_60 = arith.constant 50 : i32
    %dma_start3A_61 = arith.constant 0 : i32
    %dma_start3A_62 = tpu.memref_slice %arg16[%dma_start3A_60, %dma_start3A_61] : memref<800x64xf32, #tpu.memory_space<vmem>> -> memref<50x64xf32, #tpu.memory_space<vmem>>
    tpu.enqueue_dma source(%dma_start3A_62 : memref<50x64xf32, #tpu.memory_space<vmem>>) target(%dma_start3A_59 : memref<50x64xf32, #tpu.memory_space<hbm>>) target_semaphore(%arg20 : memref<!tpu.dma_semaphore, #tpu.memory_space<semaphore_mem>>)
    %add3A_63 = arith.constant 2 : i32
    %add3A_64 = arith.addi %add3A_34, %add3A_63 : i32
    %mul3A_65 = arith.constant 56 : i32
    %mul3A_66 = arith.muli %add3A_64, %mul3A_65 : i32
    %dma_start3A_67 = arith.constant 100 : i32
    %dma_start3A_68 = arith.constant 0 : i32
    %dma_start3A_69 = tpu.memref_slice %arg16[%dma_start3A_67, %dma_start3A_68] : memref<800x64xf32, #tpu.memory_space<vmem>> -> memref<50x64xf32, #tpu.memory_space<vmem>>
    %dma_start3A_70 = arith.constant 0 : i32
    %dma_start3A_71 = tpu.memref_slice %arg5[%mul3A_66, %dma_start3A_70] : memref<917504x128xf32, #tpu.memory_space<hbm>> -> memref<50x64xf32, #tpu.memory_space<hbm>>
    %dma_start3A_72 = arith.constant 0 : i32
    %dma_start3A_73 = tpu.memref_slice %arg5[%mul3A_66, %dma_start3A_72] : memref<917504x128xf32, #tpu.memory_space<hbm>> -> memref<50x64xf32, #tpu.memory_space<hbm>>
    %dma_start3A_74 = arith.constant 100 : i32
    %dma_start3A_75 = arith.constant 0 : i32
    %dma_start3A_76 = tpu.memref_slice %arg16[%dma_start3A_74, %dma_start3A_75] : memref<800x64xf32, #tpu.memory_space<vmem>> -> memref<50x64xf32, #tpu.memory_space<vmem>>
    tpu.enqueue_dma source(%dma_start3A_76 : memref<50x64xf32, #tpu.memory_space<vmem>>) target(%dma_start3A_73 : memref<50x64xf32, #tpu.memory_space<hbm>>) target_semaphore(%arg20 : memref<!tpu.dma_semaphore, #tpu.memory_space<semaphore_mem>>)
    %add3A_77 = arith.constant 3 : i32
    %add3A_78 = arith.addi %add3A_34, %add3A_77 : i32
    %mul3A_79 = arith.constant 56 : i32
    %mul3A_80 = arith.muli %add3A_78, %mul3A_79 : i32
    %dma_start3A_81 = arith.constant 150 : i32
    %dma_start3A_82 = arith.constant 0 : i32
    %dma_start3A_83 = tpu.memref_slice %arg16[%dma_start3A_81, %dma_start3A_82] : memref<800x64xf32, #tpu.memory_space<vmem>> -> memref<50x64xf32, #tpu.memory_space<vmem>>
    %dma_start3A_84 = arith.constant 0 : i32
    %dma_start3A_85 = tpu.memref_slice %arg5[%mul3A_80, %dma_start3A_84] : memref<917504x128xf32, #tpu.memory_space<hbm>> -> memref<50x64xf32, #tpu.memory_space<hbm>>
    %dma_start3A_86 = arith.constant 0 : i32
    %dma_start3A_87 = tpu.memref_slice %arg5[%mul3A_80, %dma_start3A_86] : memref<917504x128xf32, #tpu.memory_space<hbm>> -> memref<50x64xf32, #tpu.memory_space<hbm>>
    %dma_start3A_88 = arith.constant 150 : i32
    %dma_start3A_89 = arith.constant 0 : i32
    %dma_start3A_90 = tpu.memref_slice %arg16[%dma_start3A_88, %dma_start3A_89] : memref<800x64xf32, #tpu.memory_space<vmem>> -> memref<50x64xf32, #tpu.memory_space<vmem>>
    tpu.enqueue_dma source(%dma_start3A_90 : memref<50x64xf32, #tpu.memory_space<vmem>>) target(%dma_start3A_87 : memref<50x64xf32, #tpu.memory_space<hbm>>) target_semaphore(%arg20 : memref<!tpu.dma_semaphore, #tpu.memory_space<semaphore_mem>>)
    %add3A_91 = arith.constant 4 : i32
    %add3A_92 = arith.addi %add3A_34, %add3A_91 : i32
    %mul3A_93 = arith.constant 56 : i32
    %mul3A_94 = arith.muli %add3A_92, %mul3A_93 : i32
    %dma_start3A_95 = arith.constant 200 : i32
    %dma_start3A_96 = arith.constant 0 : i32
    %dma_start3A_97 = tpu.memref_slice %arg16[%dma_start3A_95, %dma_start3A_96] : memref<800x64xf32, #tpu.memory_space<vmem>> -> memref<50x64xf32, #tpu.memory_space<vmem>>
    %dma_start3A_98 = arith.constant 0 : i32
    %dma_start3A_99 = tpu.memref_slice %arg5[%mul3A_94, %dma_start3A_98] : memref<917504x128xf32, #tpu.memory_space<hbm>> -> memref<50x64xf32, #tpu.memory_space<hbm>>
    %dma_start3A_100 = arith.constant 0 : i32
    %dma_start3A_101 = tpu.memref_slice %arg5[%mul3A_94, %dma_start3A_100] : memref<917504x128xf32, #tpu.memory_space<hbm>> -> memref<50x64xf32, #tpu.memory_space<hbm>>
    %dma_start3A_102 = arith.constant 200 : i32
    %dma_start3A_103 = arith.constant 0 : i32
    %dma_start3A_104 = tpu.memref_slice %arg16[%dma_start3A_102, %dma_start3A_103] : memref<800x64xf32, #tpu.memory_space<vmem>> -> memref<50x64xf32, #tpu.memory_space<vmem>>
    tpu.enqueue_dma source(%dma_start3A_104 : memref<50x64xf32, #tpu.memory_space<vmem>>) target(%dma_start3A_101 : memref<50x64xf32, #tpu.memory_space<hbm>>) target_semaphore(%arg20 : memref<!tpu.dma_semaphore, #tpu.memory_space<semaphore_mem>>)
    %add3A_105 = arith.constant 5 : i32
    %add3A_106 = arith.addi %add3A_34, %add3A_105 : i32
    %mul3A_107 = arith.constant 56 : i32
    %mul3A_108 = arith.muli %add3A_106, %mul3A_107 : i32
    %dma_start3A_109 = arith.constant 250 : i32
    %dma_start3A_110 = arith.constant 0 : i32
    %dma_start3A_111 = tpu.memref_slice %arg16[%dma_start3A_109, %dma_start3A_110] : memref<800x64xf32, #tpu.memory_space<vmem>> -> memref<50x64xf32, #tpu.memory_space<vmem>>
    %dma_start3A_112 = arith.constant 0 : i32
    %dma_start3A_113 = tpu.memref_slice %arg5[%mul3A_108, %dma_start3A_112] : memref<917504x128xf32, #tpu.memory_space<hbm>> -> memref<50x64xf32, #tpu.memory_space<hbm>>
    %dma_start3A_114 = arith.constant 0 : i32
    %dma_start3A_115 = tpu.memref_slice %arg5[%mul3A_108, %dma_start3A_114] : memref<917504x128xf32, #tpu.memory_space<hbm>> -> memref<50x64xf32, #tpu.memory_space<hbm>>
    %dma_start3A_116 = arith.constant 250 : i32
    %dma_start3A_117 = arith.constant 0 : i32
    %dma_start3A_118 = tpu.memref_slice %arg16[%dma_start3A_116, %dma_start3A_117] : memref<800x64xf32, #tpu.memory_space<vmem>> -> memref<50x64xf32, #tpu.memory_space<vmem>>
    tpu.enqueue_dma source(%dma_start3A_118 : memref<50x64xf32, #tpu.memory_space<vmem>>) target(%dma_start3A_115 : memref<50x64xf32, #tpu.memory_space<hbm>>) target_semaphore(%arg20 : memref<!tpu.dma_semaphore, #tpu.memory_space<semaphore_mem>>)
    %add3A_119 = arith.constant 6 : i32
    %add3A_120 = arith.addi %add3A_34, %add3A_119 : i32
    %mul3A_121 = arith.constant 56 : i32
    %mul3A_122 = arith.muli %add3A_120, %mul3A_121 : i32
    %dma_start3A_123 = arith.constant 300 : i32
    %dma_start3A_124 = arith.constant 0 : i32
    %dma_start3A_125 = tpu.memref_slice %arg16[%dma_start3A_123, %dma_start3A_124] : memref<800x64xf32, #tpu.memory_space<vmem>> -> memref<50x64xf32, #tpu.memory_space<vmem>>
    %dma_start3A_126 = arith.constant 0 : i32
    %dma_start3A_127 = tpu.memref_slice %arg5[%mul3A_122, %dma_start3A_126] : memref<917504x128xf32, #tpu.memory_space<hbm>> -> memref<50x64xf32, #tpu.memory_space<hbm>>
    %dma_start3A_128 = arith.constant 0 : i32
    %dma_start3A_129 = tpu.memref_slice %arg5[%mul3A_122, %dma_start3A_128] : memref<917504x128xf32, #tpu.memory_space<hbm>> -> memref<50x64xf32, #tpu.memory_space<hbm>>
    %dma_start3A_130 = arith.constant 300 : i32
    %dma_start3A_131 = arith.constant 0 : i32
    %dma_start3A_132 = tpu.memref_slice %arg16[%dma_start3A_130, %dma_start3A_131] : memref<800x64xf32, #tpu.memory_space<vmem>> -> memref<50x64xf32, #tpu.memory_space<vmem>>
    tpu.enqueue_dma source(%dma_start3A_132 : memref<50x64xf32, #tpu.memory_space<vmem>>) target(%dma_start3A_129 : memref<50x64xf32, #tpu.memory_space<hbm>>) target_semaphore(%arg20 : memref<!tpu.dma_semaphore, #tpu.memory_space<semaphore_mem>>)
    %add3A_133 = arith.constant 7 : i32
    %add3A_134 = arith.addi %add3A_34, %add3A_133 : i32
    %mul3A_135 = arith.constant 56 : i32
    %mul3A_136 = arith.muli %add3A_134, %mul3A_135 : i32
    %dma_start3A_137 = arith.constant 350 : i32
    %dma_start3A_138 = arith.constant 0 : i32
    %dma_start3A_139 = tpu.memref_slice %arg16[%dma_start3A_137, %dma_start3A_138] : memref<800x64xf32, #tpu.memory_space<vmem>> -> memref<50x64xf32, #tpu.memory_space<vmem>>
    %dma_start3A_140 = arith.constant 0 : i32
    %dma_start3A_141 = tpu.memref_slice %arg5[%mul3A_136, %dma_start3A_140] : memref<917504x128xf32, #tpu.memory_space<hbm>> -> memref<50x64xf32, #tpu.memory_space<hbm>>
    %dma_start3A_142 = arith.constant 0 : i32
    %dma_start3A_143 = tpu.memref_slice %arg5[%mul3A_136, %dma_start3A_142] : memref<917504x128xf32, #tpu.memory_space<hbm>> -> memref<50x64xf32, #tpu.memory_space<hbm>>
    %dma_start3A_144 = arith.constant 350 : i32
    %dma_start3A_145 = arith.constant 0 : i32
    %dma_start3A_146 = tpu.memref_slice %arg16[%dma_start3A_144, %dma_start3A_145] : memref<800x64xf32, #tpu.memory_space<vmem>> -> memref<50x64xf32, #tpu.memory_space<vmem>>
    tpu.enqueue_dma source(%dma_start3A_146 : memref<50x64xf32, #tpu.memory_space<vmem>>) target(%dma_start3A_143 : memref<50x64xf32, #tpu.memory_space<hbm>>) target_semaphore(%arg20 : memref<!tpu.dma_semaphore, #tpu.memory_space<semaphore_mem>>)
    %add3A_147 = arith.constant 8 : i32
    %add3A_148 = arith.addi %add3A_34, %add3A_147 : i32
    %mul3A_149 = arith.constant 56 : i32
    %mul3A_150 = arith.muli %add3A_148, %mul3A_149 : i32
    %dma_start3A_151 = arith.constant 400 : i32
    %dma_start3A_152 = arith.constant 0 : i32
    %dma_start3A_153 = tpu.memref_slice %arg16[%dma_start3A_151, %dma_start3A_152] : memref<800x64xf32, #tpu.memory_space<vmem>> -> memref<50x64xf32, #tpu.memory_space<vmem>>
    %dma_start3A_154 = arith.constant 0 : i32
    %dma_start3A_155 = tpu.memref_slice %arg5[%mul3A_150, %dma_start3A_154] : memref<917504x128xf32, #tpu.memory_space<hbm>> -> memref<50x64xf32, #tpu.memory_space<hbm>>
    %dma_start3A_156 = arith.constant 0 : i32
    %dma_start3A_157 = tpu.memref_slice %arg5[%mul3A_150, %dma_start3A_156] : memref<917504x128xf32, #tpu.memory_space<hbm>> -> memref<50x64xf32, #tpu.memory_space<hbm>>
    %dma_start3A_158 = arith.constant 400 : i32
    %dma_start3A_159 = arith.constant 0 : i32
    %dma_start3A_160 = tpu.memref_slice %arg16[%dma_start3A_158, %dma_start3A_159] : memref<800x64xf32, #tpu.memory_space<vmem>> -> memref<50x64xf32, #tpu.memory_space<vmem>>
    tpu.enqueue_dma source(%dma_start3A_160 : memref<50x64xf32, #tpu.memory_space<vmem>>) target(%dma_start3A_157 : memref<50x64xf32, #tpu.memory_space<hbm>>) target_semaphore(%arg20 : memref<!tpu.dma_semaphore, #tpu.memory_space<semaphore_mem>>)
    %add3A_161 = arith.constant 9 : i32
    %add3A_162 = arith.addi %add3A_34, %add3A_161 : i32
    %mul3A_163 = arith.constant 56 : i32
    %mul3A_164 = arith.muli %add3A_162, %mul3A_163 : i32
    %dma_start3A_165 = arith.constant 450 : i32
    %dma_start3A_166 = arith.constant 0 : i32
    %dma_start3A_167 = tpu.memref_slice %arg16[%dma_start3A_165, %dma_start3A_166] : memref<800x64xf32, #tpu.memory_space<vmem>> -> memref<50x64xf32, #tpu.memory_space<vmem>>
    %dma_start3A_168 = arith.constant 0 : i32
    %dma_start3A_169 = tpu.memref_slice %arg5[%mul3A_164, %dma_start3A_168] : memref<917504x128xf32, #tpu.memory_space<hbm>> -> memref<50x64xf32, #tpu.memory_space<hbm>>
    %dma_start3A_170 = arith.constant 0 : i32
    %dma_start3A_171 = tpu.memref_slice %arg5[%mul3A_164, %dma_start3A_170] : memref<917504x128xf32, #tpu.memory_space<hbm>> -> memref<50x64xf32, #tpu.memory_space<hbm>>
    %dma_start3A_172 = arith.constant 450 : i32
    %dma_start3A_173 = arith.constant 0 : i32
    %dma_start3A_174 = tpu.memref_slice %arg16[%dma_start3A_172, %dma_start3A_173] : memref<800x64xf32, #tpu.memory_space<vmem>> -> memref<50x64xf32, #tpu.memory_space<vmem>>
    tpu.enqueue_dma source(%dma_start3A_174 : memref<50x64xf32, #tpu.memory_space<vmem>>) target(%dma_start3A_171 : memref<50x64xf32, #tpu.memory_space<hbm>>) target_semaphore(%arg20 : memref<!tpu.dma_semaphore, #tpu.memory_space<semaphore_mem>>)
    %add3A_175 = arith.constant 10 : i32
    %add3A_176 = arith.addi %add3A_34, %add3A_175 : i32
    %mul3A_177 = arith.constant 56 : i32
    %mul3A_178 = arith.muli %add3A_176, %mul3A_177 : i32
    %dma_start3A_179 = arith.constant 500 : i32
    %dma_start3A_180 = arith.constant 0 : i32
    %dma_start3A_181 = tpu.memref_slice %arg16[%dma_start3A_179, %dma_start3A_180] : memref<800x64xf32, #tpu.memory_space<vmem>> -> memref<50x64xf32, #tpu.memory_space<vmem>>
    %dma_start3A_182 = arith.constant 0 : i32
    %dma_start3A_183 = tpu.memref_slice %arg5[%mul3A_178, %dma_start3A_182] : memref<917504x128xf32, #tpu.memory_space<hbm>> -> memref<50x64xf32, #tpu.memory_space<hbm>>
    %dma_start3A_184 = arith.constant 0 : i32
    %dma_start3A_185 = tpu.memref_slice %arg5[%mul3A_178, %dma_start3A_184] : memref<917504x128xf32, #tpu.memory_space<hbm>> -> memref<50x64xf32, #tpu.memory_space<hbm>>
    %dma_start3A_186 = arith.constant 500 : i32
    %dma_start3A_187 = arith.constant 0 : i32
    %dma_start3A_188 = tpu.memref_slice %arg16[%dma_start3A_186, %dma_start3A_187] : memref<800x64xf32, #tpu.memory_space<vmem>> -> memref<50x64xf32, #tpu.memory_space<vmem>>
    tpu.enqueue_dma source(%dma_start3A_188 : memref<50x64xf32, #tpu.memory_space<vmem>>) target(%dma_start3A_185 : memref<50x64xf32, #tpu.memory_space<hbm>>) target_semaphore(%arg20 : memref<!tpu.dma_semaphore, #tpu.memory_space<semaphore_mem>>)
    %add3A_189 = arith.constant 11 : i32
    %add3A_190 = arith.addi %add3A_34, %add3A_189 : i32
    %mul3A_191 = arith.constant 56 : i32
    %mul3A_192 = arith.muli %add3A_190, %mul3A_191 : i32
    %dma_start3A_193 = arith.constant 550 : i32
    %dma_start3A_194 = arith.constant 0 : i32
    %dma_start3A_195 = tpu.memref_slice %arg16[%dma_start3A_193, %dma_start3A_194] : memref<800x64xf32, #tpu.memory_space<vmem>> -> memref<50x64xf32, #tpu.memory_space<vmem>>
    %dma_start3A_196 = arith.constant 0 : i32
    %dma_start3A_197 = tpu.memref_slice %arg5[%mul3A_192, %dma_start3A_196] : memref<917504x128xf32, #tpu.memory_space<hbm>> -> memref<50x64xf32, #tpu.memory_space<hbm>>
    %dma_start3A_198 = arith.constant 0 : i32
    %dma_start3A_199 = tpu.memref_slice %arg5[%mul3A_192, %dma_start3A_198] : memref<917504x128xf32, #tpu.memory_space<hbm>> -> memref<50x64xf32, #tpu.memory_space<hbm>>
    %dma_start3A_200 = arith.constant 550 : i32
    %dma_start3A_201 = arith.constant 0 : i32
    %dma_start3A_202 = tpu.memref_slice %arg16[%dma_start3A_200, %dma_start3A_201] : memref<800x64xf32, #tpu.memory_space<vmem>> -> memref<50x64xf32, #tpu.memory_space<vmem>>
    tpu.enqueue_dma source(%dma_start3A_202 : memref<50x64xf32, #tpu.memory_space<vmem>>) target(%dma_start3A_199 : memref<50x64xf32, #tpu.memory_space<hbm>>) target_semaphore(%arg20 : memref<!tpu.dma_semaphore, #tpu.memory_space<semaphore_mem>>)
    %add3A_203 = arith.constant 12 : i32
    %add3A_204 = arith.addi %add3A_34, %add3A_203 : i32
    %mul3A_205 = arith.constant 56 : i32
    %mul3A_206 = arith.muli %add3A_204, %mul3A_205 : i32
    %dma_start3A_207 = arith.constant 600 : i32
    %dma_start3A_208 = arith.constant 0 : i32
    %dma_start3A_209 = tpu.memref_slice %arg16[%dma_start3A_207, %dma_start3A_208] : memref<800x64xf32, #tpu.memory_space<vmem>> -> memref<50x64xf32, #tpu.memory_space<vmem>>
    %dma_start3A_210 = arith.constant 0 : i32
    %dma_start3A_211 = tpu.memref_slice %arg5[%mul3A_206, %dma_start3A_210] : memref<917504x128xf32, #tpu.memory_space<hbm>> -> memref<50x64xf32, #tpu.memory_space<hbm>>
    %dma_start3A_212 = arith.constant 0 : i32
    %dma_start3A_213 = tpu.memref_slice %arg5[%mul3A_206, %dma_start3A_212] : memref<917504x128xf32, #tpu.memory_space<hbm>> -> memref<50x64xf32, #tpu.memory_space<hbm>>
    %dma_start3A_214 = arith.constant 600 : i32
    %dma_start3A_215 = arith.constant 0 : i32
    %dma_start3A_216 = tpu.memref_slice %arg16[%dma_start3A_214, %dma_start3A_215] : memref<800x64xf32, #tpu.memory_space<vmem>> -> memref<50x64xf32, #tpu.memory_space<vmem>>
    tpu.enqueue_dma source(%dma_start3A_216 : memref<50x64xf32, #tpu.memory_space<vmem>>) target(%dma_start3A_213 : memref<50x64xf32, #tpu.memory_space<hbm>>) target_semaphore(%arg20 : memref<!tpu.dma_semaphore, #tpu.memory_space<semaphore_mem>>)
    %add3A_217 = arith.constant 13 : i32
    %add3A_218 = arith.addi %add3A_34, %add3A_217 : i32
    %mul3A_219 = arith.constant 56 : i32
    %mul3A_220 = arith.muli %add3A_218, %mul3A_219 : i32
    %dma_start3A_221 = arith.constant 650 : i32
    %dma_start3A_222 = arith.constant 0 : i32
    %dma_start3A_223 = tpu.memref_slice %arg16[%dma_start3A_221, %dma_start3A_222] : memref<800x64xf32, #tpu.memory_space<vmem>> -> memref<50x64xf32, #tpu.memory_space<vmem>>
    %dma_start3A_224 = arith.constant 0 : i32
    %dma_start3A_225 = tpu.memref_slice %arg5[%mul3A_220, %dma_start3A_224] : memref<917504x128xf32, #tpu.memory_space<hbm>> -> memref<50x64xf32, #tpu.memory_space<hbm>>
    %dma_start3A_226 = arith.constant 0 : i32
    %dma_start3A_227 = tpu.memref_slice %arg5[%mul3A_220, %dma_start3A_226] : memref<917504x128xf32, #tpu.memory_space<hbm>> -> memref<50x64xf32, #tpu.memory_space<hbm>>
    %dma_start3A_228 = arith.constant 650 : i32
    %dma_start3A_229 = arith.constant 0 : i32
    %dma_start3A_230 = tpu.memref_slice %arg16[%dma_start3A_228, %dma_start3A_229] : memref<800x64xf32, #tpu.memory_space<vmem>> -> memref<50x64xf32, #tpu.memory_space<vmem>>
    tpu.enqueue_dma source(%dma_start3A_230 : memref<50x64xf32, #tpu.memory_space<vmem>>) target(%dma_start3A_227 : memref<50x64xf32, #tpu.memory_space<hbm>>) target_semaphore(%arg20 : memref<!tpu.dma_semaphore, #tpu.memory_space<semaphore_mem>>)
    %add3A_231 = arith.constant 14 : i32
    %add3A_232 = arith.addi %add3A_34, %add3A_231 : i32
    %mul3A_233 = arith.constant 56 : i32
    %mul3A_234 = arith.muli %add3A_232, %mul3A_233 : i32
    %dma_start3A_235 = arith.constant 700 : i32
    %dma_start3A_236 = arith.constant 0 : i32
    %dma_start3A_237 = tpu.memref_slice %arg16[%dma_start3A_235, %dma_start3A_236] : memref<800x64xf32, #tpu.memory_space<vmem>> -> memref<50x64xf32, #tpu.memory_space<vmem>>
    %dma_start3A_238 = arith.constant 0 : i32
    %dma_start3A_239 = tpu.memref_slice %arg5[%mul3A_234, %dma_start3A_238] : memref<917504x128xf32, #tpu.memory_space<hbm>> -> memref<50x64xf32, #tpu.memory_space<hbm>>
    %dma_start3A_240 = arith.constant 0 : i32
    %dma_start3A_241 = tpu.memref_slice %arg5[%mul3A_234, %dma_start3A_240] : memref<917504x128xf32, #tpu.memory_space<hbm>> -> memref<50x64xf32, #tpu.memory_space<hbm>>
    %dma_start3A_242 = arith.constant 700 : i32
    %dma_start3A_243 = arith.constant 0 : i32
    %dma_start3A_244 = tpu.memref_slice %arg16[%dma_start3A_242, %dma_start3A_243] : memref<800x64xf32, #tpu.memory_space<vmem>> -> memref<50x64xf32, #tpu.memory_space<vmem>>
    tpu.enqueue_dma source(%dma_start3A_244 : memref<50x64xf32, #tpu.memory_space<vmem>>) target(%dma_start3A_241 : memref<50x64xf32, #tpu.memory_space<hbm>>) target_semaphore(%arg20 : memref<!tpu.dma_semaphore, #tpu.memory_space<semaphore_mem>>)
    %add3A_245 = arith.constant 15 : i32
    %add3A_246 = arith.addi %add3A_34, %add3A_245 : i32
    %mul3A_247 = arith.constant 56 : i32
    %mul3A_248 = arith.muli %add3A_246, %mul3A_247 : i32
    %dma_start3A_249 = arith.constant 750 : i32
    %dma_start3A_250 = arith.constant 0 : i32
    %dma_start3A_251 = tpu.memref_slice %arg16[%dma_start3A_249, %dma_start3A_250] : memref<800x64xf32, #tpu.memory_space<vmem>> -> memref<50x64xf32, #tpu.memory_space<vmem>>
    %dma_start3A_252 = arith.constant 0 : i32
    %dma_start3A_253 = tpu.memref_slice %arg5[%mul3A_248, %dma_start3A_252] : memref<917504x128xf32, #tpu.memory_space<hbm>> -> memref<50x64xf32, #tpu.memory_space<hbm>>
    %dma_start3A_254 = arith.constant 0 : i32
    %dma_start3A_255 = tpu.memref_slice %arg5[%mul3A_248, %dma_start3A_254] : memref<917504x128xf32, #tpu.memory_space<hbm>> -> memref<50x64xf32, #tpu.memory_space<hbm>>
    %dma_start3A_256 = arith.constant 750 : i32
    %dma_start3A_257 = arith.constant 0 : i32
    %dma_start3A_258 = tpu.memref_slice %arg16[%dma_start3A_256, %dma_start3A_257] : memref<800x64xf32, #tpu.memory_space<vmem>> -> memref<50x64xf32, #tpu.memory_space<vmem>>
    tpu.enqueue_dma source(%dma_start3A_258 : memref<50x64xf32, #tpu.memory_space<vmem>>) target(%dma_start3A_255 : memref<50x64xf32, #tpu.memory_space<hbm>>) target_semaphore(%arg20 : memref<!tpu.dma_semaphore, #tpu.memory_space<semaphore_mem>>)
    %mul3A_259 = arith.constant 56 : i32
    %mul3A_260 = arith.muli %mul3A_2, %mul3A_259 : i32
    %dma_wait3A_261 = arith.constant 0 : i32
    %dma_wait3A_262 = arith.constant 0 : i32
    %dma_wait3A_263 = tpu.memref_slice %arg15[%dma_wait3A_261, %dma_wait3A_262] : memref<800x64xf32, #tpu.memory_space<vmem>> -> memref<50x64xf32, #tpu.memory_space<vmem>>
    %dma_wait3A_264 = arith.constant 0 : i32
    %dma_wait3A_265 = tpu.memref_slice %arg5[%mul3A_260, %dma_wait3A_264] : memref<917504x128xf32, #tpu.memory_space<hbm>> -> memref<50x64xf32, #tpu.memory_space<hbm>>
    %dma_wait3A_266 = arith.constant 0 : i32
    %dma_wait3A_267 = tpu.memref_slice %arg5[%mul3A_260, %dma_wait3A_266] : memref<917504x128xf32, #tpu.memory_space<hbm>> -> memref<50x64xf32, #tpu.memory_space<hbm>>
    %dma_wait3A_268 = arith.constant 0 : i32
    %dma_wait3A_269 = arith.constant 0 : i32
    %dma_wait3A_270 = tpu.memref_slice %arg15[%dma_wait3A_268, %dma_wait3A_269] : memref<800x64xf32, #tpu.memory_space<vmem>> -> memref<50x64xf32, #tpu.memory_space<vmem>>
    tpu.wait_dma2 semaphore(%arg19 : memref<!tpu.dma_semaphore, #tpu.memory_space<semaphore_mem>>) src(%dma_wait3A_270 : memref<50x64xf32, #tpu.memory_space<vmem>>) dst(%dma_wait3A_267 : memref<50x64xf32, #tpu.memory_space<hbm>>)
    %mul3A_271 = arith.constant 56 : i32
    %mul3A_272 = arith.muli %mul3A_2, %mul3A_271 : i32
    %dma_wait3A_273 = arith.constant 50 : i32
    %dma_wait3A_274 = arith.constant 0 : i32
    %dma_wait3A_275 = tpu.memref_slice %arg15[%dma_wait3A_273, %dma_wait3A_274] : memref<800x64xf32, #tpu.memory_space<vmem>> -> memref<50x64xf32, #tpu.memory_space<vmem>>
    %dma_wait3A_276 = arith.constant 0 : i32
    %dma_wait3A_277 = tpu.memref_slice %arg5[%mul3A_272, %dma_wait3A_276] : memref<917504x128xf32, #tpu.memory_space<hbm>> -> memref<50x64xf32, #tpu.memory_space<hbm>>
    %dma_wait3A_278 = arith.constant 0 : i32
    %dma_wait3A_279 = tpu.memref_slice %arg5[%mul3A_272, %dma_wait3A_278] : memref<917504x128xf32, #tpu.memory_space<hbm>> -> memref<50x64xf32, #tpu.memory_space<hbm>>
    %dma_wait3A_280 = arith.constant 50 : i32
    %dma_wait3A_281 = arith.constant 0 : i32
    %dma_wait3A_282 = tpu.memref_slice %arg15[%dma_wait3A_280, %dma_wait3A_281] : memref<800x64xf32, #tpu.memory_space<vmem>> -> memref<50x64xf32, #tpu.memory_space<vmem>>
    tpu.wait_dma2 semaphore(%arg19 : memref<!tpu.dma_semaphore, #tpu.memory_space<semaphore_mem>>) src(%dma_wait3A_282 : memref<50x64xf32, #tpu.memory_space<vmem>>) dst(%dma_wait3A_279 : memref<50x64xf32, #tpu.memory_space<hbm>>)
    %mul3A_283 = arith.constant 56 : i32
    %mul3A_284 = arith.muli %mul3A_2, %mul3A_283 : i32
    %dma_wait3A_285 = arith.constant 100 : i32
    %dma_wait3A_286 = arith.constant 0 : i32
    %dma_wait3A_287 = tpu.memref_slice %arg15[%dma_wait3A_285, %dma_wait3A_286] : memref<800x64xf32, #tpu.memory_space<vmem>> -> memref<50x64xf32, #tpu.memory_space<vmem>>
    %dma_wait3A_288 = arith.constant 0 : i32
    %dma_wait3A_289 = tpu.memref_slice %arg5[%mul3A_284, %dma_wait3A_288] : memref<917504x128xf32, #tpu.memory_space<hbm>> -> memref<50x64xf32, #tpu.memory_space<hbm>>
    %dma_wait3A_290 = arith.constant 0 : i32
    %dma_wait3A_291 = tpu.memref_slice %arg5[%mul3A_284, %dma_wait3A_290] : memref<917504x128xf32, #tpu.memory_space<hbm>> -> memref<50x64xf32, #tpu.memory_space<hbm>>
    %dma_wait3A_292 = arith.constant 100 : i32
    %dma_wait3A_293 = arith.constant 0 : i32
    %dma_wait3A_294 = tpu.memref_slice %arg15[%dma_wait3A_292, %dma_wait3A_293] : memref<800x64xf32, #tpu.memory_space<vmem>> -> memref<50x64xf32, #tpu.memory_space<vmem>>
    tpu.wait_dma2 semaphore(%arg19 : memref<!tpu.dma_semaphore, #tpu.memory_space<semaphore_mem>>) src(%dma_wait3A_294 : memref<50x64xf32, #tpu.memory_space<vmem>>) dst(%dma_wait3A_291 : memref<50x64xf32, #tpu.memory_space<hbm>>)
    %mul3A_295 = arith.constant 56 : i32
    %mul3A_296 = arith.muli %mul3A_2, %mul3A_295 : i32
    %dma_wait3A_297 = arith.constant 150 : i32
    %dma_wait3A_298 = arith.constant 0 : i32
    %dma_wait3A_299 = tpu.memref_slice %arg15[%dma_wait3A_297, %dma_wait3A_298] : memref<800x64xf32, #tpu.memory_space<vmem>> -> memref<50x64xf32, #tpu.memory_space<vmem>>
    %dma_wait3A_300 = arith.constant 0 : i32
    %dma_wait3A_301 = tpu.memref_slice %arg5[%mul3A_296, %dma_wait3A_300] : memref<917504x128xf32, #tpu.memory_space<hbm>> -> memref<50x64xf32, #tpu.memory_space<hbm>>
    %dma_wait3A_302 = arith.constant 0 : i32
    %dma_wait3A_303 = tpu.memref_slice %arg5[%mul3A_296, %dma_wait3A_302] : memref<917504x128xf32, #tpu.memory_space<hbm>> -> memref<50x64xf32, #tpu.memory_space<hbm>>
    %dma_wait3A_304 = arith.constant 150 : i32
    %dma_wait3A_305 = arith.constant 0 : i32
    %dma_wait3A_306 = tpu.memref_slice %arg15[%dma_wait3A_304, %dma_wait3A_305] : memref<800x64xf32, #tpu.memory_space<vmem>> -> memref<50x64xf32, #tpu.memory_space<vmem>>
    tpu.wait_dma2 semaphore(%arg19 : memref<!tpu.dma_semaphore, #tpu.memory_space<semaphore_mem>>) src(%dma_wait3A_306 : memref<50x64xf32, #tpu.memory_space<vmem>>) dst(%dma_wait3A_303 : memref<50x64xf32, #tpu.memory_space<hbm>>)
    %mul3A_307 = arith.constant 56 : i32
    %mul3A_308 = arith.muli %mul3A_2, %mul3A_307 : i32
    %dma_wait3A_309 = arith.constant 200 : i32
    %dma_wait3A_310 = arith.constant 0 : i32
    %dma_wait3A_311 = tpu.memref_slice %arg15[%dma_wait3A_309, %dma_wait3A_310] : memref<800x64xf32, #tpu.memory_space<vmem>> -> memref<50x64xf32, #tpu.memory_space<vmem>>
    %dma_wait3A_312 = arith.constant 0 : i32
    %dma_wait3A_313 = tpu.memref_slice %arg5[%mul3A_308, %dma_wait3A_312] : memref<917504x128xf32, #tpu.memory_space<hbm>> -> memref<50x64xf32, #tpu.memory_space<hbm>>
    %dma_wait3A_314 = arith.constant 0 : i32
    %dma_wait3A_315 = tpu.memref_slice %arg5[%mul3A_308, %dma_wait3A_314] : memref<917504x128xf32, #tpu.memory_space<hbm>> -> memref<50x64xf32, #tpu.memory_space<hbm>>
    %dma_wait3A_316 = arith.constant 200 : i32
    %dma_wait3A_317 = arith.constant 0 : i32
    %dma_wait3A_318 = tpu.memref_slice %arg15[%dma_wait3A_316, %dma_wait3A_317] : memref<800x64xf32, #tpu.memory_space<vmem>> -> memref<50x64xf32, #tpu.memory_space<vmem>>
    tpu.wait_dma2 semaphore(%arg19 : memref<!tpu.dma_semaphore, #tpu.memory_space<semaphore_mem>>) src(%dma_wait3A_318 : memref<50x64xf32, #tpu.memory_space<vmem>>) dst(%dma_wait3A_315 : memref<50x64xf32, #tpu.memory_space<hbm>>)
    %mul3A_319 = arith.constant 56 : i32
    %mul3A_320 = arith.muli %mul3A_2, %mul3A_319 : i32
    %dma_wait3A_321 = arith.constant 250 : i32
    %dma_wait3A_322 = arith.constant 0 : i32
    %dma_wait3A_323 = tpu.memref_slice %arg15[%dma_wait3A_321, %dma_wait3A_322] : memref<800x64xf32, #tpu.memory_space<vmem>> -> memref<50x64xf32, #tpu.memory_space<vmem>>
    %dma_wait3A_324 = arith.constant 0 : i32
    %dma_wait3A_325 = tpu.memref_slice %arg5[%mul3A_320, %dma_wait3A_324] : memref<917504x128xf32, #tpu.memory_space<hbm>> -> memref<50x64xf32, #tpu.memory_space<hbm>>
    %dma_wait3A_326 = arith.constant 0 : i32
    %dma_wait3A_327 = tpu.memref_slice %arg5[%mul3A_320, %dma_wait3A_326] : memref<917504x128xf32, #tpu.memory_space<hbm>> -> memref<50x64xf32, #tpu.memory_space<hbm>>
    %dma_wait3A_328 = arith.constant 250 : i32
    %dma_wait3A_329 = arith.constant 0 : i32
    %dma_wait3A_330 = tpu.memref_slice %arg15[%dma_wait3A_328, %dma_wait3A_329] : memref<800x64xf32, #tpu.memory_space<vmem>> -> memref<50x64xf32, #tpu.memory_space<vmem>>
    tpu.wait_dma2 semaphore(%arg19 : memref<!tpu.dma_semaphore, #tpu.memory_space<semaphore_mem>>) src(%dma_wait3A_330 : memref<50x64xf32, #tpu.memory_space<vmem>>) dst(%dma_wait3A_327 : memref<50x64xf32, #tpu.memory_space<hbm>>)
    %mul3A_331 = arith.constant 56 : i32
    %mul3A_332 = arith.muli %mul3A_2, %mul3A_331 : i32
    %dma_wait3A_333 = arith.constant 300 : i32
    %dma_wait3A_334 = arith.constant 0 : i32
    %dma_wait3A_335 = tpu.memref_slice %arg15[%dma_wait3A_333, %dma_wait3A_334] : memref<800x64xf32, #tpu.memory_space<vmem>> -> memref<50x64xf32, #tpu.memory_space<vmem>>
    %dma_wait3A_336 = arith.constant 0 : i32
    %dma_wait3A_337 = tpu.memref_slice %arg5[%mul3A_332, %dma_wait3A_336] : memref<917504x128xf32, #tpu.memory_space<hbm>> -> memref<50x64xf32, #tpu.memory_space<hbm>>
    %dma_wait3A_338 = arith.constant 0 : i32
    %dma_wait3A_339 = tpu.memref_slice %arg5[%mul3A_332, %dma_wait3A_338] : memref<917504x128xf32, #tpu.memory_space<hbm>> -> memref<50x64xf32, #tpu.memory_space<hbm>>
    %dma_wait3A_340 = arith.constant 300 : i32
    %dma_wait3A_341 = arith.constant 0 : i32
    %dma_wait3A_342 = tpu.memref_slice %arg15[%dma_wait3A_340, %dma_wait3A_341] : memref<800x64xf32, #tpu.memory_space<vmem>> -> memref<50x64xf32, #tpu.memory_space<vmem>>
    tpu.wait_dma2 semaphore(%arg19 : memref<!tpu.dma_semaphore, #tpu.memory_space<semaphore_mem>>) src(%dma_wait3A_342 : memref<50x64xf32, #tpu.memory_space<vmem>>) dst(%dma_wait3A_339 : memref<50x64xf32, #tpu.memory_space<hbm>>)
    %mul3A_343 = arith.constant 56 : i32
    %mul3A_344 = arith.muli %mul3A_2, %mul3A_343 : i32
    %dma_wait3A_345 = arith.constant 350 : i32
    %dma_wait3A_346 = arith.constant 0 : i32
    %dma_wait3A_347 = tpu.memref_slice %arg15[%dma_wait3A_345, %dma_wait3A_346] : memref<800x64xf32, #tpu.memory_space<vmem>> -> memref<50x64xf32, #tpu.memory_space<vmem>>
    %dma_wait3A_348 = arith.constant 0 : i32
    %dma_wait3A_349 = tpu.memref_slice %arg5[%mul3A_344, %dma_wait3A_348] : memref<917504x128xf32, #tpu.memory_space<hbm>> -> memref<50x64xf32, #tpu.memory_space<hbm>>
    %dma_wait3A_350 = arith.constant 0 : i32
    %dma_wait3A_351 = tpu.memref_slice %arg5[%mul3A_344, %dma_wait3A_350] : memref<917504x128xf32, #tpu.memory_space<hbm>> -> memref<50x64xf32, #tpu.memory_space<hbm>>
    %dma_wait3A_352 = arith.constant 350 : i32
    %dma_wait3A_353 = arith.constant 0 : i32
    %dma_wait3A_354 = tpu.memref_slice %arg15[%dma_wait3A_352, %dma_wait3A_353] : memref<800x64xf32, #tpu.memory_space<vmem>> -> memref<50x64xf32, #tpu.memory_space<vmem>>
    tpu.wait_dma2 semaphore(%arg19 : memref<!tpu.dma_semaphore, #tpu.memory_space<semaphore_mem>>) src(%dma_wait3A_354 : memref<50x64xf32, #tpu.memory_space<vmem>>) dst(%dma_wait3A_351 : memref<50x64xf32, #tpu.memory_space<hbm>>)
    %mul3A_355 = arith.constant 56 : i32
    %mul3A_356 = arith.muli %mul3A_2, %mul3A_355 : i32
    %dma_wait3A_357 = arith.constant 400 : i32
    %dma_wait3A_358 = arith.constant 0 : i32
    %dma_wait3A_359 = tpu.memref_slice %arg15[%dma_wait3A_357, %dma_wait3A_358] : memref<800x64xf32, #tpu.memory_space<vmem>> -> memref<50x64xf32, #tpu.memory_space<vmem>>
    %dma_wait3A_360 = arith.constant 0 : i32
    %dma_wait3A_361 = tpu.memref_slice %arg5[%mul3A_356, %dma_wait3A_360] : memref<917504x128xf32, #tpu.memory_space<hbm>> -> memref<50x64xf32, #tpu.memory_space<hbm>>
    %dma_wait3A_362 = arith.constant 0 : i32
    %dma_wait3A_363 = tpu.memref_slice %arg5[%mul3A_356, %dma_wait3A_362] : memref<917504x128xf32, #tpu.memory_space<hbm>> -> memref<50x64xf32, #tpu.memory_space<hbm>>
    %dma_wait3A_364 = arith.constant 400 : i32
    %dma_wait3A_365 = arith.constant 0 : i32
    %dma_wait3A_366 = tpu.memref_slice %arg15[%dma_wait3A_364, %dma_wait3A_365] : memref<800x64xf32, #tpu.memory_space<vmem>> -> memref<50x64xf32, #tpu.memory_space<vmem>>
    tpu.wait_dma2 semaphore(%arg19 : memref<!tpu.dma_semaphore, #tpu.memory_space<semaphore_mem>>) src(%dma_wait3A_366 : memref<50x64xf32, #tpu.memory_space<vmem>>) dst(%dma_wait3A_363 : memref<50x64xf32, #tpu.memory_space<hbm>>)
    %mul3A_367 = arith.constant 56 : i32
    %mul3A_368 = arith.muli %mul3A_2, %mul3A_367 : i32
    %dma_wait3A_369 = arith.constant 450 : i32
    %dma_wait3A_370 = arith.constant 0 : i32
    %dma_wait3A_371 = tpu.memref_slice %arg15[%dma_wait3A_369, %dma_wait3A_370] : memref<800x64xf32, #tpu.memory_space<vmem>> -> memref<50x64xf32, #tpu.memory_space<vmem>>
    %dma_wait3A_372 = arith.constant 0 : i32
    %dma_wait3A_373 = tpu.memref_slice %arg5[%mul3A_368, %dma_wait3A_372] : memref<917504x128xf32, #tpu.memory_space<hbm>> -> memref<50x64xf32, #tpu.memory_space<hbm>>
    %dma_wait3A_374 = arith.constant 0 : i32
    %dma_wait3A_375 = tpu.memref_slice %arg5[%mul3A_368, %dma_wait3A_374] : memref<917504x128xf32, #tpu.memory_space<hbm>> -> memref<50x64xf32, #tpu.memory_space<hbm>>
    %dma_wait3A_376 = arith.constant 450 : i32
    %dma_wait3A_377 = arith.constant 0 : i32
    %dma_wait3A_378 = tpu.memref_slice %arg15[%dma_wait3A_376, %dma_wait3A_377] : memref<800x64xf32, #tpu.memory_space<vmem>> -> memref<50x64xf32, #tpu.memory_space<vmem>>
    tpu.wait_dma2 semaphore(%arg19 : memref<!tpu.dma_semaphore, #tpu.memory_space<semaphore_mem>>) src(%dma_wait3A_378 : memref<50x64xf32, #tpu.memory_space<vmem>>) dst(%dma_wait3A_375 : memref<50x64xf32, #tpu.memory_space<hbm>>)
    %mul3A_379 = arith.constant 56 : i32
    %mul3A_380 = arith.muli %mul3A_2, %mul3A_379 : i32
    %dma_wait3A_381 = arith.constant 500 : i32
    %dma_wait3A_382 = arith.constant 0 : i32
    %dma_wait3A_383 = tpu.memref_slice %arg15[%dma_wait3A_381, %dma_wait3A_382] : memref<800x64xf32, #tpu.memory_space<vmem>> -> memref<50x64xf32, #tpu.memory_space<vmem>>
    %dma_wait3A_384 = arith.constant 0 : i32
    %dma_wait3A_385 = tpu.memref_slice %arg5[%mul3A_380, %dma_wait3A_384] : memref<917504x128xf32, #tpu.memory_space<hbm>> -> memref<50x64xf32, #tpu.memory_space<hbm>>
    %dma_wait3A_386 = arith.constant 0 : i32
    %dma_wait3A_387 = tpu.memref_slice %arg5[%mul3A_380, %dma_wait3A_386] : memref<917504x128xf32, #tpu.memory_space<hbm>> -> memref<50x64xf32, #tpu.memory_space<hbm>>
    %dma_wait3A_388 = arith.constant 500 : i32
    %dma_wait3A_389 = arith.constant 0 : i32
    %dma_wait3A_390 = tpu.memref_slice %arg15[%dma_wait3A_388, %dma_wait3A_389] : memref<800x64xf32, #tpu.memory_space<vmem>> -> memref<50x64xf32, #tpu.memory_space<vmem>>
    tpu.wait_dma2 semaphore(%arg19 : memref<!tpu.dma_semaphore, #tpu.memory_space<semaphore_mem>>) src(%dma_wait3A_390 : memref<50x64xf32, #tpu.memory_space<vmem>>) dst(%dma_wait3A_387 : memref<50x64xf32, #tpu.memory_space<hbm>>)
    %mul3A_391 = arith.constant 56 : i32
    %mul3A_392 = arith.muli %mul3A_2, %mul3A_391 : i32
    %dma_wait3A_393 = arith.constant 550 : i32
    %dma_wait3A_394 = arith.constant 0 : i32
    %dma_wait3A_395 = tpu.memref_slice %arg15[%dma_wait3A_393, %dma_wait3A_394] : memref<800x64xf32, #tpu.memory_space<vmem>> -> memref<50x64xf32, #tpu.memory_space<vmem>>
    %dma_wait3A_396 = arith.constant 0 : i32
    %dma_wait3A_397 = tpu.memref_slice %arg5[%mul3A_392, %dma_wait3A_396] : memref<917504x128xf32, #tpu.memory_space<hbm>> -> memref<50x64xf32, #tpu.memory_space<hbm>>
    %dma_wait3A_398 = arith.constant 0 : i32
    %dma_wait3A_399 = tpu.memref_slice %arg5[%mul3A_392, %dma_wait3A_398] : memref<917504x128xf32, #tpu.memory_space<hbm>> -> memref<50x64xf32, #tpu.memory_space<hbm>>
    %dma_wait3A_400 = arith.constant 550 : i32
    %dma_wait3A_401 = arith.constant 0 : i32
    %dma_wait3A_402 = tpu.memref_slice %arg15[%dma_wait3A_400, %dma_wait3A_401] : memref<800x64xf32, #tpu.memory_space<vmem>> -> memref<50x64xf32, #tpu.memory_space<vmem>>
    tpu.wait_dma2 semaphore(%arg19 : memref<!tpu.dma_semaphore, #tpu.memory_space<semaphore_mem>>) src(%dma_wait3A_402 : memref<50x64xf32, #tpu.memory_space<vmem>>) dst(%dma_wait3A_399 : memref<50x64xf32, #tpu.memory_space<hbm>>)
    %mul3A_403 = arith.constant 56 : i32
    %mul3A_404 = arith.muli %mul3A_2, %mul3A_403 : i32
    %dma_wait3A_405 = arith.constant 600 : i32
    %dma_wait3A_406 = arith.constant 0 : i32
    %dma_wait3A_407 = tpu.memref_slice %arg15[%dma_wait3A_405, %dma_wait3A_406] : memref<800x64xf32, #tpu.memory_space<vmem>> -> memref<50x64xf32, #tpu.memory_space<vmem>>
    %dma_wait3A_408 = arith.constant 0 : i32
    %dma_wait3A_409 = tpu.memref_slice %arg5[%mul3A_404, %dma_wait3A_408] : memref<917504x128xf32, #tpu.memory_space<hbm>> -> memref<50x64xf32, #tpu.memory_space<hbm>>
    %dma_wait3A_410 = arith.constant 0 : i32
    %dma_wait3A_411 = tpu.memref_slice %arg5[%mul3A_404, %dma_wait3A_410] : memref<917504x128xf32, #tpu.memory_space<hbm>> -> memref<50x64xf32, #tpu.memory_space<hbm>>
    %dma_wait3A_412 = arith.constant 600 : i32
    %dma_wait3A_413 = arith.constant 0 : i32
    %dma_wait3A_414 = tpu.memref_slice %arg15[%dma_wait3A_412, %dma_wait3A_413] : memref<800x64xf32, #tpu.memory_space<vmem>> -> memref<50x64xf32, #tpu.memory_space<vmem>>
    tpu.wait_dma2 semaphore(%arg19 : memref<!tpu.dma_semaphore, #tpu.memory_space<semaphore_mem>>) src(%dma_wait3A_414 : memref<50x64xf32, #tpu.memory_space<vmem>>) dst(%dma_wait3A_411 : memref<50x64xf32, #tpu.memory_space<hbm>>)
    %mul3A_415 = arith.constant 56 : i32
    %mul3A_416 = arith.muli %mul3A_2, %mul3A_415 : i32
    %dma_wait3A_417 = arith.constant 650 : i32
    %dma_wait3A_418 = arith.constant 0 : i32
    %dma_wait3A_419 = tpu.memref_slice %arg15[%dma_wait3A_417, %dma_wait3A_418] : memref<800x64xf32, #tpu.memory_space<vmem>> -> memref<50x64xf32, #tpu.memory_space<vmem>>
    %dma_wait3A_420 = arith.constant 0 : i32
    %dma_wait3A_421 = tpu.memref_slice %arg5[%mul3A_416, %dma_wait3A_420] : memref<917504x128xf32, #tpu.memory_space<hbm>> -> memref<50x64xf32, #tpu.memory_space<hbm>>
    %dma_wait3A_422 = arith.constant 0 : i32
    %dma_wait3A_423 = tpu.memref_slice %arg5[%mul3A_416, %dma_wait3A_422] : memref<917504x128xf32, #tpu.memory_space<hbm>> -> memref<50x64xf32, #tpu.memory_space<hbm>>
    %dma_wait3A_424 = arith.constant 650 : i32
    %dma_wait3A_425 = arith.constant 0 : i32
    %dma_wait3A_426 = tpu.memref_slice %arg15[%dma_wait3A_424, %dma_wait3A_425] : memref<800x64xf32, #tpu.memory_space<vmem>> -> memref<50x64xf32, #tpu.memory_space<vmem>>
    tpu.wait_dma2 semaphore(%arg19 : memref<!tpu.dma_semaphore, #tpu.memory_space<semaphore_mem>>) src(%dma_wait3A_426 : memref<50x64xf32, #tpu.memory_space<vmem>>) dst(%dma_wait3A_423 : memref<50x64xf32, #tpu.memory_space<hbm>>)
    %mul3A_427 = arith.constant 56 : i32
    %mul3A_428 = arith.muli %mul3A_2, %mul3A_427 : i32
    %dma_wait3A_429 = arith.constant 700 : i32
    %dma_wait3A_430 = arith.constant 0 : i32
    %dma_wait3A_431 = tpu.memref_slice %arg15[%dma_wait3A_429, %dma_wait3A_430] : memref<800x64xf32, #tpu.memory_space<vmem>> -> memref<50x64xf32, #tpu.memory_space<vmem>>
    %dma_wait3A_432 = arith.constant 0 : i32
    %dma_wait3A_433 = tpu.memref_slice %arg5[%mul3A_428, %dma_wait3A_432] : memref<917504x128xf32, #tpu.memory_space<hbm>> -> memref<50x64xf32, #tpu.memory_space<hbm>>
    %dma_wait3A_434 = arith.constant 0 : i32
    %dma_wait3A_435 = tpu.memref_slice %arg5[%mul3A_428, %dma_wait3A_434] : memref<917504x128xf32, #tpu.memory_space<hbm>> -> memref<50x64xf32, #tpu.memory_space<hbm>>
    %dma_wait3A_436 = arith.constant 700 : i32
    %dma_wait3A_437 = arith.constant 0 : i32
    %dma_wait3A_438 = tpu.memref_slice %arg15[%dma_wait3A_436, %dma_wait3A_437] : memref<800x64xf32, #tpu.memory_space<vmem>> -> memref<50x64xf32, #tpu.memory_space<vmem>>
    tpu.wait_dma2 semaphore(%arg19 : memref<!tpu.dma_semaphore, #tpu.memory_space<semaphore_mem>>) src(%dma_wait3A_438 : memref<50x64xf32, #tpu.memory_space<vmem>>) dst(%dma_wait3A_435 : memref<50x64xf32, #tpu.memory_space<hbm>>)
    %mul3A_439 = arith.constant 56 : i32
    %mul3A_440 = arith.muli %mul3A_2, %mul3A_439 : i32
    %dma_wait3A_441 = arith.constant 750 : i32
    %dma_wait3A_442 = arith.constant 0 : i32
    %dma_wait3A_443 = tpu.memref_slice %arg15[%dma_wait3A_441, %dma_wait3A_442] : memref<800x64xf32, #tpu.memory_space<vmem>> -> memref<50x64xf32, #tpu.memory_space<vmem>>
    %dma_wait3A_444 = arith.constant 0 : i32
    %dma_wait3A_445 = tpu.memref_slice %arg5[%mul3A_440, %dma_wait3A_444] : memref<917504x128xf32, #tpu.memory_space<hbm>> -> memref<50x64xf32, #tpu.memory_space<hbm>>
    %dma_wait3A_446 = arith.constant 0 : i32
    %dma_wait3A_447 = tpu.memref_slice %arg5[%mul3A_440, %dma_wait3A_446] : memref<917504x128xf32, #tpu.memory_space<hbm>> -> memref<50x64xf32, #tpu.memory_space<hbm>>
    %dma_wait3A_448 = arith.constant 750 : i32
    %dma_wait3A_449 = arith.constant 0 : i32
    %dma_wait3A_450 = tpu.memref_slice %arg15[%dma_wait3A_448, %dma_wait3A_449] : memref<800x64xf32, #tpu.memory_space<vmem>> -> memref<50x64xf32, #tpu.memory_space<vmem>>
    tpu.wait_dma2 semaphore(%arg19 : memref<!tpu.dma_semaphore, #tpu.memory_space<semaphore_mem>>) src(%dma_wait3A_450 : memref<50x64xf32, #tpu.memory_space<vmem>>) dst(%dma_wait3A_447 : memref<50x64xf32, #tpu.memory_space<hbm>>)
    %mul3A_451 = arith.constant 56 : i32
    %mul3A_452 = arith.muli %mul3A_2, %mul3A_451 : i32
    %dma_wait3A_453 = arith.constant 0 : i32
    %dma_wait3A_454 = arith.constant 0 : i32
    %dma_wait3A_455 = tpu.memref_slice %arg16[%dma_wait3A_453, %dma_wait3A_454] : memref<800x64xf32, #tpu.memory_space<vmem>> -> memref<50x64xf32, #tpu.memory_space<vmem>>
    %dma_wait3A_456 = arith.constant 0 : i32
    %dma_wait3A_457 = tpu.memref_slice %arg5[%mul3A_452, %dma_wait3A_456] : memref<917504x128xf32, #tpu.memory_space<hbm>> -> memref<50x64xf32, #tpu.memory_space<hbm>>
    %dma_wait3A_458 = arith.constant 0 : i32
    %dma_wait3A_459 = tpu.memref_slice %arg5[%mul3A_452, %dma_wait3A_458] : memref<917504x128xf32, #tpu.memory_space<hbm>> -> memref<50x64xf32, #tpu.memory_space<hbm>>
    %dma_wait3A_460 = arith.constant 0 : i32
    %dma_wait3A_461 = arith.constant 0 : i32
    %dma_wait3A_462 = tpu.memref_slice %arg16[%dma_wait3A_460, %dma_wait3A_461] : memref<800x64xf32, #tpu.memory_space<vmem>> -> memref<50x64xf32, #tpu.memory_space<vmem>>
    tpu.wait_dma2 semaphore(%arg20 : memref<!tpu.dma_semaphore, #tpu.memory_space<semaphore_mem>>) src(%dma_wait3A_462 : memref<50x64xf32, #tpu.memory_space<vmem>>) dst(%dma_wait3A_459 : memref<50x64xf32, #tpu.memory_space<hbm>>)
    %mul3A_463 = arith.constant 56 : i32
    %mul3A_464 = arith.muli %mul3A_2, %mul3A_463 : i32
    %dma_wait3A_465 = arith.constant 50 : i32
    %dma_wait3A_466 = arith.constant 0 : i32
    %dma_wait3A_467 = tpu.memref_slice %arg16[%dma_wait3A_465, %dma_wait3A_466] : memref<800x64xf32, #tpu.memory_space<vmem>> -> memref<50x64xf32, #tpu.memory_space<vmem>>
    %dma_wait3A_468 = arith.constant 0 : i32
    %dma_wait3A_469 = tpu.memref_slice %arg5[%mul3A_464, %dma_wait3A_468] : memref<917504x128xf32, #tpu.memory_space<hbm>> -> memref<50x64xf32, #tpu.memory_space<hbm>>
    %dma_wait3A_470 = arith.constant 0 : i32
    %dma_wait3A_471 = tpu.memref_slice %arg5[%mul3A_464, %dma_wait3A_470] : memref<917504x128xf32, #tpu.memory_space<hbm>> -> memref<50x64xf32, #tpu.memory_space<hbm>>
    %dma_wait3A_472 = arith.constant 50 : i32
    %dma_wait3A_473 = arith.constant 0 : i32
    %dma_wait3A_474 = tpu.memref_slice %arg16[%dma_wait3A_472, %dma_wait3A_473] : memref<800x64xf32, #tpu.memory_space<vmem>> -> memref<50x64xf32, #tpu.memory_space<vmem>>
    tpu.wait_dma2 semaphore(%arg20 : memref<!tpu.dma_semaphore, #tpu.memory_space<semaphore_mem>>) src(%dma_wait3A_474 : memref<50x64xf32, #tpu.memory_space<vmem>>) dst(%dma_wait3A_471 : memref<50x64xf32, #tpu.memory_space<hbm>>)
    %mul3A_475 = arith.constant 56 : i32
    %mul3A_476 = arith.muli %mul3A_2, %mul3A_475 : i32
    %dma_wait3A_477 = arith.constant 100 : i32
    %dma_wait3A_478 = arith.constant 0 : i32
    %dma_wait3A_479 = tpu.memref_slice %arg16[%dma_wait3A_477, %dma_wait3A_478] : memref<800x64xf32, #tpu.memory_space<vmem>> -> memref<50x64xf32, #tpu.memory_space<vmem>>
    %dma_wait3A_480 = arith.constant 0 : i32
    %dma_wait3A_481 = tpu.memref_slice %arg5[%mul3A_476, %dma_wait3A_480] : memref<917504x128xf32, #tpu.memory_space<hbm>> -> memref<50x64xf32, #tpu.memory_space<hbm>>
    %dma_wait3A_482 = arith.constant 0 : i32
    %dma_wait3A_483 = tpu.memref_slice %arg5[%mul3A_476, %dma_wait3A_482] : memref<917504x128xf32, #tpu.memory_space<hbm>> -> memref<50x64xf32, #tpu.memory_space<hbm>>
    %dma_wait3A_484 = arith.constant 100 : i32
    %dma_wait3A_485 = arith.constant 0 : i32
    %dma_wait3A_486 = tpu.memref_slice %arg16[%dma_wait3A_484, %dma_wait3A_485] : memref<800x64xf32, #tpu.memory_space<vmem>> -> memref<50x64xf32, #tpu.memory_space<vmem>>
    tpu.wait_dma2 semaphore(%arg20 : memref<!tpu.dma_semaphore, #tpu.memory_space<semaphore_mem>>) src(%dma_wait3A_486 : memref<50x64xf32, #tpu.memory_space<vmem>>) dst(%dma_wait3A_483 : memref<50x64xf32, #tpu.memory_space<hbm>>)
    %mul3A_487 = arith.constant 56 : i32
    %mul3A_488 = arith.muli %mul3A_2, %mul3A_487 : i32
    %dma_wait3A_489 = arith.constant 150 : i32
    %dma_wait3A_490 = arith.constant 0 : i32
    %dma_wait3A_491 = tpu.memref_slice %arg16[%dma_wait3A_489, %dma_wait3A_490] : memref<800x64xf32, #tpu.memory_space<vmem>> -> memref<50x64xf32, #tpu.memory_space<vmem>>
    %dma_wait3A_492 = arith.constant 0 : i32
    %dma_wait3A_493 = tpu.memref_slice %arg5[%mul3A_488, %dma_wait3A_492] : memref<917504x128xf32, #tpu.memory_space<hbm>> -> memref<50x64xf32, #tpu.memory_space<hbm>>
    %dma_wait3A_494 = arith.constant 0 : i32
    %dma_wait3A_495 = tpu.memref_slice %arg5[%mul3A_488, %dma_wait3A_494] : memref<917504x128xf32, #tpu.memory_space<hbm>> -> memref<50x64xf32, #tpu.memory_space<hbm>>
    %dma_wait3A_496 = arith.constant 150 : i32
    %dma_wait3A_497 = arith.constant 0 : i32
    %dma_wait3A_498 = tpu.memref_slice %arg16[%dma_wait3A_496, %dma_wait3A_497] : memref<800x64xf32, #tpu.memory_space<vmem>> -> memref<50x64xf32, #tpu.memory_space<vmem>>
    tpu.wait_dma2 semaphore(%arg20 : memref<!tpu.dma_semaphore, #tpu.memory_space<semaphore_mem>>) src(%dma_wait3A_498 : memref<50x64xf32, #tpu.memory_space<vmem>>) dst(%dma_wait3A_495 : memref<50x64xf32, #tpu.memory_space<hbm>>)
    %mul3A_499 = arith.constant 56 : i32
    %mul3A_500 = arith.muli %mul3A_2, %mul3A_499 : i32
    %dma_wait3A_501 = arith.constant 200 : i32
    %dma_wait3A_502 = arith.constant 0 : i32
    %dma_wait3A_503 = tpu.memref_slice %arg16[%dma_wait3A_501, %dma_wait3A_502] : memref<800x64xf32, #tpu.memory_space<vmem>> -> memref<50x64xf32, #tpu.memory_space<vmem>>
    %dma_wait3A_504 = arith.constant 0 : i32
    %dma_wait3A_505 = tpu.memref_slice %arg5[%mul3A_500, %dma_wait3A_504] : memref<917504x128xf32, #tpu.memory_space<hbm>> -> memref<50x64xf32, #tpu.memory_space<hbm>>
    %dma_wait3A_506 = arith.constant 0 : i32
    %dma_wait3A_507 = tpu.memref_slice %arg5[%mul3A_500, %dma_wait3A_506] : memref<917504x128xf32, #tpu.memory_space<hbm>> -> memref<50x64xf32, #tpu.memory_space<hbm>>
    %dma_wait3A_508 = arith.constant 200 : i32
    %dma_wait3A_509 = arith.constant 0 : i32
    %dma_wait3A_510 = tpu.memref_slice %arg16[%dma_wait3A_508, %dma_wait3A_509] : memref<800x64xf32, #tpu.memory_space<vmem>> -> memref<50x64xf32, #tpu.memory_space<vmem>>
    tpu.wait_dma2 semaphore(%arg20 : memref<!tpu.dma_semaphore, #tpu.memory_space<semaphore_mem>>) src(%dma_wait3A_510 : memref<50x64xf32, #tpu.memory_space<vmem>>) dst(%dma_wait3A_507 : memref<50x64xf32, #tpu.memory_space<hbm>>)
    %mul3A_511 = arith.constant 56 : i32
    %mul3A_512 = arith.muli %mul3A_2, %mul3A_511 : i32
    %dma_wait3A_513 = arith.constant 250 : i32
    %dma_wait3A_514 = arith.constant 0 : i32
    %dma_wait3A_515 = tpu.memref_slice %arg16[%dma_wait3A_513, %dma_wait3A_514] : memref<800x64xf32, #tpu.memory_space<vmem>> -> memref<50x64xf32, #tpu.memory_space<vmem>>
    %dma_wait3A_516 = arith.constant 0 : i32
    %dma_wait3A_517 = tpu.memref_slice %arg5[%mul3A_512, %dma_wait3A_516] : memref<917504x128xf32, #tpu.memory_space<hbm>> -> memref<50x64xf32, #tpu.memory_space<hbm>>
    %dma_wait3A_518 = arith.constant 0 : i32
    %dma_wait3A_519 = tpu.memref_slice %arg5[%mul3A_512, %dma_wait3A_518] : memref<917504x128xf32, #tpu.memory_space<hbm>> -> memref<50x64xf32, #tpu.memory_space<hbm>>
    %dma_wait3A_520 = arith.constant 250 : i32
    %dma_wait3A_521 = arith.constant 0 : i32
    %dma_wait3A_522 = tpu.memref_slice %arg16[%dma_wait3A_520, %dma_wait3A_521] : memref<800x64xf32, #tpu.memory_space<vmem>> -> memref<50x64xf32, #tpu.memory_space<vmem>>
    tpu.wait_dma2 semaphore(%arg20 : memref<!tpu.dma_semaphore, #tpu.memory_space<semaphore_mem>>) src(%dma_wait3A_522 : memref<50x64xf32, #tpu.memory_space<vmem>>) dst(%dma_wait3A_519 : memref<50x64xf32, #tpu.memory_space<hbm>>)
    %mul3A_523 = arith.constant 56 : i32
    %mul3A_524 = arith.muli %mul3A_2, %mul3A_523 : i32
    %dma_wait3A_525 = arith.constant 300 : i32
    %dma_wait3A_526 = arith.constant 0 : i32
    %dma_wait3A_527 = tpu.memref_slice %arg16[%dma_wait3A_525, %dma_wait3A_526] : memref<800x64xf32, #tpu.memory_space<vmem>> -> memref<50x64xf32, #tpu.memory_space<vmem>>
    %dma_wait3A_528 = arith.constant 0 : i32
    %dma_wait3A_529 = tpu.memref_slice %arg5[%mul3A_524, %dma_wait3A_528] : memref<917504x128xf32, #tpu.memory_space<hbm>> -> memref<50x64xf32, #tpu.memory_space<hbm>>
    %dma_wait3A_530 = arith.constant 0 : i32
    %dma_wait3A_531 = tpu.memref_slice %arg5[%mul3A_524, %dma_wait3A_530] : memref<917504x128xf32, #tpu.memory_space<hbm>> -> memref<50x64xf32, #tpu.memory_space<hbm>>
    %dma_wait3A_532 = arith.constant 300 : i32
    %dma_wait3A_533 = arith.constant 0 : i32
    %dma_wait3A_534 = tpu.memref_slice %arg16[%dma_wait3A_532, %dma_wait3A_533] : memref<800x64xf32, #tpu.memory_space<vmem>> -> memref<50x64xf32, #tpu.memory_space<vmem>>
    tpu.wait_dma2 semaphore(%arg20 : memref<!tpu.dma_semaphore, #tpu.memory_space<semaphore_mem>>) src(%dma_wait3A_534 : memref<50x64xf32, #tpu.memory_space<vmem>>) dst(%dma_wait3A_531 : memref<50x64xf32, #tpu.memory_space<hbm>>)
    %mul3A_535 = arith.constant 56 : i32
    %mul3A_536 = arith.muli %mul3A_2, %mul3A_535 : i32
    %dma_wait3A_537 = arith.constant 350 : i32
    %dma_wait3A_538 = arith.constant 0 : i32
    %dma_wait3A_539 = tpu.memref_slice %arg16[%dma_wait3A_537, %dma_wait3A_538] : memref<800x64xf32, #tpu.memory_space<vmem>> -> memref<50x64xf32, #tpu.memory_space<vmem>>
    %dma_wait3A_540 = arith.constant 0 : i32
    %dma_wait3A_541 = tpu.memref_slice %arg5[%mul3A_536, %dma_wait3A_540] : memref<917504x128xf32, #tpu.memory_space<hbm>> -> memref<50x64xf32, #tpu.memory_space<hbm>>
    %dma_wait3A_542 = arith.constant 0 : i32
    %dma_wait3A_543 = tpu.memref_slice %arg5[%mul3A_536, %dma_wait3A_542] : memref<917504x128xf32, #tpu.memory_space<hbm>> -> memref<50x64xf32, #tpu.memory_space<hbm>>
    %dma_wait3A_544 = arith.constant 350 : i32
    %dma_wait3A_545 = arith.constant 0 : i32
    %dma_wait3A_546 = tpu.memref_slice %arg16[%dma_wait3A_544, %dma_wait3A_545] : memref<800x64xf32, #tpu.memory_space<vmem>> -> memref<50x64xf32, #tpu.memory_space<vmem>>
    tpu.wait_dma2 semaphore(%arg20 : memref<!tpu.dma_semaphore, #tpu.memory_space<semaphore_mem>>) src(%dma_wait3A_546 : memref<50x64xf32, #tpu.memory_space<vmem>>) dst(%dma_wait3A_543 : memref<50x64xf32, #tpu.memory_space<hbm>>)
    %mul3A_547 = arith.constant 56 : i32
    %mul3A_548 = arith.muli %mul3A_2, %mul3A_547 : i32
    %dma_wait3A_549 = arith.constant 400 : i32
    %dma_wait3A_550 = arith.constant 0 : i32
    %dma_wait3A_551 = tpu.memref_slice %arg16[%dma_wait3A_549, %dma_wait3A_550] : memref<800x64xf32, #tpu.memory_space<vmem>> -> memref<50x64xf32, #tpu.memory_space<vmem>>
    %dma_wait3A_552 = arith.constant 0 : i32
    %dma_wait3A_553 = tpu.memref_slice %arg5[%mul3A_548, %dma_wait3A_552] : memref<917504x128xf32, #tpu.memory_space<hbm>> -> memref<50x64xf32, #tpu.memory_space<hbm>>
    %dma_wait3A_554 = arith.constant 0 : i32
    %dma_wait3A_555 = tpu.memref_slice %arg5[%mul3A_548, %dma_wait3A_554] : memref<917504x128xf32, #tpu.memory_space<hbm>> -> memref<50x64xf32, #tpu.memory_space<hbm>>
    %dma_wait3A_556 = arith.constant 400 : i32
    %dma_wait3A_557 = arith.constant 0 : i32
    %dma_wait3A_558 = tpu.memref_slice %arg16[%dma_wait3A_556, %dma_wait3A_557] : memref<800x64xf32, #tpu.memory_space<vmem>> -> memref<50x64xf32, #tpu.memory_space<vmem>>
    tpu.wait_dma2 semaphore(%arg20 : memref<!tpu.dma_semaphore, #tpu.memory_space<semaphore_mem>>) src(%dma_wait3A_558 : memref<50x64xf32, #tpu.memory_space<vmem>>) dst(%dma_wait3A_555 : memref<50x64xf32, #tpu.memory_space<hbm>>)
    %mul3A_559 = arith.constant 56 : i32
    %mul3A_560 = arith.muli %mul3A_2, %mul3A_559 : i32
    %dma_wait3A_561 = arith.constant 450 : i32
    %dma_wait3A_562 = arith.constant 0 : i32
    %dma_wait3A_563 = tpu.memref_slice %arg16[%dma_wait3A_561, %dma_wait3A_562] : memref<800x64xf32, #tpu.memory_space<vmem>> -> memref<50x64xf32, #tpu.memory_space<vmem>>
    %dma_wait3A_564 = arith.constant 0 : i32
    %dma_wait3A_565 = tpu.memref_slice %arg5[%mul3A_560, %dma_wait3A_564] : memref<917504x128xf32, #tpu.memory_space<hbm>> -> memref<50x64xf32, #tpu.memory_space<hbm>>
    %dma_wait3A_566 = arith.constant 0 : i32
    %dma_wait3A_567 = tpu.memref_slice %arg5[%mul3A_560, %dma_wait3A_566] : memref<917504x128xf32, #tpu.memory_space<hbm>> -> memref<50x64xf32, #tpu.memory_space<hbm>>
    %dma_wait3A_568 = arith.constant 450 : i32
    %dma_wait3A_569 = arith.constant 0 : i32
    %dma_wait3A_570 = tpu.memref_slice %arg16[%dma_wait3A_568, %dma_wait3A_569] : memref<800x64xf32, #tpu.memory_space<vmem>> -> memref<50x64xf32, #tpu.memory_space<vmem>>
    tpu.wait_dma2 semaphore(%arg20 : memref<!tpu.dma_semaphore, #tpu.memory_space<semaphore_mem>>) src(%dma_wait3A_570 : memref<50x64xf32, #tpu.memory_space<vmem>>) dst(%dma_wait3A_567 : memref<50x64xf32, #tpu.memory_space<hbm>>)
    %mul3A_571 = arith.constant 56 : i32
    %mul3A_572 = arith.muli %mul3A_2, %mul3A_571 : i32
    %dma_wait3A_573 = arith.constant 500 : i32
    %dma_wait3A_574 = arith.constant 0 : i32
    %dma_wait3A_575 = tpu.memref_slice %arg16[%dma_wait3A_573, %dma_wait3A_574] : memref<800x64xf32, #tpu.memory_space<vmem>> -> memref<50x64xf32, #tpu.memory_space<vmem>>
    %dma_wait3A_576 = arith.constant 0 : i32
    %dma_wait3A_577 = tpu.memref_slice %arg5[%mul3A_572, %dma_wait3A_576] : memref<917504x128xf32, #tpu.memory_space<hbm>> -> memref<50x64xf32, #tpu.memory_space<hbm>>
    %dma_wait3A_578 = arith.constant 0 : i32
    %dma_wait3A_579 = tpu.memref_slice %arg5[%mul3A_572, %dma_wait3A_578] : memref<917504x128xf32, #tpu.memory_space<hbm>> -> memref<50x64xf32, #tpu.memory_space<hbm>>
    %dma_wait3A_580 = arith.constant 500 : i32
    %dma_wait3A_581 = arith.constant 0 : i32
    %dma_wait3A_582 = tpu.memref_slice %arg16[%dma_wait3A_580, %dma_wait3A_581] : memref<800x64xf32, #tpu.memory_space<vmem>> -> memref<50x64xf32, #tpu.memory_space<vmem>>
    tpu.wait_dma2 semaphore(%arg20 : memref<!tpu.dma_semaphore, #tpu.memory_space<semaphore_mem>>) src(%dma_wait3A_582 : memref<50x64xf32, #tpu.memory_space<vmem>>) dst(%dma_wait3A_579 : memref<50x64xf32, #tpu.memory_space<hbm>>)
    %mul3A_583 = arith.constant 56 : i32
    %mul3A_584 = arith.muli %mul3A_2, %mul3A_583 : i32
    %dma_wait3A_585 = arith.constant 550 : i32
    %dma_wait3A_586 = arith.constant 0 : i32
    %dma_wait3A_587 = tpu.memref_slice %arg16[%dma_wait3A_585, %dma_wait3A_586] : memref<800x64xf32, #tpu.memory_space<vmem>> -> memref<50x64xf32, #tpu.memory_space<vmem>>
    %dma_wait3A_588 = arith.constant 0 : i32
    %dma_wait3A_589 = tpu.memref_slice %arg5[%mul3A_584, %dma_wait3A_588] : memref<917504x128xf32, #tpu.memory_space<hbm>> -> memref<50x64xf32, #tpu.memory_space<hbm>>
    %dma_wait3A_590 = arith.constant 0 : i32
    %dma_wait3A_591 = tpu.memref_slice %arg5[%mul3A_584, %dma_wait3A_590] : memref<917504x128xf32, #tpu.memory_space<hbm>> -> memref<50x64xf32, #tpu.memory_space<hbm>>
    %dma_wait3A_592 = arith.constant 550 : i32
    %dma_wait3A_593 = arith.constant 0 : i32
    %dma_wait3A_594 = tpu.memref_slice %arg16[%dma_wait3A_592, %dma_wait3A_593] : memref<800x64xf32, #tpu.memory_space<vmem>> -> memref<50x64xf32, #tpu.memory_space<vmem>>
    tpu.wait_dma2 semaphore(%arg20 : memref<!tpu.dma_semaphore, #tpu.memory_space<semaphore_mem>>) src(%dma_wait3A_594 : memref<50x64xf32, #tpu.memory_space<vmem>>) dst(%dma_wait3A_591 : memref<50x64xf32, #tpu.memory_space<hbm>>)
    %mul3A_595 = arith.constant 56 : i32
    %mul3A_596 = arith.muli %mul3A_2, %mul3A_595 : i32
    %dma_wait3A_597 = arith.constant 600 : i32
    %dma_wait3A_598 = arith.constant 0 : i32
    %dma_wait3A_599 = tpu.memref_slice %arg16[%dma_wait3A_597, %dma_wait3A_598] : memref<800x64xf32, #tpu.memory_space<vmem>> -> memref<50x64xf32, #tpu.memory_space<vmem>>
    %dma_wait3A_600 = arith.constant 0 : i32
    %dma_wait3A_601 = tpu.memref_slice %arg5[%mul3A_596, %dma_wait3A_600] : memref<917504x128xf32, #tpu.memory_space<hbm>> -> memref<50x64xf32, #tpu.memory_space<hbm>>
    %dma_wait3A_602 = arith.constant 0 : i32
    %dma_wait3A_603 = tpu.memref_slice %arg5[%mul3A_596, %dma_wait3A_602] : memref<917504x128xf32, #tpu.memory_space<hbm>> -> memref<50x64xf32, #tpu.memory_space<hbm>>
    %dma_wait3A_604 = arith.constant 600 : i32
    %dma_wait3A_605 = arith.constant 0 : i32
    %dma_wait3A_606 = tpu.memref_slice %arg16[%dma_wait3A_604, %dma_wait3A_605] : memref<800x64xf32, #tpu.memory_space<vmem>> -> memref<50x64xf32, #tpu.memory_space<vmem>>
    tpu.wait_dma2 semaphore(%arg20 : memref<!tpu.dma_semaphore, #tpu.memory_space<semaphore_mem>>) src(%dma_wait3A_606 : memref<50x64xf32, #tpu.memory_space<vmem>>) dst(%dma_wait3A_603 : memref<50x64xf32, #tpu.memory_space<hbm>>)
    %mul3A_607 = arith.constant 56 : i32
    %mul3A_608 = arith.muli %mul3A_2, %mul3A_607 : i32
    %dma_wait3A_609 = arith.constant 650 : i32
    %dma_wait3A_610 = arith.constant 0 : i32
    %dma_wait3A_611 = tpu.memref_slice %arg16[%dma_wait3A_609, %dma_wait3A_610] : memref<800x64xf32, #tpu.memory_space<vmem>> -> memref<50x64xf32, #tpu.memory_space<vmem>>
    %dma_wait3A_612 = arith.constant 0 : i32
    %dma_wait3A_613 = tpu.memref_slice %arg5[%mul3A_608, %dma_wait3A_612] : memref<917504x128xf32, #tpu.memory_space<hbm>> -> memref<50x64xf32, #tpu.memory_space<hbm>>
    %dma_wait3A_614 = arith.constant 0 : i32
    %dma_wait3A_615 = tpu.memref_slice %arg5[%mul3A_608, %dma_wait3A_614] : memref<917504x128xf32, #tpu.memory_space<hbm>> -> memref<50x64xf32, #tpu.memory_space<hbm>>
    %dma_wait3A_616 = arith.constant 650 : i32
    %dma_wait3A_617 = arith.constant 0 : i32
    %dma_wait3A_618 = tpu.memref_slice %arg16[%dma_wait3A_616, %dma_wait3A_617] : memref<800x64xf32, #tpu.memory_space<vmem>> -> memref<50x64xf32, #tpu.memory_space<vmem>>
    tpu.wait_dma2 semaphore(%arg20 : memref<!tpu.dma_semaphore, #tpu.memory_space<semaphore_mem>>) src(%dma_wait3A_618 : memref<50x64xf32, #tpu.memory_space<vmem>>) dst(%dma_wait3A_615 : memref<50x64xf32, #tpu.memory_space<hbm>>)
    %mul3A_619 = arith.constant 56 : i32
    %mul3A_620 = arith.muli %mul3A_2, %mul3A_619 : i32
    %dma_wait3A_621 = arith.constant 700 : i32
    %dma_wait3A_622 = arith.constant 0 : i32
    %dma_wait3A_623 = tpu.memref_slice %arg16[%dma_wait3A_621, %dma_wait3A_622] : memref<800x64xf32, #tpu.memory_space<vmem>> -> memref<50x64xf32, #tpu.memory_space<vmem>>
    %dma_wait3A_624 = arith.constant 0 : i32
    %dma_wait3A_625 = tpu.memref_slice %arg5[%mul3A_620, %dma_wait3A_624] : memref<917504x128xf32, #tpu.memory_space<hbm>> -> memref<50x64xf32, #tpu.memory_space<hbm>>
    %dma_wait3A_626 = arith.constant 0 : i32
    %dma_wait3A_627 = tpu.memref_slice %arg5[%mul3A_620, %dma_wait3A_626] : memref<917504x128xf32, #tpu.memory_space<hbm>> -> memref<50x64xf32, #tpu.memory_space<hbm>>
    %dma_wait3A_628 = arith.constant 700 : i32
    %dma_wait3A_629 = arith.constant 0 : i32
    %dma_wait3A_630 = tpu.memref_slice %arg16[%dma_wait3A_628, %dma_wait3A_629] : memref<800x64xf32, #tpu.memory_space<vmem>> -> memref<50x64xf32, #tpu.memory_space<vmem>>
    tpu.wait_dma2 semaphore(%arg20 : memref<!tpu.dma_semaphore, #tpu.memory_space<semaphore_mem>>) src(%dma_wait3A_630 : memref<50x64xf32, #tpu.memory_space<vmem>>) dst(%dma_wait3A_627 : memref<50x64xf32, #tpu.memory_space<hbm>>)
    %mul3A_631 = arith.constant 56 : i32
    %mul3A_632 = arith.muli %mul3A_2, %mul3A_631 : i32
    %dma_wait3A_633 = arith.constant 750 : i32
    %dma_wait3A_634 = arith.constant 0 : i32
    %dma_wait3A_635 = tpu.memref_slice %arg16[%dma_wait3A_633, %dma_wait3A_634] : memref<800x64xf32, #tpu.memory_space<vmem>> -> memref<50x64xf32, #tpu.memory_space<vmem>>
    %dma_wait3A_636 = arith.constant 0 : i32
    %dma_wait3A_637 = tpu.memref_slice %arg5[%mul3A_632, %dma_wait3A_636] : memref<917504x128xf32, #tpu.memory_space<hbm>> -> memref<50x64xf32, #tpu.memory_space<hbm>>
    %dma_wait3A_638 = arith.constant 0 : i32
    %dma_wait3A_639 = tpu.memref_slice %arg5[%mul3A_632, %dma_wait3A_638] : memref<917504x128xf32, #tpu.memory_space<hbm>> -> memref<50x64xf32, #tpu.memory_space<hbm>>
    %dma_wait3A_640 = arith.constant 750 : i32
    %dma_wait3A_641 = arith.constant 0 : i32
    %dma_wait3A_642 = tpu.memref_slice %arg16[%dma_wait3A_640, %dma_wait3A_641] : memref<800x64xf32, #tpu.memory_space<vmem>> -> memref<50x64xf32, #tpu.memory_space<vmem>>
    tpu.wait_dma2 semaphore(%arg20 : memref<!tpu.dma_semaphore, #tpu.memory_space<semaphore_mem>>) src(%dma_wait3A_642 : memref<50x64xf32, #tpu.memory_space<vmem>>) dst(%dma_wait3A_639 : memref<50x64xf32, #tpu.memory_space<hbm>>)
    return
  }
}

</mosaic_0001>

<sc_bundles>
// kernel: kernel.3.cloned.1.call-start
scs
__scs_entry_jumppad:
0x0: {  	(pc) =	sbr.rel $0x88, $3  }
0x1: {  	(tag) =	ssettag $0x0;
	lr =	simm.s32 $0x1  }
0x2: {  	[smem:$0x3F9E] =	sst lr;
	_ =	strace $0xD0000000  }
0x3: {  	_ = 	snop  }
0x4: {  	_ = 	snop  }
0x5: {  	_ = 	snop  }
0x6: {  	_ = 	snop  }
0x7: {  	_ = 	snop  }
__scs_overlays_trampoline_lowered:
0x8: {  	[smem:$0x3FAD] =	sst s0  }
0x9: {  	[smem:$0x3FAE] =	sst s1  }
0xa: {  	[smem:$0x3FAF] =	sst s2  }
0xb: {  	[smem:$0x3FB0] =	sst s3  }
0xc: {  	[smem:$0x3FB1] =	sst s4  }
0xd: {  	[smem:$0x3FB2] =	sst s5  }
0xe: {  	[smem:$0x3FB3] =	sst s6  }
0xf: {  	[smem:$0x3FB4] =	sst s7  }
0x10: {  	[smem:$0x3FB5] =	sst s8  }
0x11: {  	[smem:$0x3FB6] =	sst s9;
	s0 =	simm.s32 @!p0 $0x0  }
0x12: {  	s1 =	sld [smem:$0x3F9C];
	s0 =	simm.s32 @p0 $0x1  }
0x13: {  	[smem:$0x3FB7] =	sst s0;
	s0 =	simm.s32 @!p1 $0x0  }
0x14: {  	s2 =	sld [smem:$0x3F9B];
	s0 =	simm.s32 @p1 $0x1  }
0x15: {  	[smem:$0x3FB8] =	sst s0;
	s0 =	simm.s32 @!p2 $0x0  }
0x16: {  	s3 =	sld [smem:$0x3FDB];
	s0 =	simm.s32 @p2 $0x1  }
0x17: {  	s4 =	simm.s32 $0x1BF5;
	[smem:$0x3FBA] =	sst s0  }
0x18: {  	s0 =	sld [smem:$0x3F9D];
	_ =	swait.ge [sflag:s4], $0x0  }
0x19: {  	s7 =	sld [smem:$0x3F9E]  }
0x1a: {  	s8 =	sadd.s32 $0xFFFFE003, lr  }
0x1b: {  	s9 =	sadd.s32 $0xFFFFFEF7, lr;
	s5 =	simm.s32 $0xFFFFFFFF;
	p2 =	slt.u32 s8, $0xFFFFF086  }
0x1c: {  	p1 =	slt.u32 s9, $0xF7A;
	s5 =	simm.s32 @!p2 $0x0  }
0x1d: {  	s5 =	simm.s32 @p1 $0x1;
	p0 =	seq.s32 s7, s2  }
0x1e: {  	s7 =	smul.u32 @!p0 $0xF7A, s2;
	p2 =	seq.s32 @!p0 s5, $0x0  }
0x1f: {  	s9 =	smul.u32 $0xF7A, s1;
	s8 =	simm.s32 @!p0 $0x1BF5;
	p2 =	por !p2, p0  }
0x20: {  	[sflag:s8] =	ssyncset.s32 @!p0 $0xFFFFF086;
	s6 =	sadd.s32 @!p0 s3, s7;
	s7 =	simm.s32 @!p0 $0x108  }
0x21: {  	s3 =	sadd.s32 s3, s9;
	s6 =	sadd.s32 @!p0 $0x88, s6;
	s7 =	simm.s32 @p2 $0x1082  }
0x22: {  	[simem:s7], [sflag:s8] =	dma.local @!p0 [hbm:s6], $0xF7A  }
0x23: {  	s9 =	sor.u32 $0xD0000000, s2;
	s6 =	simm.s32 $0x108;
	_ =	swait.ge @!p0 [sflag:s8], $0x0  }
0x24: {  	s3 =	sadd.s32 $0x88, s3;
	s6 =	simm.s32 @!p1 $0x1082;
	[sflag:s4] =	ssyncset.s32 $0xFFFFF086  }
0x25: {  	[simem:s6], [sflag:s4] =	dma.local [hbm:s3], $0xF7A  }
0x26: {  	[smem:$0x3F9E] =	sst s1;
	(tag) =	ssettag s2;
	_ =	strace s9  }
0x27: {  	s1 =	sld [smem:$0x3FAE]  }
0x28: {  	s2 =	sld [smem:$0x3FAF]  }
0x29: {  	s4 =	sld [smem:$0x3FB1]  }
0x2a: {  	p0 =	seq.s32 s5, $0x0;
	s5 =	sld [smem:$0x3FB2]  }
0x2b: {  	s6 =	sld [smem:$0x3FB3]  }
0x2c: {  	s7 =	sld [smem:$0x3FB4]  }
0x2d: {  	s3 =	simm.s32 $0x108;
	s8 =	sld [smem:$0x3FB5]  }
0x2e: {  	s3 =	simm.s32 @!p0 $0x1082;
	s9 =	sld [smem:$0x3FB6]  }
0x2f: {  	lr =	sadd.s32 s0, s3;
	s0 =	sld [smem:$0x3FAD]  }
0x30: {  	s3 =	sld [smem:$0x3FB0]  }
0x31: {  	[smem:$0x3FB9] =	sst s10  }
0x32: {  	s10 =	sld [smem:$0x3FB7];
	_ =	sdelay $0x3  }
0x33: {  	p0 =	seq.s32 s10, $0x1;
	s10 =	sld [smem:$0x3FB9];
	_ =	sdelay $0x3  }
0x34: {  	[smem:$0x3FB9] =	sst s10  }
0x35: {  	s10 =	sld [smem:$0x3FB8];
	_ =	sdelay $0x3  }
0x36: {  	p1 =	seq.s32 s10, $0x1;
	s10 =	sld [smem:$0x3FB9];
	_ =	sdelay $0x3  }
0x37: {  	[smem:$0x3FB9] =	sst s10  }
0x38: {  	s10 =	sld [smem:$0x3FBA]  }
0x39: {  	_ = 	snop;
	(pc) =	sbr.ind lr, $3  }
0x3a: {  	_ = 	snop  }
0x3b: {  	_ = 	snop  }
0x3c: {  	p2 =	seq.s32 s10, $0x1;
	s10 =	sld [smem:$0x3FB9]  }
0x3d: {  	_ =	shalt  }
0x3e: {  	_ =	shalt  }
0x3f: {  	_ =	shalt  }
0x40: {  	_ =	shalt  }
0x41: {  	_ =	shalt  }
0x42: {  	_ =	shalt  }
0x43: {  	_ =	shalt  }
0x44: {  	_ =	shalt  }
0x45: {  	_ =	shalt  }
0x46: {  	_ =	shalt  }
0x47: {  	_ =	shalt  }
0x48: {  	_ =	shalt  }
0x49: {  	_ =	shalt  }
0x4a: {  	_ =	shalt  }
0x4b: {  	_ =	shalt  }
0x4c: {  	_ =	shalt  }
0x4d: {  	_ =	shalt  }
0x4e: {  	_ =	shalt  }
0x4f: {  	_ =	shalt  }
0x50: {  	_ =	shalt  }
0x51: {  	_ =	shalt  }
0x52: {  	_ =	shalt  }
0x53: {  	_ =	shalt  }
0x54: {  	_ =	shalt  }
0x55: {  	_ =	shalt  }
0x56: {  	_ =	shalt  }
0x57: {  	_ =	shalt  }
0x58: {  	_ =	shalt  }
0x59: {  	_ =	shalt  }
0x5a: {  	_ =	shalt  }
0x5b: {  	_ =	shalt  }
0x5c: {  	_ =	shalt  }
0x5d: {  	_ =	shalt  }
0x5e: {  	_ =	shalt  }
0x5f: {  	_ =	shalt  }
0x60: {  	_ =	shalt  }
0x61: {  	_ =	shalt  }
0x62: {  	_ =	shalt  }
0x63: {  	_ =	shalt  }
0x64: {  	_ =	shalt  }
0x65: {  	_ =	shalt  }
0x66: {  	_ =	shalt  }
0x67: {  	_ =	shalt  }
0x68: {  	_ =	shalt  }
0x69: {  	_ =	shalt  }
0x6a: {  	_ =	shalt  }
0x6b: {  	_ =	shalt  }
0x6c: {  	_ =	shalt  }
0x6d: {  	_ =	shalt  }
0x6e: {  	_ =	shalt  }
0x6f: {  	_ =	shalt  }
0x70: {  	_ =	shalt  }
0x71: {  	_ =	shalt  }
0x72: {  	_ =	shalt  }
0x73: {  	_ =	shalt  }
0x74: {  	_ =	shalt  }
0x75: {  	_ =	shalt  }
0x76: {  	_ =	shalt  }
0x77: {  	_ =	shalt  }
0x78: {  	_ =	shalt  }
0x79: {  	_ =	shalt  }
0x7a: {  	_ =	shalt  }
0x7b: {  	_ =	shalt  }
0x7c: {  	_ =	shalt  }
0x7d: {  	_ =	shalt  }
0x7e: {  	_ =	shalt  }
0x7f: {  	_ =	shalt  }
0x80: {  	_ =	shalt  }
0x81: {  	_ =	shalt  }
0x82: {  	_ =	shalt  }
0x83: {  	_ =	shalt  }
0x84: {  	_ =	shalt  }
0x85: {  	_ =	shalt  }
0x86: {  	_ =	shalt  }
0x87: {  	_ =	shalt  }
.Lfunc_end0:
.L_simem_size_0:
called_computation.1_lowered:
.L_overlay_start_0:
0x88: {  	s2 =	sld [smem:$0x3FD9]  }
0x89: {  	s3 =	sld [smem:$0x3FFE];
	_ =	sdelay $0x1  }
0x8a: {  	s1 =	srdreg.scid  }
0x8b: {  	s0 =	sand.u32 $0x1, s1  }
0x8c: {  	s16 =	sshll.u32 s0, $0xA;
	s2 =	sadd.s32 s3, s2  }
0x8d: {  	s2 =	sadd.s32 s2, s16  }
0x8e: {  	[smem:$0x3FC5] =	sst s2  }
0x8f: {  	_ = 	snop  }
0x90: {  	(tm) =	ssettm $0x1  }
0x91: {  	s17 =	sld [smem:$0x3FFB];
	_ =	sdelay $0x3  }
0x92: {  	_ =	strace s17  }
0x93: {  	s2 =	sld [smem:$0x3FFC];
	_ =	sdelay $0x3  }
0x94: {  	_ =	strace s2  }
0x95: {  	s2 =	sld [smem:$0x3FFD];
	_ =	sdelay $0x3  }
0x96: {  	_ =	strace s2  }
0x97: {  	_ =	strace $0x8FFFFFFF  }
0x98: {  	s18 =	sld [smem:$0x3FDB];
	_ =	sdelay $0x1  }
0x99: {  	s19 =	simm.s32 $_scs_section_size  }
0x9a: {  	s4 =	simm.s32 $_size__tile_overlayer_lowered;
	s5 =	simm.s32 $_tile_overlayer_lowered  }
0x9b: {  	s22 =	simm.s32 $0x1BFF;
	s21 =	sshll.u32 s5, $0x1;
	s2 =	sadd.s32 s19, s18  }
0x9c: {  	s6 =	simm.s32 $0x0;
	s20 =	sshll.u32 s4, $0x1;
	s4 =	sadd.s32 s21, s2  }
0x9d: {  	[timem:s6], [sflag:s22] =	dma.local [hbm:s4], s20  }
0x9e: {  	_ =	swait.ge [sflag:s22], s20  }
0x9f: {  	s3 =	ssub.s32 $0x0, s20;
	[sflag:s22] =	ssyncset.done $0x0  }
0xa0: {  	[sflag:s22] =	ssyncadd.s32 s3;
	_ =	sdelay $0x1  }
0xa1: {  	s23 =	simm.s32 $0x1B8B  }
0xa2: {  	_ =	swait.ge [sflag:s23], $0x1  }
0xa3: {  	[sflag:s23] =	ssyncset.done $0x0  }
0xa4: {  	s25 =	simm.s32 $0x1B8E;
	s24 =	sld [smem:$0x3FFE];
	[sflag:s23] =	ssyncadd.s32 $0xFFFFFFFF  }
0xa5: {  	s26 =	simm.s32 $execute0_lowered;
	[smem:$0x3FD2] =	sst s25  }
0xa6: {  	s4 =	sshll.u32 s26, $0x1;
	_ =	strace $0x80000046;
	[dreg:$0x1] =	wrdreg $0xFFFFFFFF  }
0xa7: {  	s28 =	simm.s32 $_size_execute0_lowered;
	s2 =	sadd.s32 s2, s4;
	[dreg:$0x0] =	wrdreg $0x0  }
0xa8: {  	s4 =	sshll.u32 s28, $0x1;
	[dreg:$0x2] =	wrdreg s2  }
0xa9: {  	[dreg:$0x3] =	wrdreg s4  }
0xaa: {  	[dreg:$0x4] =	wrdreg $0xC0  }
0xab: {  	_ =	task [dreg:s6], $0x5FFFF  }
0xac: {  	[dreg:$0x1] =	wrdreg $0xFFFFFFFF  }
0xad: {  	[dreg:$0x0] =	wrdreg $0x60  }
0xae: {  	[dreg:$0x2] =	wrdreg s24  }
0xaf: {  	[dreg:$0x3] =	wrdreg $0x9  }
0xb0: {  	_ =	task.clear_ibuf [dreg:s6], $0x4FFFF;
	_ =	strace $0x90000046  }
0xb1: {  	s29 =	simm.s32 $0x9;
	_ =	strace $0x80000048  }
0xb2: {  	_ =	swait.ge [sflag:s29], $0x1  }
0xb3: {  	[sflag:s29] =	ssyncadd.s32 $0xFFFFFFFF  }
0xb4: {  	_ =	strace $0x90000048  }
0xb5: {  	_ =	sfence  }
0xb6: {  	s30 =	sld [smem:$0x0];
	_ =	sdelay $0x2  }
0xb7: {  	s31 =	sshll.u32 s1, $0xD;
	s1 =	sshrl.u32 s1, $0x2  }
0xb8: {  	s3 =	sand.u32 $0x4000, s31;
	s1 =	sadd.s32 s1, s30  }
0xb9: {  	s0 =	sor.u32 s3, s0;
	s1 =	sshll.u32 s1, $0x11  }
0xba: {  	s0 =	sor.u32 s1, s0  }
0xbb: {  	s0 =	sadd.s32 $0x8F2B, s0  }
0xbc: {  	[sflag:s0] =	ssyncadd.remote.s32 $0x1  }
0xbd: {  	_ =	sfence.sel $0xFFFF  }
0xbe: {  	[dreg:$0x0] =	wrdreg $0xFFFFFFFF;
	(pc) =	sbr.abs _section_cstart, $3  }
0xbf: {  	[dreg:$0x1] =	wrdreg $0xFFFFFFFF  }
0xc0: {  	_ =	task.clear_ibuf [dreg:s6], $0x2FFFF;
	_ =	strace $0x9FFFFFFF  }
0xc1: {  	(tm) =	ssettm $0x7FFFFFFF  }
tec
execute0_lowered:
.L_overlay_start_1:
0x0: {  	(tag) =	ssettag $0x1  }
0x1: {  	s0 =	rddreg [dreg:$0x0];
	s1 =	srdreg.scid  }
0x2: {  	s2 =	simm.s32 $0x0;
	s3 =	stileid.u32;
	s1 =	sand.u32 $0x1, s1  }
0x3: {  	[smem:$0x7FF] =	sst s2;
	s3 =	sshll.u32 s3, $0xA;
	s4 =	sshll.u32 s1, $0x9  }
0x4: {  	s6 =	sadd.s32 $0x800, s0;
	s1 =	ssub.s32 $0x2, s1;
	s3 =	sor.u32 s4, s3  }
0x5: {  	s7 =	sadd.s32 $0xE0200, s0;
	s8 =	sshrl.u32 s1, $0x1;
	s5 =	smul.u32 $0x7, s3  }
0x6: {  	_ =	strace $0x80000047;
	s10 =	smul.u32 $0x1C00, s3;
	s1 =	ssub.s32 s1, s8  }
0x7: {  	[dreg:$0x2] =	wrdreg s6;
	s6 =	sadd.s32 $0xC00, s0;
	s29 =	smax.u32 s1, $0x1  }
0x8: {  	s8 =	sadd.s32 s6, s5;
	s30 =	sshrl.u32 s10, $0x3;
	[dreg:$0x14] =	wrdreg s29  }
0x9: {  	s5 =	sadd.s32 s7, s30;
	[dreg:$0x3] =	wrdreg s8;
	s30 =	sadd.s32 $0x70, s8  }
0xa: {  	s31 =	sadd.s32 $0x6C800, s5;
	[dreg:$0x15] =	wrdreg s30  }
0xb: {  	s13 =	sadd.s32 $0x6CB80, s5;
	[dreg:$0x4] =	wrdreg s31  }
0xc: {  	s14 =	sadd.s32 $0x6CF00, s5;
	[dreg:$0x5] =	wrdreg s13  }
0xd: {  	s15 =	sadd.s32 $0x6D280, s5;
	[dreg:$0x6] =	wrdreg s14  }
0xe: {  	s16 =	sadd.s32 $0x6D600, s5;
	[dreg:$0x7] =	wrdreg s15  }
0xf: {  	s17 =	sadd.s32 $0x6D980, s5;
	[dreg:$0x8] =	wrdreg s16  }
0x10: {  	s18 =	sadd.s32 $0x6DD00, s5;
	[dreg:$0x9] =	wrdreg s17  }
0x11: {  	s19 =	sadd.s32 $0x6E080, s5;
	[dreg:$0xa] =	wrdreg s18  }
0x12: {  	s20 =	sadd.s32 $0x6E400, s5;
	[dreg:$0xb] =	wrdreg s19  }
0x13: {  	s9 =	sadd.s32 $0xE0580, s0;
	s21 =	sadd.s32 $0x6E780, s5;
	[dreg:$0xc] =	wrdreg s20  }
0x14: {  	s11 =	sadd.s32 $0xE0C80, s0;
	s22 =	sadd.s32 $0x6EB00, s5;
	[dreg:$0xd] =	wrdreg s21  }
0x15: {  	s12 =	sadd.s32 $0xE1000, s0;
	s23 =	sadd.s32 $0x6EE80, s5;
	[dreg:$0xe] =	wrdreg s22  }
0x16: {  	s4 =	sadd.s32 $0x1CC00, s0;
	s24 =	sadd.s32 $0x6F200, s5;
	[dreg:$0xf] =	wrdreg s23  }
0x17: {  	s1 =	simm.s32 $0x4;
	s25 =	sadd.s32 $0x6F580, s5;
	[dreg:$0x10] =	wrdreg s24  }
0x18: {  	s10 =	sadd.s32 $0xE0900, s0;
	s26 =	sadd.s32 $0x6F900, s5;
	[dreg:$0x11] =	wrdreg s25  }
0x19: {  	s0 =	sor.u32 $0x20, s3;
	s28 =	sadd.s32 $0x6FC80, s5;
	[dreg:$0x12] =	wrdreg s26  }
0x1a: {  	s8 =	simm.s32 $0x2;
	s5 =	sor.u32 $0x30, s3;
	[dreg:$0x13] =	wrdreg s28  }
.Ltmp0:
0x1b: {  	s31 =	sadd.s32 $0xFFFFFFF0, s3;
	s14 =	simm.s32 $0x2000;
	(pc) =	sbr.rel .LBB2_1-.Ltmp0, $4  }
0x1c: {  	s15 =	simm.s32 $0x2380;
	s16 =	simm.s32 $0x5;
	s17 =	simm.s32 $0x320  }
0x1d: {  	s19 =	simm.s32 $0x39C0;
	s20 =	simm.s32 $0x6;
	s22 =	simm.s32 $0x101C0  }
0x1e: {  	v0 =	vlaneseq.u32;
	s23 =	simm.s32 $0x1;
	s24 =	simm.s32 $0x40;
	s25 =	simm.s32 $0x80  }
0x1f: {  	v1 =	vimm.s32 $0x0;
	v2 =	vmul.u32 $0x40, v0;
	s13 =	simm.s32 $0x3;
	s21 =	simm.s32 $0x0;
	[dreg:$0x16] =	wrdreg s31  }
.LBB2_32:
0x20: {  	s18 =	rddreg [dreg:$0x4]  }
0x21: {  	[hbm4b:s18+s24] =	stream.strided.scatter [tilespmem:s22], [sflag:$0x4], $0xC80, s25, s24, $0x38;
	[tilespmem:$0x1C9C0] =	vst v63  }
0x22: {  	s31 =	rddreg [dreg:$0x5];
	s21 =	simm.s32 $0x10E40  }
0x23: {  	[hbm4b:s31+s24] =	stream.strided.scatter [tilespmem:s21], [sflag:$0x4], $0xC80, s25, s24, $0x38;
	[tilespmem:$0x1C9C0] =	vst v63  }
0x24: {  	s26 =	simm.s32 $0x11AC0;
	s21 =	rddreg [dreg:$0x6]  }
0x25: {  	[hbm4b:s21+s24] =	stream.strided.scatter [tilespmem:s26], [sflag:$0x4], $0xC80, s25, s24, $0x38;
	[tilespmem:$0x1C9C0] =	vst v63  }
0x26: {  	s28 =	rddreg [dreg:$0x7];
	s29 =	simm.s32 $0x12740  }
0x27: {  	[hbm4b:s28+s24] =	stream.strided.scatter [tilespmem:s29], [sflag:$0x4], $0xC80, s25, s24, $0x38;
	[tilespmem:$0x1C9C0] =	vst v63  }
0x28: {  	s30 =	rddreg [dreg:$0x8];
	s31 =	simm.s32 $0x133C0  }
0x29: {  	[hbm4b:s30+s24] =	stream.strided.scatter [tilespmem:s31], [sflag:$0x4], $0xC80, s25, s24, $0x38;
	[tilespmem:$0x1C9C0] =	vst v63  }
0x2a: {  	s21 =	rddreg [dreg:$0x9];
	s26 =	simm.s32 $0x14040  }
0x2b: {  	[hbm4b:s21+s24] =	stream.strided.scatter [tilespmem:s26], [sflag:$0x4], $0xC80, s25, s24, $0x38;
	[tilespmem:$0x1C9C0] =	vst v63  }
0x2c: {  	s28 =	rddreg [dreg:$0xa];
	s29 =	simm.s32 $0x14CC0  }
0x2d: {  	[hbm4b:s28+s24] =	stream.strided.scatter [tilespmem:s29], [sflag:$0x4], $0xC80, s25, s24, $0x38;
	[tilespmem:$0x1C9C0] =	vst v63  }
0x2e: {  	s30 =	rddreg [dreg:$0xb];
	s31 =	simm.s32 $0x15940  }
0x2f: {  	[hbm4b:s30+s24] =	stream.strided.scatter [tilespmem:s31], [sflag:$0x4], $0xC80, s25, s24, $0x38;
	[tilespmem:$0x1C9C0] =	vst v63  }
0x30: {  	s21 =	rddreg [dreg:$0xc];
	s26 =	simm.s32 $0x165C0  }
0x31: {  	[hbm4b:s21+s24] =	stream.strided.scatter [tilespmem:s26], [sflag:$0x4], $0xC80, s25, s24, $0x38;
	[tilespmem:$0x1C9C0] =	vst v63  }
0x32: {  	s28 =	rddreg [dreg:$0xd];
	s29 =	simm.s32 $0x17240  }
0x33: {  	[hbm4b:s28+s24] =	stream.strided.scatter [tilespmem:s29], [sflag:$0x4], $0xC80, s25, s24, $0x38;
	[tilespmem:$0x1C9C0] =	vst v63  }
0x34: {  	s30 =	rddreg [dreg:$0xe];
	s31 =	simm.s32 $0x17EC0  }
0x35: {  	[hbm4b:s30+s24] =	stream.strided.scatter [tilespmem:s31], [sflag:$0x4], $0xC80, s25, s24, $0x38;
	[tilespmem:$0x1C9C0] =	vst v63  }
0x36: {  	s21 =	rddreg [dreg:$0xf];
	s26 =	simm.s32 $0x18B40  }
0x37: {  	[hbm4b:s21+s24] =	stream.strided.scatter [tilespmem:s26], [sflag:$0x4], $0xC80, s25, s24, $0x38;
	[tilespmem:$0x1C9C0] =	vst v63  }
0x38: {  	s28 =	rddreg [dreg:$0x10];
	s29 =	simm.s32 $0x197C0  }
0x39: {  	[hbm4b:s28+s24] =	stream.strided.scatter [tilespmem:s29], [sflag:$0x4], $0xC80, s25, s24, $0x38;
	[tilespmem:$0x1C9C0] =	vst v63  }
0x3a: {  	s30 =	rddreg [dreg:$0x11];
	s31 =	simm.s32 $0x1A440  }
0x3b: {  	[hbm4b:s30+s24] =	stream.strided.scatter [tilespmem:s31], [sflag:$0x4], $0xC80, s25, s24, $0x38;
	[tilespmem:$0x1C9C0] =	vst v63  }
0x3c: {  	s21 =	rddreg [dreg:$0x12];
	s26 =	simm.s32 $0x1B0C0  }
0x3d: {  	[hbm4b:s21+s24] =	stream.strided.scatter [tilespmem:s26], [sflag:$0x4], $0xC80, s25, s24, $0x38;
	[tilespmem:$0x1C9C0] =	vst v63  }
0x3e: {  	s28 =	rddreg [dreg:$0x13];
	s29 =	simm.s32 $0x1BD40  }
0x3f: {  	[hbm4b:s28+s24] =	stream.strided.scatter [tilespmem:s29], [sflag:$0x4], $0xC80, s25, s24, $0x38;
	[tilespmem:$0x1C9C0] =	vst v63  }
0x40: {  	_ =	swait.ge [sflag:s13], $0xC80  }
0x41: {  	[sflag:s13] =	ssyncset.done $0x0  }
0x42: {  	[sflag:s13] =	ssyncadd.s32 $0xFFFFF380  }
0x43: {  	_ =	swait.ge [sflag:s13], $0xC80  }
0x44: {  	[sflag:s13] =	ssyncset.done $0x0  }
0x45: {  	[sflag:s13] =	ssyncadd.s32 $0xFFFFF380  }
0x46: {  	_ =	swait.ge [sflag:s13], $0xC80  }
0x47: {  	[sflag:s13] =	ssyncset.done $0x0  }
0x48: {  	[sflag:s13] =	ssyncadd.s32 $0xFFFFF380  }
0x49: {  	_ =	swait.ge [sflag:s13], $0xC80  }
0x4a: {  	[sflag:s13] =	ssyncset.done $0x0  }
0x4b: {  	[sflag:s13] =	ssyncadd.s32 $0xFFFFF380  }
0x4c: {  	_ =	swait.ge [sflag:s13], $0xC80  }
0x4d: {  	[sflag:s13] =	ssyncset.done $0x0  }
0x4e: {  	[sflag:s13] =	ssyncadd.s32 $0xFFFFF380  }
0x4f: {  	_ =	swait.ge [sflag:s13], $0xC80  }
0x50: {  	[sflag:s13] =	ssyncset.done $0x0  }
0x51: {  	[sflag:s13] =	ssyncadd.s32 $0xFFFFF380  }
0x52: {  	_ =	swait.ge [sflag:s13], $0xC80  }
0x53: {  	[sflag:s13] =	ssyncset.done $0x0  }
0x54: {  	[sflag:s13] =	ssyncadd.s32 $0xFFFFF380  }
0x55: {  	_ =	swait.ge [sflag:s13], $0xC80  }
0x56: {  	[sflag:s13] =	ssyncset.done $0x0  }
0x57: {  	[sflag:s13] =	ssyncadd.s32 $0xFFFFF380  }
0x58: {  	_ =	swait.ge [sflag:s13], $0xC80  }
0x59: {  	[sflag:s13] =	ssyncset.done $0x0  }
0x5a: {  	[sflag:s13] =	ssyncadd.s32 $0xFFFFF380  }
0x5b: {  	_ =	swait.ge [sflag:s13], $0xC80  }
0x5c: {  	[sflag:s13] =	ssyncset.done $0x0  }
0x5d: {  	[sflag:s13] =	ssyncadd.s32 $0xFFFFF380  }
0x5e: {  	_ =	swait.ge [sflag:s13], $0xC80  }
0x5f: {  	[sflag:s13] =	ssyncset.done $0x0  }
0x60: {  	[sflag:s13] =	ssyncadd.s32 $0xFFFFF380  }
0x61: {  	_ =	swait.ge [sflag:s13], $0xC80  }
0x62: {  	[sflag:s13] =	ssyncset.done $0x0  }
0x63: {  	[sflag:s13] =	ssyncadd.s32 $0xFFFFF380  }
0x64: {  	_ =	swait.ge [sflag:s13], $0xC80  }
0x65: {  	[sflag:s13] =	ssyncset.done $0x0  }
0x66: {  	[sflag:s13] =	ssyncadd.s32 $0xFFFFF380  }
0x67: {  	_ =	swait.ge [sflag:s13], $0xC80  }
0x68: {  	[sflag:s13] =	ssyncset.done $0x0  }
0x69: {  	[sflag:s13] =	ssyncadd.s32 $0xFFFFF380  }
0x6a: {  	_ =	swait.ge [sflag:s13], $0xC80  }
0x6b: {  	[sflag:s13] =	ssyncset.done $0x0  }
0x6c: {  	[sflag:s13] =	ssyncadd.s32 $0xFFFFF380  }
0x6d: {  	_ =	swait.ge [sflag:s13], $0xC80  }
0x6e: {  	[sflag:s13] =	ssyncset.done $0x0  }
0x6f: {  	[sflag:s13] =	ssyncadd.s32 $0xFFFFF380  }
0x70: {  	_ =	swait.ge [sflag:s1], $0xC80  }
0x71: {  	[sflag:s1] =	ssyncset.done $0x0  }
0x72: {  	[sflag:s1] =	ssyncadd.s32 $0xFFFFF380  }
0x73: {  	_ =	swait.ge [sflag:s1], $0xC80  }
0x74: {  	[sflag:s1] =	ssyncset.done $0x0  }
0x75: {  	[sflag:s1] =	ssyncadd.s32 $0xFFFFF380  }
0x76: {  	_ =	swait.ge [sflag:s1], $0xC80  }
0x77: {  	[sflag:s1] =	ssyncset.done $0x0  }
0x78: {  	[sflag:s1] =	ssyncadd.s32 $0xFFFFF380  }
0x79: {  	_ =	swait.ge [sflag:s1], $0xC80  }
0x7a: {  	[sflag:s1] =	ssyncset.done $0x0  }
0x7b: {  	[sflag:s1] =	ssyncadd.s32 $0xFFFFF380  }
0x7c: {  	_ =	swait.ge [sflag:s1], $0xC80  }
0x7d: {  	[sflag:s1] =	ssyncset.done $0x0  }
0x7e: {  	[sflag:s1] =	ssyncadd.s32 $0xFFFFF380  }
0x7f: {  	_ =	swait.ge [sflag:s1], $0xC80  }
0x80: {  	[sflag:s1] =	ssyncset.done $0x0  }
0x81: {  	[sflag:s1] =	ssyncadd.s32 $0xFFFFF380  }
0x82: {  	_ =	swait.ge [sflag:s1], $0xC80  }
0x83: {  	[sflag:s1] =	ssyncset.done $0x0  }
0x84: {  	[sflag:s1] =	ssyncadd.s32 $0xFFFFF380  }
0x85: {  	_ =	swait.ge [sflag:s1], $0xC80  }
0x86: {  	[sflag:s1] =	ssyncset.done $0x0  }
0x87: {  	[sflag:s1] =	ssyncadd.s32 $0xFFFFF380  }
0x88: {  	_ =	swait.ge [sflag:s1], $0xC80  }
0x89: {  	[sflag:s1] =	ssyncset.done $0x0  }
0x8a: {  	[sflag:s1] =	ssyncadd.s32 $0xFFFFF380  }
0x8b: {  	_ =	swait.ge [sflag:s1], $0xC80  }
0x8c: {  	[sflag:s1] =	ssyncset.done $0x0  }
0x8d: {  	[sflag:s1] =	ssyncadd.s32 $0xFFFFF380  }
0x8e: {  	_ =	swait.ge [sflag:s1], $0xC80  }
0x8f: {  	[sflag:s1] =	ssyncset.done $0x0  }
0x90: {  	[sflag:s1] =	ssyncadd.s32 $0xFFFFF380  }
0x91: {  	_ =	swait.ge [sflag:s1], $0xC80  }
0x92: {  	[sflag:s1] =	ssyncset.done $0x0  }
0x93: {  	[sflag:s1] =	ssyncadd.s32 $0xFFFFF380  }
0x94: {  	_ =	swait.ge [sflag:s1], $0xC80  }
0x95: {  	[sflag:s1] =	ssyncset.done $0x0  }
0x96: {  	[sflag:s1] =	ssyncadd.s32 $0xFFFFF380  }
0x97: {  	_ =	swait.ge [sflag:s1], $0xC80  }
0x98: {  	[sflag:s1] =	ssyncset.done $0x0  }
0x99: {  	[sflag:s1] =	ssyncadd.s32 $0xFFFFF380  }
0x9a: {  	_ =	swait.ge [sflag:s1], $0xC80  }
0x9b: {  	[sflag:s1] =	ssyncset.done $0x0  }
0x9c: {  	[sflag:s1] =	ssyncadd.s32 $0xFFFFF380  }
0x9d: {  	_ =	swait.ge [sflag:s1], $0xC80  }
0x9e: {  	s30 =	rddreg [dreg:$0x17]  }
0x9f: {  	s31 =	rddreg [dreg:$0x14];
	s21 =	sadd.s32 $0x1, s30  }
0xa0: {  	p0 =	sne.s32 s21, s31  }
.Ltmp1:
0xa1: {  	_ = 	snop;
	(pc) =	sbr.rel @!p0 .LBB2_33-.Ltmp1, $3  }
0xa2: {  	_ =	sdelay $0x1  }
0xa3: {  	[sflag:s1] =	ssyncset.done $0x0  }
0xa4: {  	[sflag:s1] =	ssyncadd.s32 $0xFFFFF380  }
.LBB2_1:
0xa5: {  	v3 =	vor.u32 s2, v0  }
0xa6: {  	v4 =	vmulhi.u32 $0x51EB851F, v3;
	_ =	sdelay $0x1  }
0xa7: {  	v6 =	vshrl.u32 v4, $0x4  }
0xa8: {  	v4 =	vmul.u32 $0xFFFFFFCE, v6  }
0xa9: {  	[dreg:$0x17] =	wrdreg s21;
	s18 =	simm.s32 $0x10  }
0xaa: {  	v5 =	vmov s2;
	s30 =	rddreg [dreg:$0x2];
	s31 =	simm.s32 $0x7;
	v3 =	vadd.s32 v3, v4;
	v4 =	vor.u32 s18, v0  }
0xab: {  	[tilespmem:s2], [sflag:$0x7] =	stream.linear.gather [hbm4b:s30+s2], $0x2000, $0x38;
	vm0 =	veq.s32 v5, v0;
	vm1 =	vne.s32 v3, $0x0;
	v5 =	vmulhi.u32 $0x51EB851F, v4;
	[tilespmem:$0x1C9C0] =	vst v63  }
0xac: {  	_ =	swait.ge [sflag:s31], $0x2000;
	vm0 =	vmand vm0, vm1  }
0xad: {  	[sflag:s31] =	ssyncset.done $0x0;
	v7 =	vsel vm0, $0xFFFFFFFF, v1;
	v5 =	vshrl.u32 v5, $0x4  }
0xae: {  	s21 =	simm.s32 $0x2700;
	[sflag:s31] =	ssyncadd.s32 $0xFFFFE000;
	v7 =	vadd.s32 v7, v6;
	v6 =	vmul.u32 $0xFFFFFFCE, v5  }
0xaf: {  	s26 =	simm.s32 $0x2A20;
	s28 =	simm.s32 $0x20;
	[tilespmem:s21+$0x0] =	vst v7  }
.LBB2_2:
0xb0: {  	v7 =	vmov s18;
	[tilespmem:s26+$0x0] =	vst v3;
	v3 =	vadd.s32 v4, v6;
	v4 =	vor.u32 s28, v0;
	s18 =	smov.u32 s28;
	p0 =	sne.s32 s28, $0x310  }
.Ltmp2:
0xb1: {  	s28 =	sadd.s32 $0x10, s28;
	v6 =	vmulhi.u32 $0x51EB851F, v4;
	vm0 =	veq.s32 v7, v0;
	vm1 =	vne.s32 v3, $0x0;
	(pc) =	sbr.rel @p0 .LBB2_2-.Ltmp2, $4  }
0xb2: {  	vm0 =	vmand vm0, vm1  }
0xb3: {  	v7 =	vshrl.u32 v6, $0x4;
	v8 =	vsel vm0, $0xFFFFFFFF, v1  }
0xb4: {  	s21 =	sadd.s32 $0x10, s21;
	v6 =	vmul.u32 $0xFFFFFFCE, v7;
	v8 =	vadd.s32 v8, v5;
	v5 =	vmov v7  }
0xb5: {  	s26 =	sadd.s32 $0x10, s26;
	[tilespmem:s21+$0x0] =	vst v8  }
0xb6: {  	v7 =	vmov s18;
	v4 =	vadd.s32 v4, v6  }
0xb7: {  	vm0 =	veq.s32 v7, v0;
	vm1 =	vne.s32 v4, $0x0  }
0xb8: {  	vm0 =	vmand vm0, vm1  }
0xb9: {  	v63 =	vsel vm0, $0xFFFFFFFF, v1  }
0xba: {  	[tilespmem:s26+$0x0] =	vst v3;
	s28 =	sadd.s32 $0x10, s21;
	v3 =	vadd.s32 v63, v5  }
.Ltmp3:
0xbb: {  	s29 =	sadd.s32 $0x10, s26;
	[tilespmem:s28+$0x0] =	vst v3;
	(pc) =	sbr.rel .LBB2_4-.Ltmp3, $4  }
0xbc: {  	s18 =	simm.s32 $0x0;
	s30 =	rddreg [dreg:$0x3];
	[tilespmem:s29+$0x0] =	vst v4  }
0xbd: {  	[tilespmem:s14], [sflag:$0x5] =	stream.linear.gather [hbm4b:s30+s18], $0x380, $0x38;
	[tilespmem:$0x1C9C0] =	vst v63  }
0xbe: {  	s31 =	rddreg [dreg:$0x15]  }
0xbf: {  	[tilespmem:s15], [sflag:$0x6] =	stream.linear.gather [hbm4b:s31+s18], $0x380, $0x38;
	[tilespmem:$0x1C9C0] =	vst v63  }
.LBB2_25:
0xc0: {  	s21 =	smul.u32 $0x380, s26;
	_ =	sdelay $0x1  }
0xc1: {  	s28 =	sadd.s32 s7, s21  }
0xc2: {  	[hbm4b:s28+s24] =	stream.strided.scatter [tilespmem:s19], [sflag:$0x3], $0xC80, s25, s24, $0x38;
	[tilespmem:$0x1C9C0] =	vst v63  }
0xc3: {  	s29 =	simm.s32 $0x4640;
	s31 =	sadd.s32 s21, s9  }
0xc4: {  	[hbm4b:s31+s24] =	stream.strided.scatter [tilespmem:s29], [sflag:$0x3], $0xC80, s25, s24, $0x38;
	[tilespmem:$0x1C9C0] =	vst v63  }
0xc5: {  	s30 =	sadd.s32 s21, s10;
	s31 =	simm.s32 $0x52C0  }
0xc6: {  	[hbm4b:s30+s24] =	stream.strided.scatter [tilespmem:s31], [sflag:$0x3], $0xC80, s25, s24, $0x38;
	[tilespmem:$0x1C9C0] =	vst v63  }
0xc7: {  	s30 =	sadd.s32 s21, s11;
	s31 =	simm.s32 $0x5F40  }
0xc8: {  	[hbm4b:s30+s24] =	stream.strided.scatter [tilespmem:s31], [sflag:$0x3], $0xC80, s25, s24, $0x38;
	[tilespmem:$0x1C9C0] =	vst v63  }
0xc9: {  	s21 =	sadd.s32 s21, s12;
	s30 =	smul.u32 $0x1C00, s26;
	s31 =	simm.s32 $0x6BC0  }
0xca: {  	[hbm4b:s21+s24] =	stream.strided.scatter [tilespmem:s31], [sflag:$0x3], $0xC80, s25, s24, $0x38;
	[tilespmem:$0x1C9C0] =	vst v63  }
0xcb: {  	s28 =	sshrl.u32 s30, $0x3  }
0xcc: {  	s21 =	sadd.s32 s7, s28  }
0xcd: {  	s30 =	simm.s32 $0x7840;
	s29 =	sadd.s32 $0x1180, s21  }
0xce: {  	[hbm4b:s29+s24] =	stream.strided.scatter [tilespmem:s30], [sflag:$0x3], $0xC80, s25, s24, $0x38;
	[tilespmem:$0x1C9C0] =	vst v63  }
0xcf: {  	s31 =	sadd.s32 $0x1500, s21;
	s29 =	simm.s32 $0x84C0  }
0xd0: {  	[hbm4b:s31+s24] =	stream.strided.scatter [tilespmem:s29], [sflag:$0x3], $0xC80, s25, s24, $0x38;
	[tilespmem:$0x1C9C0] =	vst v63  }
0xd1: {  	s30 =	sadd.s32 $0x1880, s21;
	s31 =	simm.s32 $0x9140  }
0xd2: {  	[hbm4b:s30+s24] =	stream.strided.scatter [tilespmem:s31], [sflag:$0x3], $0xC80, s25, s24, $0x38;
	[tilespmem:$0x1C9C0] =	vst v63  }
0xd3: {  	s29 =	sadd.s32 $0x1C00, s21;
	s30 =	simm.s32 $0x9DC0  }
0xd4: {  	[hbm4b:s29+s24] =	stream.strided.scatter [tilespmem:s30], [sflag:$0x3], $0xC80, s25, s24, $0x38;
	[tilespmem:$0x1C9C0] =	vst v63  }
0xd5: {  	s31 =	sadd.s32 $0x1F80, s21;
	s29 =	simm.s32 $0xAA40  }
0xd6: {  	[hbm4b:s31+s24] =	stream.strided.scatter [tilespmem:s29], [sflag:$0x3], $0xC80, s25, s24, $0x38;
	[tilespmem:$0x1C9C0] =	vst v63  }
0xd7: {  	s30 =	sadd.s32 $0x2300, s21;
	s31 =	simm.s32 $0xB6C0  }
0xd8: {  	[hbm4b:s30+s24] =	stream.strided.scatter [tilespmem:s31], [sflag:$0x3], $0xC80, s25, s24, $0x38;
	[tilespmem:$0x1C9C0] =	vst v63  }
0xd9: {  	s29 =	sadd.s32 $0x2680, s21;
	s30 =	simm.s32 $0xC340  }
0xda: {  	[hbm4b:s29+s24] =	stream.strided.scatter [tilespmem:s30], [sflag:$0x3], $0xC80, s25, s24, $0x38;
	[tilespmem:$0x1C9C0] =	vst v63  }
0xdb: {  	s18 =	sadd.s32 $0x1, s18;
	s31 =	sadd.s32 $0x2A00, s21;
	s29 =	simm.s32 $0xCFC0  }
0xdc: {  	[hbm4b:s31+s24] =	stream.strided.scatter [tilespmem:s29], [sflag:$0x3], $0xC80, s25, s24, $0x38;
	[tilespmem:$0x1C9C0] =	vst v63  }
0xdd: {  	p0 =	sne.s32 s18, $0x10;
	s30 =	sadd.s32 $0x2D80, s21;
	s31 =	simm.s32 $0xDC40  }
0xde: {  	[hbm4b:s30+s24] =	stream.strided.scatter [tilespmem:s31], [sflag:$0x3], $0xC80, s25, s24, $0x38;
	[tilespmem:$0x1C9C0] =	vst v63  }
.Ltmp4:
0xdf: {  	_ = 	snop;
	(pc) =	sbr.rel @!p0 .LBB2_26-.Ltmp4, $4  }
0xe0: {  	s29 =	sadd.s32 $0x3100, s21;
	s30 =	simm.s32 $0xE8C0  }
0xe1: {  	[hbm4b:s29+s24] =	stream.strided.scatter [tilespmem:s30], [sflag:$0x3], $0xC80, s25, s24, $0x38;
	[tilespmem:$0x1C9C0] =	vst v63  }
0xe2: {  	s21 =	sadd.s32 $0x3480, s21;
	s31 =	simm.s32 $0xF540  }
0xe3: {  	[hbm4b:s21+s24] =	stream.strided.scatter [tilespmem:s31], [sflag:$0x3], $0xC80, s25, s24, $0x38;
	[tilespmem:$0x1C9C0] =	vst v63  }
.LBB2_4:
0xe4: {  	_ =	swait.ge [sflag:s16], $0x380  }
0xe5: {  	[sflag:s16] =	ssyncset.done $0x0  }
0xe6: {  	s26 =	simm.s32 $0x0;
	[sflag:s16] =	ssyncadd.s32 $0xFFFFFC80  }
0xe7: {  	v3 =	vld [tilespmem:s26+$0x2700]  }
0xe8: {  	v4 =	vld [tilespmem:s26+$0x2A20];
	_ =	sdelay $0x3  }
0xe9: {  	v3 =	vmul.u32 $0x38, v3  }
0xea: {  	v6 =	vand.u32 $0xFFFFFFF8, v4  }
0xeb: {  	s21 =	simm.s32 $0x10;
	v4 =	vand.u32 $0x7, v4;
	v3 =	vadd.s32 v3, v6  }
0xec: {  	v5 =	vld [tilespmem:s21+$0x2700];
	v3 =	vor.u32 v4, v3  }
0xed: {  	v7 =	vld [tilespmem:s21+$0x2A20];
	_ =	sdelay $0x3  }
0xee: {  	v4 =	vmul.u32 $0x38, v5;
	v3 =	vld.idx.msk [tilespmem:v3+s14+$0x0], $0xffff  }
0xef: {  	v5 =	vand.u32 $0xFFFFFFF8, v7  }
0xf0: {  	v6 =	vand.u32 $0x7, v7;
	v4 =	vadd.s32 v4, v5  }
0xf1: {  	s28 =	simm.s32 $0x20;
	s29 =	simm.s32 $0xC0;
	v4 =	vor.u32 v6, v4  }
.LBB2_5:
0xf2: {  	p0 =	sne.s32 s29, $0xC40;
	v5 =	vld [tilespmem:s28+$0x2700]  }
0xf3: {  	vm0 =	vlt.s32 v3, $0x1869F;
	v6 =	vld [tilespmem:s28+$0x2A20];
	[tilespmem:s26+$0x2D40] =	vst v3  }
0xf4: {  	v3 =	vnsel vm0, $0x1869F, v3  }
0xf5: {  	[tilespmem:s26+$0x3380] =	vst v3;
	s26 =	smov.u32 s21;
	s21 =	smov.u32 s28  }
.Ltmp5:
0xf6: {  	v3 =	vld.idx.msk [tilespmem:v4+s14+$0x0], $0xffff;
	(pc) =	sbr.rel @p0 .LBB2_5-.Ltmp5, $4  }
0xf7: {  	v4 =	vmul.u32 $0x38, v5  }
0xf8: {  	v5 =	vand.u32 $0xFFFFFFF8, v6  }
0xf9: {  	v6 =	vand.u32 $0x7, v6;
	v4 =	vadd.s32 v4, v5  }
0xfa: {  	s28 =	sshra.s32 s29, $0x2;
	s29 =	sadd.s32 $0x40, s29;
	v4 =	vor.u32 v6, v4  }
0xfb: {  	v5 =	vld [tilespmem:s28+$0x2700]  }
0xfc: {  	v6 =	vld [tilespmem:s28+$0x2A20]  }
0xfd: {  	vm0 =	vlt.s32 v3, $0x1869F  }
0xfe: {  	[tilespmem:s26+$0x2D40] =	vst v3;
	v3 =	vnsel vm0, $0x1869F, v3  }
0xff: {  	[tilespmem:s26+$0x3380] =	vst v3  }
0x100: {  	v3 =	vld.idx.msk [tilespmem:v4+s14+$0x0], $0xffff;
	v62 =	vmul.u32 $0x38, v5  }
0x101: {  	v63 =	vand.u32 $0xFFFFFFF8, v6  }
0x102: {  	v6 =	vand.u32 $0x7, v6;
	v4 =	vadd.s32 v62, v63  }
0x103: {  	v4 =	vor.u32 v6, v4;
	_ =	sdelay $0x1  }
0x104: {  	vm14 =	vlt.s32 v3, $0x1869F  }
0x105: {  	[tilespmem:s21+$0x2D40] =	vst v3;
	v3 =	vnsel vm14, $0x1869F, v3  }
0x106: {  	[tilespmem:s21+$0x3380] =	vst v3  }
0x107: {  	v3 =	vld.idx.msk [tilespmem:v4+s14+$0x0], $0xffff  }
0x108: {  	p0 =	seq.s32 s18, $0xF  }
0x109: {  	p1 =	sne.s32 @!p0 s18, $0x0  }
0x10a: {  	p1 =	por p0, p1;
	s21 =	sshll.u32 s18, $0x5  }
.Ltmp6:
0x10b: {  	s26 =	sadd.s32 @!p0 s21, s0;
	(pc) =	sbr.rel @!p1 .LBB2_7-.Ltmp6, $4  }
0x10c: {  	s26 =	smul.u32 @!p0 $0x7, s26;
	vm15 =	vlt.s32 v3, $0x1869F  }
0x10d: {  	[tilespmem:s28+$0x2D40] =	vst v3;
	v3 =	vnsel vm15, $0x1869F, v3  }
0x10e: {  	s29 =	simm.s32 @!p0 $0x2000;
	s26 =	sadd.s32 @!p0 s6, s26;
	[tilespmem:s28+$0x3380] =	vst v3;
	s28 =	simm.s32 @!p0 $0x0  }
0x10f: {  	[tilespmem:s29], [sflag:$0x5] =	stream.linear.gather @!p0 [hbm4b:s26+s28], $0x380, $0x38;
	[tilespmem:$0x1C9C0] =	vst v63  }
0x110: {  	_ =	swait.ge [sflag:s13], $0xC80  }
0x111: {  	[sflag:s13] =	ssyncset.done $0x0  }
0x112: {  	[sflag:s13] =	ssyncadd.s32 $0xFFFFF380  }
0x113: {  	_ =	swait.ge [sflag:s13], $0xC80  }
0x114: {  	[sflag:s13] =	ssyncset.done $0x0  }
0x115: {  	[sflag:s13] =	ssyncadd.s32 $0xFFFFF380  }
0x116: {  	_ =	swait.ge [sflag:s13], $0xC80  }
0x117: {  	[sflag:s13] =	ssyncset.done $0x0  }
0x118: {  	[sflag:s13] =	ssyncadd.s32 $0xFFFFF380  }
0x119: {  	_ =	swait.ge [sflag:s13], $0xC80  }
0x11a: {  	[sflag:s13] =	ssyncset.done $0x0  }
0x11b: {  	[sflag:s13] =	ssyncadd.s32 $0xFFFFF380  }
0x11c: {  	_ =	swait.ge [sflag:s13], $0xC80  }
0x11d: {  	[sflag:s13] =	ssyncset.done $0x0  }
0x11e: {  	[sflag:s13] =	ssyncadd.s32 $0xFFFFF380  }
0x11f: {  	_ =	swait.ge [sflag:s13], $0xC80  }
0x120: {  	[sflag:s13] =	ssyncset.done $0x0  }
0x121: {  	[sflag:s13] =	ssyncadd.s32 $0xFFFFF380  }
0x122: {  	_ =	swait.ge [sflag:s13], $0xC80  }
0x123: {  	[sflag:s13] =	ssyncset.done $0x0  }
0x124: {  	[sflag:s13] =	ssyncadd.s32 $0xFFFFF380  }
0x125: {  	_ =	swait.ge [sflag:s13], $0xC80  }
0x126: {  	[sflag:s13] =	ssyncset.done $0x0  }
0x127: {  	[sflag:s13] =	ssyncadd.s32 $0xFFFFF380  }
0x128: {  	_ =	swait.ge [sflag:s13], $0xC80  }
0x129: {  	[sflag:s13] =	ssyncset.done $0x0  }
0x12a: {  	[sflag:s13] =	ssyncadd.s32 $0xFFFFF380  }
0x12b: {  	_ =	swait.ge [sflag:s13], $0xC80  }
0x12c: {  	[sflag:s13] =	ssyncset.done $0x0  }
0x12d: {  	[sflag:s13] =	ssyncadd.s32 $0xFFFFF380  }
0x12e: {  	_ =	swait.ge [sflag:s13], $0xC80  }
0x12f: {  	[sflag:s13] =	ssyncset.done $0x0  }
0x130: {  	[sflag:s13] =	ssyncadd.s32 $0xFFFFF380  }
0x131: {  	_ =	swait.ge [sflag:s13], $0xC80  }
0x132: {  	[sflag:s13] =	ssyncset.done $0x0  }
0x133: {  	[sflag:s13] =	ssyncadd.s32 $0xFFFFF380  }
0x134: {  	_ =	swait.ge [sflag:s13], $0xC80  }
0x135: {  	[sflag:s13] =	ssyncset.done $0x0  }
0x136: {  	[sflag:s13] =	ssyncadd.s32 $0xFFFFF380  }
0x137: {  	_ =	swait.ge [sflag:s13], $0xC80  }
0x138: {  	[sflag:s13] =	ssyncset.done $0x0  }
0x139: {  	[sflag:s13] =	ssyncadd.s32 $0xFFFFF380  }
0x13a: {  	_ =	swait.ge [sflag:s13], $0xC80  }
0x13b: {  	p1 =	seq.s32 s18, $0x0;
	[sflag:s13] =	ssyncset.done $0x0  }
.Ltmp7:
0x13c: {  	[sflag:s13] =	ssyncadd.s32 $0xFFFFF380;
	(pc) =	sbr.rel @p1 .LBB2_9-.Ltmp7, $4  }
0x13d: {  	_ =	swait.ge [sflag:s13], $0xC80  }
0x13e: {  	[sflag:s13] =	ssyncset.done $0x0  }
0x13f: {  	s26 =	simm.s32 $0x3380;
	[sflag:s13] =	ssyncadd.s32 $0xFFFFF380  }
0x140: {  	[tilespmem:s19], [sflag:$0x1] =	stream.indirect.gather [hbm4b:s4+s17], $0x40, s26, s17, $0xb8;
	[tilespmem:$0x1C9C0] =	vst v63  }
.Ltmp8:
0x141: {  	(pc) =	sbr.rel .LBB2_11-.Ltmp8, $4  }
0x142: {  	_ = 	snop  }
0x143: {  	_ =	swait.ge [sflag:s8], $0xC800  }
0x144: {  	[sflag:s8] =	ssyncset.done $0x0  }
0x145: {  	s26 =	simm.s32 $0x0;
	[sflag:s8] =	ssyncadd.s32 $0xFFFF3800  }
.LBB2_14:
0x146: {  	_ =	sdelay $0x2  }
0x147: {  	v9 =	vand.u32 $0x38, v7;
	v6 =	vor.u32 v3, v6  }
0x148: {  	v8 =	vld.idx.msk [tilespmem:v8+s2+$0x0], $0xffff;
	v63 =	vand.u32 $0x7, v7;
	v4 =	vor.u32 v4, v9;
	v5 =	vor.u32 v5, v6  }
0x149: {  	v4 =	vor.u32 v63, v4;
	_ =	sdelay $0x3  }
0x14a: {  	v3 =	vor.u32 v3, v9;
	[tilespmem:v5+s22+$0x0] =	vst.idx.msk vm0, v8  }
0x14b: {  	v3 =	vor.u32 v63, v3;
	v4 =	vld.idx.msk [tilespmem:v4+s2+$0x0], $0xffff;
	_ =	sdelay $0x4  }
0x14c: {  	[tilespmem:v3+s22+$0x0] =	vst.idx.msk vm0, v4  }
.LBB2_15:
0x14d: {  	s26 =	sadd.s32 $0x1, s26  }
0x14e: {  	p1 =	sne.s32 s26, $0x32  }
.Ltmp9:
0x14f: {  	_ = 	snop;
	(pc) =	sbr.rel @!p1 .LBB2_16-.Ltmp9, $1  }
0x150: {  	_ =	sdelay $0x3  }
.LBB2_11:
0x151: {  	s28 =	sshll.u32 s26, $0x4  }
0x152: {  	v7 =	vld [tilespmem:s28+$0x3060];
	_ =	sdelay $0x4  }
0x153: {  	v3 =	vxor.u32 $0x80000000, v7  }
0x154: {  	(xrf0) =	vmax.scan.msk.u32 $0xffff, v3;
	_ =	sdelay $0x5  }
0x155: {  	v3, _, _ =	vpop (xrf0)  }
0x156: {  	(v2sf) =	vpush v3, $0xF;
	_ =	sdelay $0xe  }
0x157: {  	s29 =	spop (v2sf)  }
0x158: {  	p1 =	slt.u32 s29, $0x800186A0  }
.Ltmp10:
0x159: {  	_ = 	snop;
	(pc) =	sbr.rel @p1 .LBB2_15-.Ltmp10, $1  }
0x15a: {  	_ =	sdelay $0x3  }
0x15b: {  	v3 =	vadd.s32 $0xFFFE7960, v7  }
0x15c: {  	vm0 =	vgt.s32 v3, $0x0  }
0x15d: {  	s29 =	simm.s32 $0x0;
	v3 =	vnsel vm0, $0x0, v3  }
0x15e: {  	v4 =	vmov s28;
	v5 =	vmov s29;
	v3 =	vmin.u32 v3, $0x7F  }
0x15f: {  	v8 =	vshll.u32 v4, $0x6;
	v6 =	vand.u32 $0x38, v5;
	v4 =	vshll.u32 v3, $0x6  }
0x160: {  	v5 =	vand.u32 $0x7, v5;
	v3 =	vor.u32 v2, v8;
	v8 =	vor.u32 v4, v6  }
0x161: {  	v8 =	vor.u32 v5, v8;
	_ =	sdelay $0x2  }
0x162: {  	s28 =	simm.s32 $0x1  }
0x163: {  	vm0 =	vgt.s32 v7, $0x1869F;
	v7 =	vmov s28;
	s28 =	simm.s32 $0x2  }
.LBB2_13:
0x164: {  	p1 =	sne.s32 s28, $0x3F;
	v9 =	vld.idx.msk [tilespmem:v8+s2+$0x0], $0xffff;
	v8 =	vor.u32 v3, v6;
	v6 =	vand.u32 $0x38, v7  }
0x165: {  	v10 =	vor.u32 v4, v6;
	v11 =	vor.u32 v5, v8;
	v5 =	vand.u32 $0x7, v7  }
.Ltmp11:
0x166: {  	v8 =	vor.u32 v5, v10;
	(pc) =	sbr.rel @p1 .LBB2_13-.Ltmp11, $2  }
0x167: {  	_ =	sdelay $0x2  }
0x168: {  	v7 =	vmov s28;
	s28 =	sadd.s32 $0x1, s28;
	[tilespmem:v11+s22+$0x0] =	vst.idx.msk vm0, v9  }
.Ltmp12:
0x169: {  	_ = 	snop;
	(pc) =	sbr.rel .LBB2_14-.Ltmp12, $1  }
0x16a: {  	_ =	sdelay $0x3  }
.LBB2_16:
0x16b: {  	s26 =	rddreg [dreg:$0x16]  }
0x16c: {  	s26 =	sadd.s32 s21, s26  }
0x16d: {  	s26 =	smul.u32 $0x1C00, s26;
	_ =	sdelay $0x1  }
0x16e: {  	s28 =	sshrl.u32 s26, $0x3  }
0x16f: {  	s29 =	sadd.s32 s7, s28  }
0x170: {  	[hbm4b:s29+s24] =	stream.strided.scatter [tilespmem:s22], [sflag:$0x4], $0xC80, s25, s24, $0x38;
	[tilespmem:$0x1C9C0] =	vst v63  }
0x171: {  	s30 =	simm.s32 $0x10E40;
	s31 =	sadd.s32 s28, s9  }
0x172: {  	[hbm4b:s31+s24] =	stream.strided.scatter [tilespmem:s30], [sflag:$0x4], $0xC80, s25, s24, $0x38;
	[tilespmem:$0x1C9C0] =	vst v63  }
0x173: {  	s28 =	sadd.s32 s28, s10;
	s31 =	simm.s32 $0x11AC0;
	s30 =	sadd.s32 $0x5400, s26  }
0x174: {  	[hbm4b:s28+s24] =	stream.strided.scatter [tilespmem:s31], [sflag:$0x4], $0xC80, s25, s24, $0x38;
	[tilespmem:$0x1C9C0] =	vst v63  }
0x175: {  	s28 =	sshrl.u32 s30, $0x3  }
0x176: {  	s31 =	simm.s32 $0x12740;
	s30 =	sadd.s32 $0x7000, s26;
	s28 =	sadd.s32 s7, s28  }
0x177: {  	[hbm4b:s28+s24] =	stream.strided.scatter [tilespmem:s31], [sflag:$0x4], $0xC80, s25, s24, $0x38;
	[tilespmem:$0x1C9C0] =	vst v63  }
0x178: {  	s28 =	sshrl.u32 s30, $0x3  }
0x179: {  	s31 =	simm.s32 $0x133C0;
	s30 =	sadd.s32 $0x8C00, s26;
	s28 =	sadd.s32 s7, s28  }
0x17a: {  	[hbm4b:s28+s24] =	stream.strided.scatter [tilespmem:s31], [sflag:$0x4], $0xC80, s25, s24, $0x38;
	[tilespmem:$0x1C9C0] =	vst v63  }
0x17b: {  	s28 =	sshrl.u32 s30, $0x3  }
0x17c: {  	s31 =	simm.s32 $0x14040;
	s30 =	sadd.s32 $0xA800, s26;
	s28 =	sadd.s32 s7, s28  }
0x17d: {  	[hbm4b:s28+s24] =	stream.strided.scatter [tilespmem:s31], [sflag:$0x4], $0xC80, s25, s24, $0x38;
	[tilespmem:$0x1C9C0] =	vst v63  }
0x17e: {  	s28 =	sshrl.u32 s30, $0x3  }
0x17f: {  	s31 =	simm.s32 $0x14CC0;
	s30 =	sadd.s32 $0xC400, s26;
	s28 =	sadd.s32 s7, s28  }
0x180: {  	[hbm4b:s28+s24] =	stream.strided.scatter [tilespmem:s31], [sflag:$0x4], $0xC80, s25, s24, $0x38;
	[tilespmem:$0x1C9C0] =	vst v63  }
0x181: {  	s28 =	sshrl.u32 s30, $0x3  }
0x182: {  	s31 =	simm.s32 $0x15940;
	s30 =	sadd.s32 $0xE000, s26;
	s28 =	sadd.s32 s7, s28  }
0x183: {  	[hbm4b:s28+s24] =	stream.strided.scatter [tilespmem:s31], [sflag:$0x4], $0xC80, s25, s24, $0x38;
	[tilespmem:$0x1C9C0] =	vst v63  }
0x184: {  	s28 =	sshrl.u32 s30, $0x3  }
0x185: {  	s31 =	simm.s32 $0x165C0;
	s30 =	sadd.s32 $0xFC00, s26;
	s28 =	sadd.s32 s7, s28  }
0x186: {  	[hbm4b:s28+s24] =	stream.strided.scatter [tilespmem:s31], [sflag:$0x4], $0xC80, s25, s24, $0x38;
	[tilespmem:$0x1C9C0] =	vst v63  }
0x187: {  	s28 =	sshrl.u32 s30, $0x3  }
0x188: {  	s31 =	simm.s32 $0x17240;
	s30 =	sadd.s32 $0x11800, s26;
	s28 =	sadd.s32 s7, s28  }
0x189: {  	[hbm4b:s28+s24] =	stream.strided.scatter [tilespmem:s31], [sflag:$0x4], $0xC80, s25, s24, $0x38;
	[tilespmem:$0x1C9C0] =	vst v63  }
0x18a: {  	s28 =	sshrl.u32 s30, $0x3  }
0x18b: {  	s31 =	simm.s32 $0x17EC0;
	s30 =	sadd.s32 $0x13400, s26;
	s28 =	sadd.s32 s7, s28  }
0x18c: {  	[hbm4b:s28+s24] =	stream.strided.scatter [tilespmem:s31], [sflag:$0x4], $0xC80, s25, s24, $0x38;
	[tilespmem:$0x1C9C0] =	vst v63  }
0x18d: {  	s28 =	sshrl.u32 s30, $0x3  }
0x18e: {  	s31 =	simm.s32 $0x18B40;
	s30 =	sadd.s32 $0x15000, s26;
	s28 =	sadd.s32 s7, s28  }
0x18f: {  	[hbm4b:s28+s24] =	stream.strided.scatter [tilespmem:s31], [sflag:$0x4], $0xC80, s25, s24, $0x38;
	[tilespmem:$0x1C9C0] =	vst v63  }
0x190: {  	s28 =	sshrl.u32 s30, $0x3  }
0x191: {  	s31 =	simm.s32 $0x197C0;
	s30 =	sadd.s32 $0x16C00, s26;
	s28 =	sadd.s32 s7, s28  }
0x192: {  	[hbm4b:s28+s24] =	stream.strided.scatter [tilespmem:s31], [sflag:$0x4], $0xC80, s25, s24, $0x38;
	[tilespmem:$0x1C9C0] =	vst v63  }
0x193: {  	s28 =	sshrl.u32 s30, $0x3  }
0x194: {  	s29 =	sadd.s32 $0x18800, s26;
	s31 =	simm.s32 $0x1A440;
	s28 =	sadd.s32 s7, s28  }
0x195: {  	[hbm4b:s28+s24] =	stream.strided.scatter [tilespmem:s31], [sflag:$0x4], $0xC80, s25, s24, $0x38;
	[tilespmem:$0x1C9C0] =	vst v63  }
.Ltmp13:
0x196: {  	s26 =	sadd.s32 $0x1A400, s26;
	s28 =	sshrl.u32 s29, $0x3;
	(pc) =	sbr.rel .LBB2_17-.Ltmp13, $4  }
0x197: {  	s26 =	sshrl.u32 s26, $0x3;
	s30 =	simm.s32 $0x1B0C0;
	s28 =	sadd.s32 s7, s28  }
0x198: {  	[hbm4b:s28+s24] =	stream.strided.scatter [tilespmem:s30], [sflag:$0x4], $0xC80, s25, s24, $0x38;
	[tilespmem:$0x1C9C0] =	vst v63  }
0x199: {  	p1 =	por $0x0, $0x0;
	s26 =	sadd.s32 s7, s26;
	s31 =	simm.s32 $0x1BD40  }
0x19a: {  	[hbm4b:s26+s24] =	stream.strided.scatter [tilespmem:s31], [sflag:$0x4], $0xC80, s25, s24, $0x38;
	[tilespmem:$0x1C9C0] =	vst v63  }
.LBB2_7:
.Ltmp14:
0x19b: {  	(pc) =	sbr.rel .LBB2_17-.Ltmp14, $3  }
0x19c: {  	_ =	sdelay $0x1  }
0x19d: {  	s26 =	simm.s32 $0x3380;
	p1 =	por $0x1, $0x1  }
0x19e: {  	[tilespmem:s19], [sflag:$0x1] =	stream.indirect.gather [hbm4b:s4+s17], $0x40, s26, s17, $0xb8;
	[tilespmem:$0x1C9C0] =	vst v63  }
.LBB2_9:
0x19f: {  	p1 =	por $0x1, $0x1  }
.LBB2_17:
0x1a0: {  	_ =	swait.ge [sflag:s20], $0x380  }
0x1a1: {  	[sflag:s20] =	ssyncset.done $0x0  }
0x1a2: {  	s29 =	simm.s32 $0x0;
	[sflag:s20] =	ssyncadd.s32 $0xFFFFFC80  }
0x1a3: {  	v3 =	vld [tilespmem:s29+$0x2700]  }
0x1a4: {  	v4 =	vld [tilespmem:s29+$0x2A20];
	_ =	sdelay $0x3  }
0x1a5: {  	v3 =	vmul.u32 $0x38, v3  }
0x1a6: {  	v6 =	vand.u32 $0xFFFFFFF8, v4  }
0x1a7: {  	s28 =	simm.s32 $0x10;
	v4 =	vand.u32 $0x7, v4;
	v3 =	vadd.s32 v3, v6  }
0x1a8: {  	v5 =	vld [tilespmem:s28+$0x2700];
	v3 =	vor.u32 v4, v3  }
0x1a9: {  	v7 =	vld [tilespmem:s28+$0x2A20];
	_ =	sdelay $0x3  }
0x1aa: {  	v4 =	vmul.u32 $0x38, v5;
	v3 =	vld.idx.msk [tilespmem:v3+s15+$0x0], $0xffff  }
0x1ab: {  	v5 =	vand.u32 $0xFFFFFFF8, v7  }
0x1ac: {  	v6 =	vand.u32 $0x7, v7;
	v4 =	vadd.s32 v4, v5  }
0x1ad: {  	s26 =	sor.u32 s3, s21;
	s30 =	simm.s32 $0x20;
	s31 =	simm.s32 $0xC0;
	v4 =	vor.u32 v6, v4  }
.LBB2_18:
0x1ae: {  	p2 =	sne.s32 s31, $0xC40;
	v5 =	vld [tilespmem:s30+$0x2700]  }
0x1af: {  	vm0 =	vlt.s32 v3, $0x1869F;
	v6 =	vld [tilespmem:s30+$0x2A20];
	[tilespmem:s29+$0x3060] =	vst v3  }
0x1b0: {  	v3 =	vnsel vm0, $0x1869F, v3  }
0x1b1: {  	[tilespmem:s29+$0x36A0] =	vst v3;
	s29 =	smov.u32 s28;
	s28 =	smov.u32 s30  }
.Ltmp15:
0x1b2: {  	v3 =	vld.idx.msk [tilespmem:v4+s15+$0x0], $0xffff;
	(pc) =	sbr.rel @p2 .LBB2_18-.Ltmp15, $4  }
0x1b3: {  	v4 =	vmul.u32 $0x38, v5  }
0x1b4: {  	v5 =	vand.u32 $0xFFFFFFF8, v6  }
0x1b5: {  	v6 =	vand.u32 $0x7, v6;
	v4 =	vadd.s32 v4, v5  }
0x1b6: {  	s30 =	sshra.s32 s31, $0x2;
	s31 =	sadd.s32 $0x40, s31;
	v4 =	vor.u32 v6, v4  }
0x1b7: {  	v5 =	vld [tilespmem:s30+$0x2700]  }
0x1b8: {  	v6 =	vld [tilespmem:s30+$0x2A20]  }
0x1b9: {  	vm0 =	vlt.s32 v3, $0x1869F  }
0x1ba: {  	[tilespmem:s29+$0x3060] =	vst v3;
	v3 =	vnsel vm0, $0x1869F, v3  }
0x1bb: {  	[tilespmem:s29+$0x36A0] =	vst v3  }
0x1bc: {  	v3 =	vld.idx.msk [tilespmem:v4+s15+$0x0], $0xffff;
	v62 =	vmul.u32 $0x38, v5  }
0x1bd: {  	v63 =	vand.u32 $0xFFFFFFF8, v6  }
0x1be: {  	v6 =	vand.u32 $0x7, v6;
	v4 =	vadd.s32 v62, v63  }
0x1bf: {  	v4 =	vor.u32 v6, v4;
	_ =	sdelay $0x1  }
0x1c0: {  	vm14 =	vlt.s32 v3, $0x1869F  }
0x1c1: {  	[tilespmem:s28+$0x3060] =	vst v3;
	v3 =	vnsel vm14, $0x1869F, v3  }
0x1c2: {  	[tilespmem:s28+$0x36A0] =	vst v3  }
0x1c3: {  	v3 =	vld.idx.msk [tilespmem:v4+s15+$0x0], $0xffff;
	_ =	sdelay $0x3  }
0x1c4: {  	s21 =	sadd.s32 @!p0 s21, s5  }
0x1c5: {  	s21 =	smul.u32 @!p0 $0x7, s21;
	vm15 =	vlt.s32 v3, $0x1869F  }
0x1c6: {  	[tilespmem:s30+$0x3060] =	vst v3;
	v3 =	vnsel vm15, $0x1869F, v3  }
0x1c7: {  	s29 =	simm.s32 @!p0 $0x2380;
	s21 =	sadd.s32 @!p0 s6, s21;
	s28 =	simm.s32 @!p0 $0x0;
	[tilespmem:s30+$0x36A0] =	vst v3  }
0x1c8: {  	[tilespmem:s29], [sflag:$0x6] =	stream.linear.gather @!p0 [hbm4b:s21+s28], $0x380, $0x38;
	[tilespmem:$0x1C9C0] =	vst v63  }
0x1c9: {  	p0 =	por p0, !p1  }
0x1ca: {  	_ =	swait.ge @p0 [sflag:s1], $0xC80  }
0x1cb: {  	[sflag:s1] =	ssyncset.done @p0 $0x0  }
0x1cc: {  	[sflag:s1] =	ssyncadd.s32 @p0 $0xFFFFF380  }
0x1cd: {  	_ =	swait.ge @p0 [sflag:s1], $0xC80  }
0x1ce: {  	[sflag:s1] =	ssyncset.done @p0 $0x0  }
0x1cf: {  	[sflag:s1] =	ssyncadd.s32 @p0 $0xFFFFF380  }
0x1d0: {  	_ =	swait.ge @p0 [sflag:s1], $0xC80  }
0x1d1: {  	[sflag:s1] =	ssyncset.done @p0 $0x0  }
0x1d2: {  	[sflag:s1] =	ssyncadd.s32 @p0 $0xFFFFF380  }
0x1d3: {  	_ =	swait.ge @p0 [sflag:s1], $0xC80  }
0x1d4: {  	[sflag:s1] =	ssyncset.done @p0 $0x0  }
0x1d5: {  	[sflag:s1] =	ssyncadd.s32 @p0 $0xFFFFF380  }
0x1d6: {  	_ =	swait.ge @p0 [sflag:s1], $0xC80  }
0x1d7: {  	[sflag:s1] =	ssyncset.done @p0 $0x0  }
0x1d8: {  	[sflag:s1] =	ssyncadd.s32 @p0 $0xFFFFF380  }
0x1d9: {  	_ =	swait.ge @p0 [sflag:s1], $0xC80  }
0x1da: {  	[sflag:s1] =	ssyncset.done @p0 $0x0  }
0x1db: {  	[sflag:s1] =	ssyncadd.s32 @p0 $0xFFFFF380  }
0x1dc: {  	_ =	swait.ge @p0 [sflag:s1], $0xC80  }
0x1dd: {  	[sflag:s1] =	ssyncset.done @p0 $0x0  }
0x1de: {  	[sflag:s1] =	ssyncadd.s32 @p0 $0xFFFFF380  }
0x1df: {  	_ =	swait.ge @p0 [sflag:s1], $0xC80  }
0x1e0: {  	[sflag:s1] =	ssyncset.done @p0 $0x0  }
0x1e1: {  	[sflag:s1] =	ssyncadd.s32 @p0 $0xFFFFF380  }
0x1e2: {  	_ =	swait.ge @p0 [sflag:s1], $0xC80  }
0x1e3: {  	[sflag:s1] =	ssyncset.done @p0 $0x0  }
0x1e4: {  	[sflag:s1] =	ssyncadd.s32 @p0 $0xFFFFF380  }
0x1e5: {  	_ =	swait.ge @p0 [sflag:s1], $0xC80  }
0x1e6: {  	[sflag:s1] =	ssyncset.done @p0 $0x0  }
0x1e7: {  	[sflag:s1] =	ssyncadd.s32 @p0 $0xFFFFF380  }
0x1e8: {  	_ =	swait.ge @p0 [sflag:s1], $0xC80  }
0x1e9: {  	[sflag:s1] =	ssyncset.done @p0 $0x0  }
0x1ea: {  	[sflag:s1] =	ssyncadd.s32 @p0 $0xFFFFF380  }
0x1eb: {  	_ =	swait.ge @p0 [sflag:s1], $0xC80  }
0x1ec: {  	[sflag:s1] =	ssyncset.done @p0 $0x0  }
0x1ed: {  	[sflag:s1] =	ssyncadd.s32 @p0 $0xFFFFF380  }
0x1ee: {  	_ =	swait.ge @p0 [sflag:s1], $0xC80  }
0x1ef: {  	[sflag:s1] =	ssyncset.done @p0 $0x0  }
0x1f0: {  	[sflag:s1] =	ssyncadd.s32 @p0 $0xFFFFF380  }
0x1f1: {  	_ =	swait.ge @p0 [sflag:s1], $0xC80  }
0x1f2: {  	[sflag:s1] =	ssyncset.done @p0 $0x0  }
0x1f3: {  	[sflag:s1] =	ssyncadd.s32 @p0 $0xFFFFF380  }
0x1f4: {  	_ =	swait.ge @p0 [sflag:s1], $0xC80  }
0x1f5: {  	[sflag:s1] =	ssyncset.done @p0 $0x0  }
0x1f6: {  	[sflag:s1] =	ssyncadd.s32 @p0 $0xFFFFF380  }
0x1f7: {  	_ =	swait.ge @p0 [sflag:s1], $0xC80  }
0x1f8: {  	[sflag:s1] =	ssyncset.done @p0 $0x0  }
.Ltmp16:
0x1f9: {  	s31 =	simm.s32 $0x36A0;
	[sflag:s1] =	ssyncadd.s32 @p0 $0xFFFFF380;
	(pc) =	sbr.rel .LBB2_20-.Ltmp16, $4  }
0x1fa: {  	[tilespmem:s22], [sflag:$0x2] =	stream.indirect.gather [hbm4b:s4+s17], $0x40, s31, s17, $0xb8;
	[tilespmem:$0x1C9C0] =	vst v63  }
0x1fb: {  	_ =	swait.ge [sflag:s23], $0xC800  }
0x1fc: {  	[sflag:s23] =	ssyncset.done $0x0  }
0x1fd: {  	s21 =	simm.s32 $0x0;
	[sflag:s23] =	ssyncadd.s32 $0xFFFF3800  }
.LBB2_23:
0x1fe: {  	_ =	sdelay $0x2  }
0x1ff: {  	v9 =	vand.u32 $0x38, v7;
	v6 =	vor.u32 v3, v6  }
0x200: {  	v8 =	vld.idx.msk [tilespmem:v8+s2+$0x0], $0xffff;
	v63 =	vand.u32 $0x7, v7;
	v4 =	vor.u32 v4, v9;
	v5 =	vor.u32 v5, v6  }
0x201: {  	v4 =	vor.u32 v63, v4;
	_ =	sdelay $0x3  }
0x202: {  	v3 =	vor.u32 v3, v9;
	[tilespmem:v5+s19+$0x0] =	vst.idx.msk vm0, v8  }
0x203: {  	v3 =	vor.u32 v63, v3;
	v4 =	vld.idx.msk [tilespmem:v4+s2+$0x0], $0xffff;
	_ =	sdelay $0x4  }
0x204: {  	[tilespmem:v3+s19+$0x0] =	vst.idx.msk vm0, v4  }
.LBB2_24:
0x205: {  	s21 =	sadd.s32 $0x1, s21  }
0x206: {  	p0 =	sne.s32 s21, $0x32  }
.Ltmp17:
0x207: {  	_ = 	snop;
	(pc) =	sbr.rel @!p0 .LBB2_25-.Ltmp17, $1  }
0x208: {  	_ =	sdelay $0x3  }
.LBB2_20:
0x209: {  	s28 =	sshll.u32 s21, $0x4  }
0x20a: {  	v7 =	vld [tilespmem:s28+$0x2D40];
	_ =	sdelay $0x4  }
0x20b: {  	v3 =	vxor.u32 $0x80000000, v7  }
0x20c: {  	(xrf0) =	vmax.scan.msk.u32 $0xffff, v3;
	_ =	sdelay $0x5  }
0x20d: {  	v3, _, _ =	vpop (xrf0)  }
0x20e: {  	(v2sf) =	vpush v3, $0xF;
	_ =	sdelay $0xe  }
0x20f: {  	s29 =	spop (v2sf)  }
0x210: {  	p0 =	slt.u32 s29, $0x800186A0  }
.Ltmp18:
0x211: {  	_ = 	snop;
	(pc) =	sbr.rel @p0 .LBB2_24-.Ltmp18, $1  }
0x212: {  	_ =	sdelay $0x3  }
0x213: {  	v3 =	vadd.s32 $0xFFFE7960, v7  }
0x214: {  	vm0 =	vgt.s32 v3, $0x0  }
0x215: {  	s29 =	simm.s32 $0x0;
	v3 =	vnsel vm0, $0x0, v3  }
0x216: {  	v4 =	vmov s28;
	v5 =	vmov s29;
	v3 =	vmin.u32 v3, $0x7F  }
0x217: {  	v8 =	vshll.u32 v4, $0x6;
	v6 =	vand.u32 $0x38, v5;
	v4 =	vshll.u32 v3, $0x6  }
0x218: {  	v5 =	vand.u32 $0x7, v5;
	v3 =	vor.u32 v2, v8;
	v8 =	vor.u32 v4, v6  }
0x219: {  	v8 =	vor.u32 v5, v8;
	_ =	sdelay $0x2  }
0x21a: {  	s28 =	simm.s32 $0x1  }
0x21b: {  	vm0 =	vgt.s32 v7, $0x1869F;
	v7 =	vmov s28;
	s28 =	simm.s32 $0x2  }
.LBB2_22:
0x21c: {  	p0 =	sne.s32 s28, $0x3F;
	v9 =	vld.idx.msk [tilespmem:v8+s2+$0x0], $0xffff;
	v8 =	vor.u32 v3, v6;
	v6 =	vand.u32 $0x38, v7  }
0x21d: {  	v10 =	vor.u32 v4, v6;
	v11 =	vor.u32 v5, v8;
	v5 =	vand.u32 $0x7, v7  }
.Ltmp19:
0x21e: {  	v8 =	vor.u32 v5, v10;
	(pc) =	sbr.rel @p0 .LBB2_22-.Ltmp19, $2  }
0x21f: {  	_ =	sdelay $0x2  }
0x220: {  	v7 =	vmov s28;
	s28 =	sadd.s32 $0x1, s28;
	[tilespmem:v11+s19+$0x0] =	vst.idx.msk vm0, v9  }
.Ltmp20:
0x221: {  	_ = 	snop;
	(pc) =	sbr.rel .LBB2_23-.Ltmp20, $1  }
0x222: {  	_ =	sdelay $0x3  }
.LBB2_26:
.Ltmp21:
0x223: {  	(pc) =	sbr.rel .LBB2_27-.Ltmp21, $4  }
0x224: {  	_ = 	snop  }
0x225: {  	_ =	swait.ge [sflag:s8], $0xC800  }
0x226: {  	[sflag:s8] =	ssyncset.done $0x0  }
0x227: {  	s18 =	simm.s32 $0x0;
	[sflag:s8] =	ssyncadd.s32 $0xFFFF3800  }
.LBB2_31:
0x228: {  	s18 =	sadd.s32 $0x1, s18  }
0x229: {  	p0 =	sne.s32 s18, $0x32  }
.Ltmp22:
0x22a: {  	_ = 	snop;
	(pc) =	sbr.rel @!p0 .LBB2_32-.Ltmp22, $1  }
0x22b: {  	_ =	sdelay $0x3  }
.LBB2_27:
0x22c: {  	s21 =	sshll.u32 s18, $0x4  }
0x22d: {  	v7 =	vld [tilespmem:s21+$0x3060];
	_ =	sdelay $0x4  }
0x22e: {  	v3 =	vxor.u32 $0x80000000, v7  }
0x22f: {  	(xrf0) =	vmax.scan.msk.u32 $0xffff, v3;
	_ =	sdelay $0x5  }
0x230: {  	v3, _, _ =	vpop (xrf0)  }
0x231: {  	(v2sf) =	vpush v3, $0xF;
	_ =	sdelay $0xe  }
0x232: {  	s26 =	spop (v2sf)  }
0x233: {  	p0 =	slt.u32 s26, $0x800186A0  }
.Ltmp23:
0x234: {  	_ = 	snop;
	(pc) =	sbr.rel @p0 .LBB2_31-.Ltmp23, $1  }
0x235: {  	_ =	sdelay $0x3  }
0x236: {  	v3 =	vadd.s32 $0xFFFE7960, v7  }
0x237: {  	vm0 =	vgt.s32 v3, $0x0  }
0x238: {  	s26 =	simm.s32 $0x0;
	v3 =	vnsel vm0, $0x0, v3  }
0x239: {  	v4 =	vmov s21;
	v5 =	vmov s26;
	v3 =	vmin.u32 v3, $0x7F  }
0x23a: {  	v8 =	vshll.u32 v4, $0x6;
	v6 =	vand.u32 $0x38, v5;
	v4 =	vshll.u32 v3, $0x6  }
0x23b: {  	v5 =	vand.u32 $0x7, v5;
	v3 =	vor.u32 v2, v8;
	v8 =	vor.u32 v4, v6  }
0x23c: {  	v8 =	vor.u32 v5, v8;
	_ =	sdelay $0x2  }
0x23d: {  	s31 =	simm.s32 $0x1  }
0x23e: {  	s21 =	simm.s32 $0x2;
	vm0 =	vgt.s32 v7, $0x1869F;
	v7 =	vmov s31  }
.LBB2_29:
0x23f: {  	p0 =	sne.s32 s21, $0x3F;
	v9 =	vld.idx.msk [tilespmem:v8+s2+$0x0], $0xffff;
	v8 =	vor.u32 v3, v6;
	v6 =	vand.u32 $0x38, v7  }
0x240: {  	v10 =	vor.u32 v4, v6;
	v11 =	vor.u32 v5, v8;
	v5 =	vand.u32 $0x7, v7  }
.Ltmp24:
0x241: {  	v8 =	vor.u32 v5, v10;
	(pc) =	sbr.rel @p0 .LBB2_29-.Ltmp24, $2  }
0x242: {  	_ =	sdelay $0x2  }
0x243: {  	v7 =	vmov s21;
	s21 =	sadd.s32 $0x1, s21;
	[tilespmem:v11+s22+$0x0] =	vst.idx.msk vm0, v9  }
0x244: {  	_ =	sdelay $0x2  }
0x245: {  	v9 =	vand.u32 $0x38, v7;
	v6 =	vor.u32 v3, v6  }
0x246: {  	v8 =	vld.idx.msk [tilespmem:v8+s2+$0x0], $0xffff;
	v63 =	vand.u32 $0x7, v7;
	v4 =	vor.u32 v4, v9;
	v5 =	vor.u32 v5, v6  }
0x247: {  	v4 =	vor.u32 v63, v4;
	_ =	sdelay $0x3  }
0x248: {  	v3 =	vor.u32 v3, v9;
	[tilespmem:v5+s22+$0x0] =	vst.idx.msk vm0, v8  }
0x249: {  	v3 =	vor.u32 v63, v3;
	v4 =	vld.idx.msk [tilespmem:v4+s2+$0x0], $0xffff  }
.Ltmp25:
0x24a: {  	_ = 	snop;
	(pc) =	sbr.rel .LBB2_31-.Ltmp25, $2  }
0x24b: {  	_ =	sdelay $0x2  }
0x24c: {  	[tilespmem:v3+s22+$0x0] =	vst.idx.msk vm0, v4  }
.LBB2_33:
0x24d: {  	_ =	sfence.sel $0x180000  }
0x24e: {  	[bflag:$0x0] =	sbarrier.arrive $0xFFFF  }
0x24f: {  	_ =	strace $0x90000047  }
0x250: {  	s0 =	stileid.u32;
	[bflag:$0x2] =	sbarrier.arrive $0xFFFF  }
0x251: {  	p0 =	sne.s32 s0, $0x0;
	s0 =	rddreg [dreg:$0x1]  }
0x252: {  	s0 =	sadd.s32 @!p0 $0x100000, s0  }
0x253: {  	[sflag:s0] =	ssyncadd.tile.s32 @!p0 $0x1;
	_ =	shalt  }
.Lfunc_end2:
_tile_overlayer_lowered:
.L_overlay_start_2:
0x254: {  	(tag) =	ssettag $0x2  }
0x255: {  	s0 =	rddreg [dreg:$0x0];
	s2 =	stileid.u32  }
0x256: {  	s1 =	rddreg [dreg:$0x1];
	p0 =	sne.s32 s2, $0x0  }
0x257: {  	s3 =	rddreg [dreg:$0x2];
	[bflag:$0x3] =	sbarrier.arrive $0xFFFF;
	s2 =	simm.s32 @!p0 $0x1C07  }
0x258: {  	[timem:s3], [sflag:s2] =	dma.local @!p0 [hbm:s0], s1  }
0x259: {  	s0 =	simm.s32 @!p0 $0x7  }
0x25a: {  	_ =	swait.ge @!p0 [sflag:s0], s1  }
0x25b: {  	s1 =	ssub.s32 @!p0 $0x0, s1;
	[sflag:s0] =	ssyncset.done @!p0 $0x0  }
0x25c: {  	[sflag:s0] =	ssyncadd.s32 @!p0 s1  }
0x25d: {  	[bflag:$0x3] =	sbarrier.arrive $0xFFFF  }
0x25e: {  	_ =	shalt  }

// kernel: sparse-core-data-format-call.cloned.1.call-start
scs
called_computation_lowered:
.L_overlay_start_0:
0x0: {  	s2 =	sld [smem:$0x3FD9]  }
0x1: {  	s3 =	sld [smem:$0x3FFE];
	_ =	sdelay $0x1  }
0x2: {  	s1 =	srdreg.scid  }
0x3: {  	s0 =	sand.u32 $0x1, s1  }
0x4: {  	s18 =	sshll.u32 s0, $0xA;
	s2 =	sadd.s32 s3, s2  }
0x5: {  	s2 =	sadd.s32 s2, s18  }
0x6: {  	[smem:$0x3FC5] =	sst s2  }
0x7: {  	_ = 	snop  }
0x8: {  	s2 =	sld [smem:$0x3FD0];
	(tm) =	ssettm $0x1  }
0x9: {  	s19 =	sld [smem:$0x3FFB];
	_ =	sdelay $0x3  }
0xa: {  	_ =	strace s19  }
0xb: {  	s3 =	sld [smem:$0x3FFC];
	_ =	sdelay $0x3  }
0xc: {  	_ =	strace s3  }
0xd: {  	s3 =	sld [smem:$0x3FFD];
	_ =	sdelay $0x3  }
0xe: {  	_ =	strace s3  }
0xf: {  	_ =	strace $0x8FFFFFFF  }
0x10: {  	s20 =	sld [smem:$0x3FDB];
	_ =	sdelay $0x1  }
0x11: {  	s4 =	simm.s32 $_scs_section_size  }
0x12: {  	s5 =	simm.s32 $_size__tile_overlayer_lowered;
	s6 =	simm.s32 $_tile_overlayer_lowered  }
0x13: {  	s23 =	simm.s32 $0x1BFF;
	s22 =	sshll.u32 s6, $0x1;
	s3 =	sadd.s32 s4, s20  }
0x14: {  	s7 =	simm.s32 $0x0;
	s21 =	sshll.u32 s5, $0x1;
	s5 =	sadd.s32 s22, s3  }
0x15: {  	[timem:s7], [sflag:s23] =	dma.local [hbm:s5], s21  }
0x16: {  	_ =	swait.ge [sflag:s23], s21  }
0x17: {  	s4 =	ssub.s32 $0x0, s21;
	[sflag:s23] =	ssyncset.done $0x0  }
0x18: {  	[sflag:s23] =	ssyncadd.s32 s4;
	_ =	sdelay $0x1  }
0x19: {  	s24 =	simm.s32 $0x1B8B  }
0x1a: {  	_ =	swait.ge [sflag:s24], $0x1  }
0x1b: {  	[sflag:s24] =	ssyncset.done $0x0  }
0x1c: {  	s26 =	simm.s32 $0x1B8E;
	s25 =	sld [smem:$0x3FFE];
	[sflag:s24] =	ssyncadd.s32 $0xFFFFFFFF  }
0x1d: {  	s27 =	simm.s32 $execute0_lowered;
	[smem:$0x3FD2] =	sst s26  }
0x1e: {  	s5 =	sshll.u32 s27, $0x1;
	_ =	strace $0x80000049;
	[dreg:$0x1] =	wrdreg $0xFFFFFFFF  }
0x1f: {  	s28 =	simm.s32 $_size_execute0_lowered;
	s3 =	sadd.s32 s3, s5;
	[dreg:$0x0] =	wrdreg $0x0  }
0x20: {  	s5 =	sshll.u32 s28, $0x1;
	[dreg:$0x2] =	wrdreg s3  }
0x21: {  	[dreg:$0x3] =	wrdreg s5  }
0x22: {  	[dreg:$0x4] =	wrdreg $0xC0  }
0x23: {  	_ =	task [dreg:s7], $0x5FFFF  }
0x24: {  	[dreg:$0x1] =	wrdreg $0xFFFFFFFF  }
0x25: {  	[dreg:$0x0] =	wrdreg $0x60  }
0x26: {  	[dreg:$0x2] =	wrdreg s25  }
0x27: {  	[dreg:$0x3] =	wrdreg s2  }
0x28: {  	[dreg:$0x4] =	wrdreg $0x9  }
0x29: {  	_ =	task.clear_ibuf [dreg:s7], $0x5FFFF;
	_ =	strace $0x90000049  }
0x2a: {  	s29 =	simm.s32 $0x9;
	_ =	strace $0x8000004B  }
0x2b: {  	_ =	swait.ge [sflag:s29], $0x1  }
0x2c: {  	[sflag:s29] =	ssyncadd.s32 $0xFFFFFFFF  }
0x2d: {  	_ =	strace $0x9000004B  }
0x2e: {  	_ =	sfence  }
0x2f: {  	s30 =	sld [smem:$0x0];
	_ =	sdelay $0x2  }
0x30: {  	s31 =	sshll.u32 s1, $0xD;
	s1 =	sshrl.u32 s1, $0x2  }
0x31: {  	s3 =	sand.u32 $0x4000, s31;
	s1 =	sadd.s32 s1, s30  }
0x32: {  	s0 =	sor.u32 s3, s0;
	s1 =	sshll.u32 s1, $0x11  }
0x33: {  	s0 =	sor.u32 s1, s0  }
0x34: {  	s0 =	sadd.s32 $0x8F2B, s0  }
0x35: {  	[sflag:s0] =	ssyncadd.remote.s32 $0x1  }
0x36: {  	_ =	sfence.sel $0xFFFF  }
0x37: {  	[dreg:$0x0] =	wrdreg $0xFFFFFFFF;
	(pc) =	sbr.abs _section_cstart, $3  }
0x38: {  	[dreg:$0x1] =	wrdreg $0xFFFFFFFF  }
0x39: {  	_ =	task.clear_ibuf [dreg:s7], $0x2FFFF;
	_ =	strace $0x9FFFFFFF  }
0x3a: {  	(tm) =	ssettm $0x7FFFFFFF  }
0x3b: {  	_ =	shalt  }
tec
execute0_lowered:
.L_overlay_start_1:
0x0: {  	(tag) =	ssettag $0x1  }
0x1: {  	s0 =	srdreg.scid  }
0x2: {  	s1 =	sshll.u32 s0, $0x4  }
0x3: {  	s0 =	stileid.u32;
	s1 =	sand.u32 $0x10, s1  }
0x4: {  	s1 =	sor.u32 s0, s1  }
0x5: {  	s6 =	rddreg [dreg:$0x0];
	s4 =	simm.s32 $0x1;
	s2 =	sshll.u32 s1, $0x7  }
0x6: {  	s7 =	simm.s32 $0x2;
	s12 =	simm.s32 $0x0;
	s1 =	ssub.s32 $0x4000, s2  }
0x7: {  	s8 =	simm.s32 $0x20000;
	s13 =	simm.s32 $0x0;
	s3 =	sand.u32 $0xF80, s1  }
0x8: {  	s9 =	simm.s32 $0x0;
	s5 =	sshrl.u32 s1, $0xC;
	p0 =	sne.s32 s3, $0x0  }
.Ltmp0:
0x9: {  	s1 =	rddreg [dreg:$0x2];
	s4 =	simm.s32 @!p0 $0x0;
	(pc) =	sbr.rel .LBB1_1-.Ltmp0, $4  }
0xa: {  	s11 =	simm.s32 $0x0;
	s3 =	rddreg [dreg:$0x1];
	s5 =	sadd.s32 s4, s5  }
0xb: {  	_ =	strace $0x8000004A;
	s4 =	simm.s32 $0x1;
	s5 =	smul.u32 $0x32, s5  }
0xc: {  	s6 =	sadd.s32 $0xE0200, s6;
	s10 =	smov.u32 s2;
	[sflag:s4] =	ssyncpa.u1 $0x0  }
0xd: {  	p0 =	por $0x0, $0x0;
	[sflag:s7] =	ssyncpa.u1 $0x0;
	s7 =	sor.u32 $0x1, s5  }
.LBB1_4:
0xe: {  	s16 =	sshll.u32 s13, $0x3;
	s17 =	sand.u32 $0x78, s13  }
0xf: {  	s30 =	sand.u32 $0x1F800, s13;
	s12 =	sshll.u32 s12, $0x11;
	s16 =	sand.u32 $0x3C00, s16  }
0x10: {  	[tilespmem:s15+$0x810 ss:$0x81] =	vst.msk $0xffff, v2;
	s31 =	sand.u32 $0x7, s13;
	s16 =	sor.u32 s17, s16;
	s17 =	sadd.s32 s3, s30  }
0x11: {  	[tilespmem:s15+$0x1020 ss:$0x81] =	vst.msk $0xffff, v0;
	s13 =	sshll.u32 s31, $0x12;
	s12 =	sadd.s32 s12, s17;
	s16 =	sshrl.u32 s16, $0x3  }
0x12: {  	[tilespmem:s15+$0x0 ss:$0x81] =	vst.msk $0xffff, v1;
	s13 =	sor.u32 $0x400, s13;
	s12 =	sadd.s32 s16, s12  }
0x13: {  	[hbm4b:s12+s13] =	stream.strided.scatter [tilespmem:s14], [sflag:$0x2], $0x2000, s8, s13, $0x20;
	[tilespmem:$0x8080] =	vst v63  }
.LBB1_5:
0x14: {  	s14 =	sadd.s32 $0x1, s9  }
0x15: {  	s12 =	sadd.s32 $0x1000, s10;
	s16 =	smov.u32 s10;
	p2 =	sgt.s32 s14, $0x31  }
0x16: {  	s16 =	smov.u32 @p2 s12  }
0x17: {  	s14 =	simm.s32 @p2 $0x0;
	p2 =	sgt.s32 s16, $0x3FFF  }
0x18: {  	s16 =	smov.u32 @p2 s2;
	p2 =	sne.s32 s11, s7  }
.Ltmp1:
0x19: {  	p1 =	slt.u32 s11, $0x2;
	(pc) =	sbr.rel @!p2 .LBB1_6-.Ltmp1, $4  }
0x1a: {  	s15 =	simm.s32 @!p1 $0x2  }
0x1b: {  	s13 =	smov.u32 s10;
	p0 =	por !p0, !p0;
	_ =	swait.ge @!p1 [sflag:s15], $0x2000  }
0x1c: {  	s12 =	smov.u32 s9;
	[sflag:s15] =	ssyncset.done @!p1 $0x0;
	s9 =	smov.u32 s14  }
0x1d: {  	s11 =	sadd.s32 $0x1, s11;
	[sflag:s15] =	ssyncadd.s32 @!p1 $0xFFFFE000;
	s10 =	smov.u32 s16  }
.LBB1_1:
0x1e: {  	p1 =	sge.u32 s11, s5  }
0x1f: {  	s14 =	sand.u32 @!p1 $0x1FFFFFF, s9  }
0x20: {  	s15 =	smulhi.u32 @!p1 $0x4924925, s14;
	_ =	sdelay $0x1  }
0x21: {  	s15 =	smul.u32 @!p1 $0x38, s15  }
0x22: {  	s16 =	sxor.u32 @!p1 $0xFFFFFFFF, s11;
	s17 =	smul.u32 @!p1 $0x380, s10  }
0x23: {  	s31 =	sadd.s32 $0xFFFFFFFF, s11;
	s16 =	sshll.u32 @!p1 s16, $0xD;
	s14 =	ssub.s32 @!p1 s14, s15  }
0x24: {  	s15 =	sand.u32 @!p1 $0x2000, s16;
	s16 =	sadd.s32 @!p1 s6, s17;
	s14 =	sshll.u32 @!p1 s14, $0x4  }
0x25: {  	s17 =	simm.s32 @!p1 $0x1C00;
	s14 =	sadd.s32 @!p1 s14, s16;
	s16 =	simm.s32 @!p1 $0x40  }
0x26: {  	[tilespmem:s15], [sflag:$0x1] =	stream.strided.gather @!p1 [hbm4b:s14+s16], $0x2000, s17, s16, $0x38;
	[tilespmem:$0x8080] =	vst v63  }
0x27: {  	p1 =	sge.u32 s31, s5  }
.Ltmp2:
0x28: {  	_ = 	snop;
	(pc) =	sbr.rel @p1 .LBB1_5-.Ltmp2, $1  }
0x29: {  	_ =	sdelay $0x3  }
0x2a: {  	s14 =	simm.s32 $0x1  }
0x2b: {  	_ =	swait.ge [sflag:s4], $0x2000;
	s14 =	simm.s32 @!p0 $0x0  }
0x2c: {  	[sflag:s4] =	ssyncset.done $0x0;
	s15 =	sshll.u32 s14, $0xD  }
0x2d: {  	[sflag:s4] =	ssyncadd.s32 $0xFFFFE000;
	s18 =	sor.u32 $0x20, s15  }
0x2e: {  	s14 =	smul.u32 $0x8100, s14;
	v3 =	vld [tilespmem:s18+$0x10]  }
0x2f: {  	s30 =	sand.u32 $0x1, s11;
	v2 =	vld [tilespmem:s18+$0xFFFFFFF0]  }
0x30: {  	s15 =	smul.u32 $0x8100, s30;
	s14 =	sshrl.u32 s14, $0x2;
	v0 =	vld [tilespmem:s18+$0x0]  }
0x31: {  	v1 =	vld [tilespmem:s18+$0xFFFFFFE0];
	s16 =	sor.u32 $0x4000, s14  }
0x32: {  	s31 =	sshrl.u32 s15, $0x2;
	s15 =	sadd.s32 $0x0, s16  }
0x33: {  	s17 =	simm.s32 $0x4;
	s18 =	sadd.s32 $0x40, s18;
	s14 =	sor.u32 $0x4000, s31;
	[tilespmem:s15+$0x1830 ss:$0x81] =	vst.msk $0xffff, v3  }
.LBB1_3:
0x34: {  	v3 =	vld [tilespmem:s18+$0x10];
	p1 =	sne.s32 s17, $0x1FC;
	[tilespmem:s15+$0x810 ss:$0x81] =	vst.msk $0xffff, v2;
	s19 =	smov.u32 s17;
	s17 =	sadd.s32 $0x4, s17  }
.Ltmp3:
0x35: {  	v2 =	vld [tilespmem:s18+$0xFFFFFFF0];
	[tilespmem:s15+$0x1020 ss:$0x81] =	vst.msk $0xffff, v0;
	(pc) =	sbr.rel @p1 .LBB1_3-.Ltmp3, $4  }
0x36: {  	v0 =	vld [tilespmem:s18+$0x0];
	[tilespmem:s15+$0x0 ss:$0x81] =	vst.msk $0xffff, v1  }
0x37: {  	s15 =	sshra.s32 s19, $0x2;
	v1 =	vld [tilespmem:s18+$0xFFFFFFE0]  }
0x38: {  	s15 =	sadd.s32 s15, s16  }
0x39: {  	s18 =	sadd.s32 $0x40, s18;
	[tilespmem:s15+$0x1830 ss:$0x81] =	vst.msk $0xffff, v3  }
.Ltmp4:
0x3a: {  	_ = 	snop;
	(pc) =	sbr.rel .LBB1_4-.Ltmp4, $1  }
0x3b: {  	_ =	sdelay $0x3  }
.LBB1_6:
0x3c: {  	_ =	sfence.sel $0x180000  }
0x3d: {  	s2 =	simm.s32 $0x1;
	[bflag:$0x0] =	sbarrier.arrive $0xFFFF  }
0x3e: {  	s31 =	simm.s32 $0x2;
	[sflag:s2] =	ssyncpa.u1 $0x1  }
0x3f: {  	[sflag:s31] =	ssyncpa.u1 $0x1  }
0x40: {  	p0 =	sne.s32 s0, $0x0;
	_ =	strace $0x9000004A  }
0x41: {  	s0 =	sadd.s32 @!p0 $0x100000, s1;
	[bflag:$0x2] =	sbarrier.arrive $0xFFFF  }
0x42: {  	[sflag:s0] =	ssyncadd.tile.s32 @!p0 $0x1;
	_ =	shalt  }
.Lfunc_end1:
_tile_overlayer_lowered:
.L_overlay_start_2:
0x43: {  	(tag) =	ssettag $0x2  }
0x44: {  	s0 =	rddreg [dreg:$0x0];
	s2 =	stileid.u32  }
0x45: {  	s1 =	rddreg [dreg:$0x1];
	p0 =	sne.s32 s2, $0x0  }
0x46: {  	s3 =	rddreg [dreg:$0x2];
	[bflag:$0x3] =	sbarrier.arrive $0xFFFF;
	s2 =	simm.s32 @!p0 $0x1C01  }
0x47: {  	[timem:s3], [sflag:s2] =	dma.local @!p0 [hbm:s0], s1  }
0x48: {  	s0 =	simm.s32 @!p0 $0x1  }
0x49: {  	_ =	swait.ge @!p0 [sflag:s0], s1  }
0x4a: {  	s1 =	ssub.s32 @!p0 $0x0, s1;
	[sflag:s0] =	ssyncset.done @!p0 $0x0  }
0x4b: {  	[sflag:s0] =	ssyncadd.s32 @!p0 s1  }
0x4c: {  	[bflag:$0x3] =	sbarrier.arrive $0xFFFF  }
0x4d: {  	_ =	shalt  }

</sc_bundles>
